<compile_context>
chip_gen: v7x
topology: tpu7x:2x2x1
jax: 0.10.2.dev20260603
libtpu: 0.0.44.dev20260713+nightly
codegen_flags: <defaults>
</compile_context>

<pallas_src>
import functools

import jax
import jax.numpy as jnp
from jax import lax
from jax.experimental import pallas as pl
from jax.experimental.pallas import tpu as pltpu
from jax.experimental.pallas import tpu_sc as plsc

NC = 2
NS = 16
L = 16
G = 64



def _proj2(x, Wl, Wr):
    n, d = x.shape
    h = Wl.shape[1]

    def body(x_ref, wl_ref, wr_ref, ol_ref, or_ref):
        xb = x_ref[...]
        ol_ref[...] = jnp.dot(xb, wl_ref[...], preferred_element_type=jnp.float32)
        or_ref[...] = jnp.dot(xb, wr_ref[...], preferred_element_type=jnp.float32)

    return pl.pallas_call(
        body,
        out_shape=(jax.ShapeDtypeStruct((n, h), jnp.float32),
                   jax.ShapeDtypeStruct((n, h), jnp.float32)),
    )(x, Wl, Wr)


def _norm_proj2(acc, den, b, Wl, Wr):
    _, n, hdim = acc.shape
    hout = Wl.shape[1]

    def body(acc_ref, den_ref, b_ref, wl_ref, wr_ref, ol_ref, or_ref):
        a = acc_ref[0] + acc_ref[1]
        dsum = den_ref[0] + den_ref[1]
        hval = jnp.maximum(a / (dsum + 1e-16) + b_ref[...], 0.0)
        ol_ref[...] = jnp.dot(hval, wl_ref[...], preferred_element_type=jnp.float32)
        or_ref[...] = jnp.dot(hval, wr_ref[...], preferred_element_type=jnp.float32)

    return pl.pallas_call(
        body,
        out_shape=(jax.ShapeDtypeStruct((n, hout), jnp.float32),
                   jax.ShapeDtypeStruct((n, hout), jnp.float32)),
    )(acc, den, b, Wl, Wr)


def _final(acc, den, b, batch2d, Wlin, blin):
    _, n, hdim = acc.shape
    o = Wlin.shape[1]

    def body(acc_ref, den_ref, b_ref, batch_ref, wlin_ref, blin_ref, out_ref):
        a = acc_ref[0] + acc_ref[1]
        dsum = den_ref[0] + den_ref[1]
        hval = jnp.maximum(a / (dsum + 1e-16) + b_ref[...], 0.0)
        bt = batch_ref[...]
        gi = lax.broadcasted_iota(jnp.int32, (G, n), 0)
        oh = (gi == bt).astype(jnp.float32)
        sums = jnp.dot(oh, hval, preferred_element_type=jnp.float32)
        cnt = jnp.sum(oh, axis=1, keepdims=True)
        pooled = sums / jnp.maximum(cnt, 1.0)
        out_ref[...] = jnp.dot(pooled, wlin_ref[...],
                               preferred_element_type=jnp.float32) + blin_ref[...]

    return pl.pallas_call(
        body,
        out_shape=jax.ShapeDtypeStruct((G, o), jnp.float32),
    )(acc, den, b, batch2d, Wlin, blin)



def _edge_pass(xl, xr, src2d, dst2d, ew2d, We, att, e_real):
    n, hdim = xl.shape
    rows = ew2d.shape[0]
    nw = NC * NS
    rpw = rows // nw
    IB = 8
    nblk = rpw // IB
    rps = (n // NS + 7) // 8 * 8
    npa = rps * NS
    dps = (rps + 127) // 128 * 128
    npd = dps * NS
    ng = 128 // L

    mesh = plsc.VectorSubcoreMesh(core_axis_name="c", subcore_axis_name="s",
                                  num_cores=NC, num_subcores=NS)

    @functools.partial(
        pl.kernel,
        out_type=(jax.ShapeDtypeStruct((NC, npa, hdim), jnp.float32),
                  jax.ShapeDtypeStruct((NC * npd,), jnp.float32)),
        mesh=mesh,
        compiler_params=pltpu.CompilerParams(needs_layout_passes=False),
        scratch_types=[
            pltpu.VMEM_SHARED((npa, hdim), jnp.float32),
            pltpu.VMEM_SHARED((npd,), jnp.float32),
            pltpu.VMEM((2 * IB, 64), jnp.int32),
            pltpu.VMEM((2 * IB, 64), jnp.int32),
            pltpu.VMEM((IB, 128), jnp.float32),
            pltpu.VMEM((1, hdim), jnp.float32),
            pltpu.VMEM((1, hdim), jnp.float32),
            pltpu.VMEM((128, hdim), jnp.float32),
            pltpu.VMEM((128, hdim), jnp.float32),
            pltpu.VMEM((1, 64), jnp.float32),
            pltpu.VMEM((IB, hdim), jnp.float32),
            pltpu.SemaphoreType.DMA,
        ],
    )
    def k(xl_hbm, xr_hbm, src_hbm, dst_hbm, ew_hbm, we_hbm, att_hbm,
          acc_out, den_out,
          acc_sh, den_sh, srcv, dstv, ewv, wev, attv, xlr, xrr, exv, zbuf, sem):
        cid = lax.axis_index("c")
        sid = lax.axis_index("s")

        pltpu.sync_copy(we_hbm, wev)
        pltpu.sync_copy(att_hbm, attv)

        zero16 = jnp.zeros((L,), jnp.float32)

        def zstore(i, _):
            r = i // (hdim // L)
            c16 = (i % (hdim // L)) * L
            zbuf[r, pl.ds(c16, L)] = zero16
            return 0
        lax.fori_loop(0, IB * (hdim // L), zstore, 0)

        def zacc(t, _):
            pltpu.sync_copy(zbuf, acc_sh.at[pl.ds(sid * rps + t * IB, IB)])
            return 0
        lax.fori_loop(0, rps // IB, zacc, 0)
        for t in range(dps // 128):
            pltpu.sync_copy(
                zbuf.at[0], den_sh.at[pl.ds(sid * dps + t * 128, 128)])
        plsc.subcore_barrier()

        w = sid * NC + cid
        r0w = w * rpw
        iot = lax.broadcasted_iota(jnp.int32, (L,), 0)
        siot = iot
        zidx = jnp.zeros((L,), jnp.int32)
        kmask = hdim - 1
        HE = 64
        nhg = HE // L

        def blk_body(ib, _):
            rb = r0w + ib * IB
            pltpu.sync_copy(src_hbm.at[pl.ds(rb * 2, IB * 2)], srcv)
            pltpu.sync_copy(dst_hbm.at[pl.ds(rb * 2, IB * 2)], dstv)
            pltpu.sync_copy(ew_hbm.at[pl.ds(rb, IB)], ewv)

            def issue(t, slot):
                for q in range(2):
                    pltpu.async_copy(
                        xl_hbm.at[srcv.at[t, pl.ds(q * 32, 32)]],
                        xlr.at[pl.ds(slot * HE + q * 32, 32)], sem)
                    pltpu.async_copy(
                        xr_hbm.at[dstv.at[t, pl.ds(q * 32, 32)]],
                        xrr.at[pl.ds(slot * HE + q * 32, 32)], sem)

            issue(0, 0)

            def half_body(t, _):
                h = t % 2

                @pl.when(t < 2 * IB - 1)
                def _prefetch():
                    issue(t + 1, 1 - h)

                for q in range(2):
                    pltpu.make_async_copy(
                        xl_hbm.at[srcv.at[t, pl.ds(q * 32, 32)]],
                        xlr.at[pl.ds(h * HE + q * 32, 32)], sem).wait()
                    pltpu.make_async_copy(
                        xr_hbm.at[dstv.at[t, pl.ds(q * 32, 32)]],
                        xrr.at[pl.ds(h * HE + q * 32, 32)], sem).wait()

                j = t // 2
                ewg = [ewv[j, pl.ds(h * HE + g * L, L)] for g in range(nhg)]
                base = h * HE

                def kbody(kk, accs):
                    kvec = (jnp.full((L,), kk, jnp.int32) + siot) & kmask
                    wk = plsc.load_gather(wev, [zidx, kvec])
                    ak = plsc.load_gather(attv, [zidx, kvec])
                    out = []
                    for g in range(nhg):
                        eid = iot + (base + g * L)
                        xlg = plsc.load_gather(xlr, [eid, kvec])
                        xrg = plsc.load_gather(xrr, [eid, kvec])
                        m = xlg + xrg + ewg[g] * wk
                        lr = jnp.maximum(m, m * 0.2)
                        out.append(accs[g] + lr * ak)
                    return out

                accs = lax.fori_loop(
                    0, hdim, kbody, [jnp.zeros((L,), jnp.float32)] * nhg)
                ebase = (rb + j) * 128 + h * HE
                exps = [jnp.where(ebase + (g * L) + iot < e_real,
                                  jnp.exp(accs[g]), 0.0)
                        for g in range(nhg)]
                for g in range(nhg):
                    exv[0, pl.ds(g * L, L)] = exps[g]

                def sbody(kk, _):
                    kvec = (jnp.full((L,), kk, jnp.int32) + siot) & kmask
                    for g in range(nhg):
                        eid = iot + (base + g * L)
                        v = plsc.load_gather(xlr, [eid, kvec])
                        plsc.store_scatter(xlr, [eid, kvec], v * exps[g])
                    return 0
                lax.fori_loop(0, hdim, sbody, 0)

                pltpu.sync_copy(xlr.at[pl.ds(h * HE, HE)],
                                acc_sh.at[dstv.at[t]], add=True)
                pltpu.sync_copy(exv.at[0], den_sh.at[dstv.at[t]], add=True)
                return 0

            lax.fori_loop(0, 2 * IB, half_body, 0)
            return 0

        lax.fori_loop(0, nblk, blk_body, 0)
        plsc.subcore_barrier()

        pltpu.sync_copy(
            acc_sh.at[pl.ds(sid * rps, rps)],
            acc_out.at[cid, pl.ds(sid * rps, rps)])
        pltpu.sync_copy(
            den_sh.at[pl.ds(sid * dps, dps)],
            den_out.at[pl.ds(cid * npd + sid * dps, dps)])

    return k(xl, xr, src2d, dst2d, ew2d, We.reshape(1, -1), att.reshape(1, -1))



def kernel(x, edge_index, edge_weight, batch,
           Wl1, Wr1, We1, att1, b1, Wl2, Wr2, We2, att2, b2, Wlin, blin):
    n = x.shape[0]
    e = edge_weight.shape[0]
    rows = e // 128
    rows_pad = -(-rows // (8 * NC * NS)) * (8 * NC * NS)
    pad = rows_pad - rows
    src2d = jnp.pad(edge_index[0].reshape(rows, 128),
                    ((0, pad), (0, 0))).reshape(-1, 64)
    dst2d = jnp.pad(edge_index[1].reshape(rows, 128),
                    ((0, pad), (0, 0))).reshape(-1, 64)
    ew2d = jnp.pad(edge_weight.reshape(rows, 128), ((0, pad), (0, 0)))
    npd = ((((n // NS + 7) // 8 * 8) + 127) // 128 * 128) * NS
    batch2d = batch.reshape(1, n)
    b1r = b1.reshape(1, -1)
    b2r = b2.reshape(1, -1)
    blinr = blin.reshape(1, -1)

    xl1, xr1 = _proj2(x, Wl1, Wr1)
    acc1, den1 = _edge_pass(xl1, xr1, src2d, dst2d, ew2d, We1, att1, e)
    den1n = den1.reshape(NC, npd)[:, :n, None]
    xl2, xr2 = _norm_proj2(acc1[:, :n], den1n, b1r, Wl2, Wr2)
    acc2, den2 = _edge_pass(xl2, xr2, src2d, dst2d, ew2d, We2, att2, e)
    den2n = den2.reshape(NC, npd)[:, :n, None]
    return _final(acc2[:, :n], den2n, b2r, batch2d, Wlin, blinr)

# --- scband reference (transcript-rebuilt; emitter-appended) ---
"""Pipeline reference for scband-tgcn-28303834480676 (READ-ONLY COPY).

The authoritative reference and input builder live on the scoring server;
editing this copy changes nothing except your own understanding.
"""

import jax, jax.numpy as jnp
import numpy as np

N = 10000
E = 320000
D = 128
H = 128
O = 64
G = 64


def setup_inputs(seed: int = 0) -> dict:
    key = jax.random.key(seed)
    ks = jax.random.split(key, 24)
    x = jax.random.normal(ks[0], (N, D), dtype=jnp.float32)
    edge_index = jax.random.randint(ks[1], (2, E), 0, N, dtype=jnp.int32)
    edge_weight = jax.random.uniform(ks[2], (E,), dtype=jnp.float32)
    batch = jnp.sort(jax.random.randint(ks[3], (N,), 0, G, dtype=jnp.int32))
    s = 0.05
    params = dict(
        Wl1=jax.random.normal(ks[4], (D, H), dtype=jnp.float32) * s,
        Wr1=jax.random.normal(ks[5], (D, H), dtype=jnp.float32) * s,
        We1=jax.random.normal(ks[6], (H,), dtype=jnp.float32) * s,
        att1=jax.random.normal(ks[7], (H,), dtype=jnp.float32) * s,
        b1=jnp.zeros((H,), dtype=jnp.float32),
        Wl2=jax.random.normal(ks[8], (H, H), dtype=jnp.float32) * s,
        Wr2=jax.random.normal(ks[9], (H, H), dtype=jnp.float32) * s,
        We2=jax.random.normal(ks[10], (H,), dtype=jnp.float32) * s,
        att2=jax.random.normal(ks[11], (H,), dtype=jnp.float32) * s,
        b2=jnp.zeros((H,), dtype=jnp.float32),
        Wlin=jax.random.normal(ks[12], (H, O), dtype=jnp.float32) * s,
        blin=jnp.zeros((O,), dtype=jnp.float32),
    )
    return dict(x=x, edge_index=edge_index, edge_weight=edge_weight, batch=batch, **params)


def _gatv2_layer(x, edge_index, edge_weight, Wl, Wr, We, att, b):
    src = edge_index[0]
    dst = edge_index[1]
    xl = x @ Wl
    xr = x @ Wr
    # edge feature (dim 1) projected: ew[:,None] * We  (lin_edge)
    m = xl[src] + xr[dst] + edge_weight[:, None] * We[None, :]
    e = jnp.sum(jax.nn.leaky_relu(m, negative_slope=0.2) * att[None, :], axis=-1)
    # softmax over incoming edges of each destination node
    emax = jax.ops.segment_max(e, dst, num_segments=x.shape[0])
    emax = jnp.where(jnp.isfinite(emax), emax, 0.0)
    ex = jnp.exp(e - emax[dst])
    denom = jax.ops.segment_sum(ex, dst, num_segments=x.shape[0])
    alpha = ex / (denom[dst] + 1e-16)
    out = jax.ops.segment_sum(alpha[:, None] * xl[src], dst, num_segments=x.shape[0])
    return out + b[None, :]


def reference(x, edge_index, edge_weight, batch, Wl1, Wr1, We1, att1, b1, Wl2, Wr2, We2, att2, b2, Wlin, blin):
    h = _gatv2_layer(x, edge_index, edge_weight, Wl1, Wr1, We1, att1, b1)
    h = jax.nn.relu(h)
    h = _gatv2_layer(h, edge_index, edge_weight, Wl2, Wr2, We2, att2, b2)
    h = jax.nn.relu(h)
    # global mean pool over graphs
    sums = jax.ops.segment_sum(h, batch, num_segments=G)
    cnt = jax.ops.segment_sum(jnp.ones((h.shape[0],), dtype=jnp.float32), batch, num_segments=G)
    pooled = sums / jnp.maximum(cnt, 1.0)[:, None]
    return pooled @ Wlin + blin[None, :]

if __name__ == "__main__":
    import jax
    _d = setup_inputs()
    print(jax.jit(kernel)(*tuple(_d.values())))

</pallas_src>

<mosaic_0001>
#map = affine_map<(d0, d1) -> (0, 0)>
#map1 = affine_map<(d0, d1) -> (0, 0, 0)>
#map2 = affine_map<(d0, d1) -> (0)>
module attributes {stable_mosaic.version = 14 : i64} {
  func.func @k(%arg0: i32, %arg1: i32, %arg2: memref<10000x128xf32, #tpu.memory_space<hbm>>, %arg3: memref<10000x128xf32, #tpu.memory_space<hbm>>, %arg4: memref<5120x64xi32, #tpu.memory_space<hbm>>, %arg5: memref<5120x64xi32, #tpu.memory_space<hbm>>, %arg6: memref<2560x128xf32, #tpu.memory_space<hbm>>, %arg7: memref<1x128xf32, #tpu.memory_space<hbm>>, %arg8: memref<1x128xf32, #tpu.memory_space<hbm>>, %arg9: memref<2x10112x128xf32, #tpu.memory_space<hbm>>, %arg10: memref<20480xf32, #tpu.memory_space<hbm>>, %arg11: memref<10112x128xf32, #tpu.memory_space<vmem_shared>>, %arg12: memref<10240xf32, #tpu.memory_space<vmem_shared>>, %arg13: memref<16x64xi32, #tpu.memory_space<vmem>>, %arg14: memref<16x64xi32, #tpu.memory_space<vmem>>, %arg15: memref<8x128xf32, #tpu.memory_space<vmem>>, %arg16: memref<1x128xf32, #tpu.memory_space<vmem>>, %arg17: memref<1x128xf32, #tpu.memory_space<vmem>>, %arg18: memref<128x128xf32, #tpu.memory_space<vmem>>, %arg19: memref<128x128xf32, #tpu.memory_space<vmem>>, %arg20: memref<1x64xf32, #tpu.memory_space<vmem>>, %arg21: memref<8x128xf32, #tpu.memory_space<vmem>>, %arg22: memref<!tpu.dma_semaphore, #tpu.memory_space<semaphore_mem>>) attributes {dimension_semantics = [#tpu.dimension_semantics<core_parallel>, #tpu.dimension_semantics<subcore_parallel>], iteration_bounds = array<i64: 2, 16>, scalar_prefetch = 0 : i64, scratch_operands = 12 : i64, tpu.core_type = #tpu.core_type<sc_vector_subcore>, window_params = [{transform_indices = #map}, {transform_indices = #map}, {transform_indices = #map}, {transform_indices = #map}, {transform_indices = #map}, {transform_indices = #map}, {transform_indices = #map}, {transform_indices = #map1}, {transform_indices = #map2}]} {
    "tpu.region"() ({
      %run_scoped3A_62 = tpu.sem_alloc : memref<!tpu.dma_semaphore, #tpu.memory_space<semaphore_mem>>
      tpu.enqueue_dma source(%arg7 : memref<1x128xf32, #tpu.memory_space<hbm>>) target(%arg16 : memref<1x128xf32, #tpu.memory_space<vmem>>) target_semaphore(%run_scoped3A_62 : memref<!tpu.dma_semaphore, #tpu.memory_space<semaphore_mem>>)
      tpu.wait_dma2 semaphore(%run_scoped3A_62 : memref<!tpu.dma_semaphore, #tpu.memory_space<semaphore_mem>>) src(%arg7 : memref<1x128xf32, #tpu.memory_space<hbm>>) dst(%arg16 : memref<1x128xf32, #tpu.memory_space<vmem>>)
      tpu.yield
    }) : () -> ()
    "tpu.region"() ({
      %run_scoped3A_62 = tpu.sem_alloc : memref<!tpu.dma_semaphore, #tpu.memory_space<semaphore_mem>>
      tpu.enqueue_dma source(%arg8 : memref<1x128xf32, #tpu.memory_space<hbm>>) target(%arg17 : memref<1x128xf32, #tpu.memory_space<vmem>>) target_semaphore(%run_scoped3A_62 : memref<!tpu.dma_semaphore, #tpu.memory_space<semaphore_mem>>)
      tpu.wait_dma2 semaphore(%run_scoped3A_62 : memref<!tpu.dma_semaphore, #tpu.memory_space<semaphore_mem>>) src(%arg8 : memref<1x128xf32, #tpu.memory_space<hbm>>) dst(%arg17 : memref<1x128xf32, #tpu.memory_space<vmem>>)
      tpu.yield
    }) : () -> ()
    %broadcast_in_dim3A = arith.constant 0.000000e+00 : f32
    %broadcast_in_dim3A_0 = vector.broadcast %broadcast_in_dim3A : f32 to vector<16xf32>
    %scan3A = arith.constant 0 : i32
    %scan3A_1 = arith.constant 0 : i32
    %scan3A_2 = arith.constant 64 : i32
    %scan3A_3 = arith.addi %scan3A_1, %scan3A_2 : i32
    %scan3A_4 = arith.constant 1 : i32
    %scan3A_5 = scf.for %scan3A_62 = %scan3A_1 to %scan3A_3 step %scan3A_4 iter_args(%scan3A_63 = %scan3A) -> (i32)  : i32 {
      %jit3A = arith.constant 8 : i32
      %div3A = arith.divsi %scan3A_62, %jit3A : i32
      %sign3A = arith.constant 0 : i32
      %sign3A_64 = arith.cmpi sgt, %scan3A_62, %sign3A : i32
      %sign3A_65 = arith.extui %sign3A_64 : i1 to i32
      %sign3A_66 = arith.constant 0 : i32
      %sign3A_67 = arith.cmpi slt, %scan3A_62, %sign3A_66 : i32
      %sign3A_68 = arith.extui %sign3A_67 : i1 to i32
      %sign3A_69 = arith.subi %sign3A_65, %sign3A_68 : i32
      %sign3A_70 = arith.constant 0 : i32
      %sign3A_71 = arith.cmpi sgt, %jit3A, %sign3A_70 : i32
      %sign3A_72 = arith.extui %sign3A_71 : i1 to i32
      %sign3A_73 = arith.constant 0 : i32
      %sign3A_74 = arith.cmpi slt, %jit3A, %sign3A_73 : i32
      %sign3A_75 = arith.extui %sign3A_74 : i1 to i32
      %sign3A_76 = arith.subi %sign3A_72, %sign3A_75 : i32
      %ne3A = arith.cmpi ne, %sign3A_69, %sign3A_76 : i32
      %rem3A = arith.remsi %scan3A_62, %jit3A : i32
      %ne3A_77 = arith.constant 0 : i32
      %ne3A_78 = arith.cmpi ne, %rem3A, %ne3A_77 : i32
      %and3A = arith.andi %ne3A, %ne3A_78 : i1
      %sub3A = arith.constant 1 : i32
      %sub3A_79 = arith.subi %div3A, %sub3A : i32
      %select_n3A = arith.select %and3A, %sub3A_79, %div3A : i32
      %jit3A_80 = arith.constant 8 : i32
      %eq3A = arith.constant 0 : i32
      %eq3A_81 = arith.cmpi eq, %jit3A_80, %eq3A : i32
      %jit3A_82 = arith.constant 1 : i32
      %select_n3A_83 = arith.select %eq3A_81, %jit3A_82, %jit3A_80 : i32
      %rem3A_84 = arith.remsi %scan3A_62, %select_n3A_83 : i32
      %ne3A_85 = arith.constant 0 : i32
      %ne3A_86 = arith.cmpi ne, %rem3A_84, %ne3A_85 : i32
      %lt3A = arith.constant 0 : i32
      %lt3A_87 = arith.cmpi slt, %rem3A_84, %lt3A : i32
      %lt3A_88 = arith.constant 0 : i32
      %lt3A_89 = arith.cmpi slt, %select_n3A_83, %lt3A_88 : i32
      %ne3A_90 = arith.xori %lt3A_87, %lt3A_89 : i1
      %and3A_91 = arith.andi %ne3A_90, %ne3A_86 : i1
      %add3A_92 = arith.addi %rem3A_84, %select_n3A_83 : i32
      %select_n3A_93 = arith.select %and3A_91, %add3A_92, %rem3A_84 : i32
      %mul3A_94 = arith.constant 16 : i32
      %mul3A_95 = arith.muli %select_n3A_93, %mul3A_94 : i32
      %swap3A = arith.index_cast %select_n3A : i32 to index
      %swap3A_96 = arith.index_cast %mul3A_95 : i32 to index
      %swap3A_97 = tpu.vector_load %arg21[%swap3A, %swap3A_96] {strides = array<i32>} : memref<8x128xf32, #tpu.memory_space<vmem>>, vector<16xf32>,
      tpu.vector_store %arg21[%swap3A, %swap3A_96], %broadcast_in_dim3A_0 {strides = array<i32>} : memref<8x128xf32, #tpu.memory_space<vmem>>, vector<16xf32>,
      %scan3A_98 = arith.constant 0 : i32
      scf.yield %scan3A_98 : i32
    }
    %scan3A_6 = arith.constant 64 : i32
    %scan3A_7 = arith.constant 0 : i32
    %scan3A_8 = arith.constant 0 : i32
    %scan3A_9 = arith.constant 79 : i32
    %scan3A_10 = arith.addi %scan3A_8, %scan3A_9 : i32
    %scan3A_11 = arith.constant 1 : i32
    %scan3A_12 = scf.for %scan3A_62 = %scan3A_8 to %scan3A_10 step %scan3A_11 iter_args(%scan3A_63 = %scan3A_7) -> (i32)  : i32 {
      %mul3A_64 = arith.constant 632 : i32
      %mul3A_65 = arith.muli %arg1, %mul3A_64 : i32
      %mul3A_66 = arith.constant 8 : i32
      %mul3A_67 = arith.muli %scan3A_62, %mul3A_66 : i32
      %add3A_68 = arith.addi %mul3A_65, %mul3A_67 : i32
      "tpu.region"() ({
        %run_scoped3A_70 = tpu.sem_alloc : memref<!tpu.dma_semaphore, #tpu.memory_space<semaphore_mem>>
        %dma_start3A = arith.constant 0 : i32
        %dma_start3A_71 = tpu.memref_slice %arg11[%add3A_68, %dma_start3A] : memref<10112x128xf32, #tpu.memory_space<vmem_shared>> -> memref<8x128xf32, #tpu.memory_space<vmem_shared>>
        %dma_start3A_72 = arith.constant 0 : i32
        %dma_start3A_73 = tpu.memref_slice %arg11[%add3A_68, %dma_start3A_72] : memref<10112x128xf32, #tpu.memory_space<vmem_shared>> -> memref<8x128xf32, #tpu.memory_space<vmem_shared>>
        tpu.enqueue_dma source(%arg21 : memref<8x128xf32, #tpu.memory_space<vmem>>) target(%dma_start3A_73 : memref<8x128xf32, #tpu.memory_space<vmem_shared>>) target_semaphore(%run_scoped3A_70 : memref<!tpu.dma_semaphore, #tpu.memory_space<semaphore_mem>>)
        %dma_wait3A = arith.constant 0 : i32
        %dma_wait3A_74 = tpu.memref_slice %arg11[%add3A_68, %dma_wait3A] : memref<10112x128xf32, #tpu.memory_space<vmem_shared>> -> memref<8x128xf32, #tpu.memory_space<vmem_shared>>
        %dma_wait3A_75 = arith.constant 0 : i32
        %dma_wait3A_76 = tpu.memref_slice %arg11[%add3A_68, %dma_wait3A_75] : memref<10112x128xf32, #tpu.memory_space<vmem_shared>> -> memref<8x128xf32, #tpu.memory_space<vmem_shared>>
        tpu.wait_dma2 semaphore(%run_scoped3A_70 : memref<!tpu.dma_semaphore, #tpu.memory_space<semaphore_mem>>) src(%arg21 : memref<8x128xf32, #tpu.memory_space<vmem>>) dst(%dma_wait3A_76 : memref<8x128xf32, #tpu.memory_space<vmem_shared>>)
        tpu.yield
      }) : () -> ()
      %scan3A_69 = arith.constant 0 : i32
      scf.yield %scan3A_69 : i32
    }
    %scan3A_13 = arith.constant 79 : i32
    %mul3A = arith.constant 640 : i32
    %mul3A_14 = arith.muli %arg1, %mul3A : i32
    %add3A = arith.constant 0 : i32
    %add3A_15 = arith.addi %mul3A_14, %add3A : i32
    %run_scoped3A = arith.constant 0 : i32
    "tpu.region"() ({
      %run_scoped3A_62 = tpu.sem_alloc : memref<!tpu.dma_semaphore, #tpu.memory_space<semaphore_mem>>
      %dma_start3A = arith.constant 0 : i32
      %dma_start3A_63 = tpu.memref_slice %arg21[%run_scoped3A, %dma_start3A] : memref<8x128xf32, #tpu.memory_space<vmem>> -> memref<1x128xf32, #tpu.memory_space<vmem>>
      %dma_start3A_64 = tpu.memref_squeeze %dma_start3A_63 : memref<1x128xf32, #tpu.memory_space<vmem>> -> memref<128xf32, #tpu.memory_space<vmem>>
      %dma_start3A_65 = tpu.memref_slice %arg12[%add3A_15] : memref<10240xf32, #tpu.memory_space<vmem_shared>> -> memref<128xf32, #tpu.memory_space<vmem_shared>>
      %dma_start3A_66 = tpu.memref_slice %arg12[%add3A_15] : memref<10240xf32, #tpu.memory_space<vmem_shared>> -> memref<128xf32, #tpu.memory_space<vmem_shared>>
      %dma_start3A_67 = arith.constant 0 : i32
      %dma_start3A_68 = tpu.memref_slice %arg21[%run_scoped3A, %dma_start3A_67] : memref<8x128xf32, #tpu.memory_space<vmem>> -> memref<1x128xf32, #tpu.memory_space<vmem>>
      %dma_start3A_69 = tpu.memref_squeeze %dma_start3A_68 : memref<1x128xf32, #tpu.memory_space<vmem>> -> memref<128xf32, #tpu.memory_space<vmem>>
      tpu.enqueue_dma source(%dma_start3A_69 : memref<128xf32, #tpu.memory_space<vmem>>) target(%dma_start3A_66 : memref<128xf32, #tpu.memory_space<vmem_shared>>) target_semaphore(%run_scoped3A_62 : memref<!tpu.dma_semaphore, #tpu.memory_space<semaphore_mem>>)
      %dma_wait3A = arith.constant 0 : i32
      %dma_wait3A_70 = tpu.memref_slice %arg21[%run_scoped3A, %dma_wait3A] : memref<8x128xf32, #tpu.memory_space<vmem>> -> memref<1x128xf32, #tpu.memory_space<vmem>>
      %dma_wait3A_71 = tpu.memref_squeeze %dma_wait3A_70 : memref<1x128xf32, #tpu.memory_space<vmem>> -> memref<128xf32, #tpu.memory_space<vmem>>
      %dma_wait3A_72 = tpu.memref_slice %arg12[%add3A_15] : memref<10240xf32, #tpu.memory_space<vmem_shared>> -> memref<128xf32, #tpu.memory_space<vmem_shared>>
      %dma_wait3A_73 = tpu.memref_slice %arg12[%add3A_15] : memref<10240xf32, #tpu.memory_space<vmem_shared>> -> memref<128xf32, #tpu.memory_space<vmem_shared>>
      %dma_wait3A_74 = arith.constant 0 : i32
      %dma_wait3A_75 = tpu.memref_slice %arg21[%run_scoped3A, %dma_wait3A_74] : memref<8x128xf32, #tpu.memory_space<vmem>> -> memref<1x128xf32, #tpu.memory_space<vmem>>
      %dma_wait3A_76 = tpu.memref_squeeze %dma_wait3A_75 : memref<1x128xf32, #tpu.memory_space<vmem>> -> memref<128xf32, #tpu.memory_space<vmem>>
      tpu.wait_dma2 semaphore(%run_scoped3A_62 : memref<!tpu.dma_semaphore, #tpu.memory_space<semaphore_mem>>) src(%dma_wait3A_76 : memref<128xf32, #tpu.memory_space<vmem>>) dst(%dma_wait3A_73 : memref<128xf32, #tpu.memory_space<vmem_shared>>)
      tpu.yield
    }) : () -> ()
    %mul3A_16 = arith.constant 640 : i32
    %mul3A_17 = arith.muli %arg1, %mul3A_16 : i32
    %add3A_18 = arith.constant 128 : i32
    %add3A_19 = arith.addi %mul3A_17, %add3A_18 : i32
    %run_scoped3A_20 = arith.constant 0 : i32
    "tpu.region"() ({
      %run_scoped3A_62 = tpu.sem_alloc : memref<!tpu.dma_semaphore, #tpu.memory_space<semaphore_mem>>
      %dma_start3A = arith.constant 0 : i32
      %dma_start3A_63 = tpu.memref_slice %arg21[%run_scoped3A_20, %dma_start3A] : memref<8x128xf32, #tpu.memory_space<vmem>> -> memref<1x128xf32, #tpu.memory_space<vmem>>
      %dma_start3A_64 = tpu.memref_squeeze %dma_start3A_63 : memref<1x128xf32, #tpu.memory_space<vmem>> -> memref<128xf32, #tpu.memory_space<vmem>>
      %dma_start3A_65 = tpu.memref_slice %arg12[%add3A_19] : memref<10240xf32, #tpu.memory_space<vmem_shared>> -> memref<128xf32, #tpu.memory_space<vmem_shared>>
      %dma_start3A_66 = tpu.memref_slice %arg12[%add3A_19] : memref<10240xf32, #tpu.memory_space<vmem_shared>> -> memref<128xf32, #tpu.memory_space<vmem_shared>>
      %dma_start3A_67 = arith.constant 0 : i32
      %dma_start3A_68 = tpu.memref_slice %arg21[%run_scoped3A_20, %dma_start3A_67] : memref<8x128xf32, #tpu.memory_space<vmem>> -> memref<1x128xf32, #tpu.memory_space<vmem>>
      %dma_start3A_69 = tpu.memref_squeeze %dma_start3A_68 : memref<1x128xf32, #tpu.memory_space<vmem>> -> memref<128xf32, #tpu.memory_space<vmem>>
      tpu.enqueue_dma source(%dma_start3A_69 : memref<128xf32, #tpu.memory_space<vmem>>) target(%dma_start3A_66 : memref<128xf32, #tpu.memory_space<vmem_shared>>) target_semaphore(%run_scoped3A_62 : memref<!tpu.dma_semaphore, #tpu.memory_space<semaphore_mem>>)
      %dma_wait3A = arith.constant 0 : i32
      %dma_wait3A_70 = tpu.memref_slice %arg21[%run_scoped3A_20, %dma_wait3A] : memref<8x128xf32, #tpu.memory_space<vmem>> -> memref<1x128xf32, #tpu.memory_space<vmem>>
      %dma_wait3A_71 = tpu.memref_squeeze %dma_wait3A_70 : memref<1x128xf32, #tpu.memory_space<vmem>> -> memref<128xf32, #tpu.memory_space<vmem>>
      %dma_wait3A_72 = tpu.memref_slice %arg12[%add3A_19] : memref<10240xf32, #tpu.memory_space<vmem_shared>> -> memref<128xf32, #tpu.memory_space<vmem_shared>>
      %dma_wait3A_73 = tpu.memref_slice %arg12[%add3A_19] : memref<10240xf32, #tpu.memory_space<vmem_shared>> -> memref<128xf32, #tpu.memory_space<vmem_shared>>
      %dma_wait3A_74 = arith.constant 0 : i32
      %dma_wait3A_75 = tpu.memref_slice %arg21[%run_scoped3A_20, %dma_wait3A_74] : memref<8x128xf32, #tpu.memory_space<vmem>> -> memref<1x128xf32, #tpu.memory_space<vmem>>
      %dma_wait3A_76 = tpu.memref_squeeze %dma_wait3A_75 : memref<1x128xf32, #tpu.memory_space<vmem>> -> memref<128xf32, #tpu.memory_space<vmem>>
      tpu.wait_dma2 semaphore(%run_scoped3A_62 : memref<!tpu.dma_semaphore, #tpu.memory_space<semaphore_mem>>) src(%dma_wait3A_76 : memref<128xf32, #tpu.memory_space<vmem>>) dst(%dma_wait3A_73 : memref<128xf32, #tpu.memory_space<vmem_shared>>)
      tpu.yield
    }) : () -> ()
    %mul3A_21 = arith.constant 640 : i32
    %mul3A_22 = arith.muli %arg1, %mul3A_21 : i32
    %add3A_23 = arith.constant 256 : i32
    %add3A_24 = arith.addi %mul3A_22, %add3A_23 : i32
    %run_scoped3A_25 = arith.constant 0 : i32
    "tpu.region"() ({
      %run_scoped3A_62 = tpu.sem_alloc : memref<!tpu.dma_semaphore, #tpu.memory_space<semaphore_mem>>
      %dma_start3A = arith.constant 0 : i32
      %dma_start3A_63 = tpu.memref_slice %arg21[%run_scoped3A_25, %dma_start3A] : memref<8x128xf32, #tpu.memory_space<vmem>> -> memref<1x128xf32, #tpu.memory_space<vmem>>
      %dma_start3A_64 = tpu.memref_squeeze %dma_start3A_63 : memref<1x128xf32, #tpu.memory_space<vmem>> -> memref<128xf32, #tpu.memory_space<vmem>>
      %dma_start3A_65 = tpu.memref_slice %arg12[%add3A_24] : memref<10240xf32, #tpu.memory_space<vmem_shared>> -> memref<128xf32, #tpu.memory_space<vmem_shared>>
      %dma_start3A_66 = tpu.memref_slice %arg12[%add3A_24] : memref<10240xf32, #tpu.memory_space<vmem_shared>> -> memref<128xf32, #tpu.memory_space<vmem_shared>>
      %dma_start3A_67 = arith.constant 0 : i32
      %dma_start3A_68 = tpu.memref_slice %arg21[%run_scoped3A_25, %dma_start3A_67] : memref<8x128xf32, #tpu.memory_space<vmem>> -> memref<1x128xf32, #tpu.memory_space<vmem>>
      %dma_start3A_69 = tpu.memref_squeeze %dma_start3A_68 : memref<1x128xf32, #tpu.memory_space<vmem>> -> memref<128xf32, #tpu.memory_space<vmem>>
      tpu.enqueue_dma source(%dma_start3A_69 : memref<128xf32, #tpu.memory_space<vmem>>) target(%dma_start3A_66 : memref<128xf32, #tpu.memory_space<vmem_shared>>) target_semaphore(%run_scoped3A_62 : memref<!tpu.dma_semaphore, #tpu.memory_space<semaphore_mem>>)
      %dma_wait3A = arith.constant 0 : i32
      %dma_wait3A_70 = tpu.memref_slice %arg21[%run_scoped3A_25, %dma_wait3A] : memref<8x128xf32, #tpu.memory_space<vmem>> -> memref<1x128xf32, #tpu.memory_space<vmem>>
      %dma_wait3A_71 = tpu.memref_squeeze %dma_wait3A_70 : memref<1x128xf32, #tpu.memory_space<vmem>> -> memref<128xf32, #tpu.memory_space<vmem>>
      %dma_wait3A_72 = tpu.memref_slice %arg12[%add3A_24] : memref<10240xf32, #tpu.memory_space<vmem_shared>> -> memref<128xf32, #tpu.memory_space<vmem_shared>>
      %dma_wait3A_73 = tpu.memref_slice %arg12[%add3A_24] : memref<10240xf32, #tpu.memory_space<vmem_shared>> -> memref<128xf32, #tpu.memory_space<vmem_shared>>
      %dma_wait3A_74 = arith.constant 0 : i32
      %dma_wait3A_75 = tpu.memref_slice %arg21[%run_scoped3A_25, %dma_wait3A_74] : memref<8x128xf32, #tpu.memory_space<vmem>> -> memref<1x128xf32, #tpu.memory_space<vmem>>
      %dma_wait3A_76 = tpu.memref_squeeze %dma_wait3A_75 : memref<1x128xf32, #tpu.memory_space<vmem>> -> memref<128xf32, #tpu.memory_space<vmem>>
      tpu.wait_dma2 semaphore(%run_scoped3A_62 : memref<!tpu.dma_semaphore, #tpu.memory_space<semaphore_mem>>) src(%dma_wait3A_76 : memref<128xf32, #tpu.memory_space<vmem>>) dst(%dma_wait3A_73 : memref<128xf32, #tpu.memory_space<vmem_shared>>)
      tpu.yield
    }) : () -> ()
    %mul3A_26 = arith.constant 640 : i32
    %mul3A_27 = arith.muli %arg1, %mul3A_26 : i32
    %add3A_28 = arith.constant 384 : i32
    %add3A_29 = arith.addi %mul3A_27, %add3A_28 : i32
    %run_scoped3A_30 = arith.constant 0 : i32
    "tpu.region"() ({
      %run_scoped3A_62 = tpu.sem_alloc : memref<!tpu.dma_semaphore, #tpu.memory_space<semaphore_mem>>
      %dma_start3A = arith.constant 0 : i32
      %dma_start3A_63 = tpu.memref_slice %arg21[%run_scoped3A_30, %dma_start3A] : memref<8x128xf32, #tpu.memory_space<vmem>> -> memref<1x128xf32, #tpu.memory_space<vmem>>
      %dma_start3A_64 = tpu.memref_squeeze %dma_start3A_63 : memref<1x128xf32, #tpu.memory_space<vmem>> -> memref<128xf32, #tpu.memory_space<vmem>>
      %dma_start3A_65 = tpu.memref_slice %arg12[%add3A_29] : memref<10240xf32, #tpu.memory_space<vmem_shared>> -> memref<128xf32, #tpu.memory_space<vmem_shared>>
      %dma_start3A_66 = tpu.memref_slice %arg12[%add3A_29] : memref<10240xf32, #tpu.memory_space<vmem_shared>> -> memref<128xf32, #tpu.memory_space<vmem_shared>>
      %dma_start3A_67 = arith.constant 0 : i32
      %dma_start3A_68 = tpu.memref_slice %arg21[%run_scoped3A_30, %dma_start3A_67] : memref<8x128xf32, #tpu.memory_space<vmem>> -> memref<1x128xf32, #tpu.memory_space<vmem>>
      %dma_start3A_69 = tpu.memref_squeeze %dma_start3A_68 : memref<1x128xf32, #tpu.memory_space<vmem>> -> memref<128xf32, #tpu.memory_space<vmem>>
      tpu.enqueue_dma source(%dma_start3A_69 : memref<128xf32, #tpu.memory_space<vmem>>) target(%dma_start3A_66 : memref<128xf32, #tpu.memory_space<vmem_shared>>) target_semaphore(%run_scoped3A_62 : memref<!tpu.dma_semaphore, #tpu.memory_space<semaphore_mem>>)
      %dma_wait3A = arith.constant 0 : i32
      %dma_wait3A_70 = tpu.memref_slice %arg21[%run_scoped3A_30, %dma_wait3A] : memref<8x128xf32, #tpu.memory_space<vmem>> -> memref<1x128xf32, #tpu.memory_space<vmem>>
      %dma_wait3A_71 = tpu.memref_squeeze %dma_wait3A_70 : memref<1x128xf32, #tpu.memory_space<vmem>> -> memref<128xf32, #tpu.memory_space<vmem>>
      %dma_wait3A_72 = tpu.memref_slice %arg12[%add3A_29] : memref<10240xf32, #tpu.memory_space<vmem_shared>> -> memref<128xf32, #tpu.memory_space<vmem_shared>>
      %dma_wait3A_73 = tpu.memref_slice %arg12[%add3A_29] : memref<10240xf32, #tpu.memory_space<vmem_shared>> -> memref<128xf32, #tpu.memory_space<vmem_shared>>
      %dma_wait3A_74 = arith.constant 0 : i32
      %dma_wait3A_75 = tpu.memref_slice %arg21[%run_scoped3A_30, %dma_wait3A_74] : memref<8x128xf32, #tpu.memory_space<vmem>> -> memref<1x128xf32, #tpu.memory_space<vmem>>
      %dma_wait3A_76 = tpu.memref_squeeze %dma_wait3A_75 : memref<1x128xf32, #tpu.memory_space<vmem>> -> memref<128xf32, #tpu.memory_space<vmem>>
      tpu.wait_dma2 semaphore(%run_scoped3A_62 : memref<!tpu.dma_semaphore, #tpu.memory_space<semaphore_mem>>) src(%dma_wait3A_76 : memref<128xf32, #tpu.memory_space<vmem>>) dst(%dma_wait3A_73 : memref<128xf32, #tpu.memory_space<vmem_shared>>)
      tpu.yield
    }) : () -> ()
    %mul3A_31 = arith.constant 640 : i32
    %mul3A_32 = arith.muli %arg1, %mul3A_31 : i32
    %add3A_33 = arith.constant 512 : i32
    %add3A_34 = arith.addi %mul3A_32, %add3A_33 : i32
    %run_scoped3A_35 = arith.constant 0 : i32
    "tpu.region"() ({
      %run_scoped3A_62 = tpu.sem_alloc : memref<!tpu.dma_semaphore, #tpu.memory_space<semaphore_mem>>
      %dma_start3A = arith.constant 0 : i32
      %dma_start3A_63 = tpu.memref_slice %arg21[%run_scoped3A_35, %dma_start3A] : memref<8x128xf32, #tpu.memory_space<vmem>> -> memref<1x128xf32, #tpu.memory_space<vmem>>
      %dma_start3A_64 = tpu.memref_squeeze %dma_start3A_63 : memref<1x128xf32, #tpu.memory_space<vmem>> -> memref<128xf32, #tpu.memory_space<vmem>>
      %dma_start3A_65 = tpu.memref_slice %arg12[%add3A_34] : memref<10240xf32, #tpu.memory_space<vmem_shared>> -> memref<128xf32, #tpu.memory_space<vmem_shared>>
      %dma_start3A_66 = tpu.memref_slice %arg12[%add3A_34] : memref<10240xf32, #tpu.memory_space<vmem_shared>> -> memref<128xf32, #tpu.memory_space<vmem_shared>>
      %dma_start3A_67 = arith.constant 0 : i32
      %dma_start3A_68 = tpu.memref_slice %arg21[%run_scoped3A_35, %dma_start3A_67] : memref<8x128xf32, #tpu.memory_space<vmem>> -> memref<1x128xf32, #tpu.memory_space<vmem>>
      %dma_start3A_69 = tpu.memref_squeeze %dma_start3A_68 : memref<1x128xf32, #tpu.memory_space<vmem>> -> memref<128xf32, #tpu.memory_space<vmem>>
      tpu.enqueue_dma source(%dma_start3A_69 : memref<128xf32, #tpu.memory_space<vmem>>) target(%dma_start3A_66 : memref<128xf32, #tpu.memory_space<vmem_shared>>) target_semaphore(%run_scoped3A_62 : memref<!tpu.dma_semaphore, #tpu.memory_space<semaphore_mem>>)
      %dma_wait3A = arith.constant 0 : i32
      %dma_wait3A_70 = tpu.memref_slice %arg21[%run_scoped3A_35, %dma_wait3A] : memref<8x128xf32, #tpu.memory_space<vmem>> -> memref<1x128xf32, #tpu.memory_space<vmem>>
      %dma_wait3A_71 = tpu.memref_squeeze %dma_wait3A_70 : memref<1x128xf32, #tpu.memory_space<vmem>> -> memref<128xf32, #tpu.memory_space<vmem>>
      %dma_wait3A_72 = tpu.memref_slice %arg12[%add3A_34] : memref<10240xf32, #tpu.memory_space<vmem_shared>> -> memref<128xf32, #tpu.memory_space<vmem_shared>>
      %dma_wait3A_73 = tpu.memref_slice %arg12[%add3A_34] : memref<10240xf32, #tpu.memory_space<vmem_shared>> -> memref<128xf32, #tpu.memory_space<vmem_shared>>
      %dma_wait3A_74 = arith.constant 0 : i32
      %dma_wait3A_75 = tpu.memref_slice %arg21[%run_scoped3A_35, %dma_wait3A_74] : memref<8x128xf32, #tpu.memory_space<vmem>> -> memref<1x128xf32, #tpu.memory_space<vmem>>
      %dma_wait3A_76 = tpu.memref_squeeze %dma_wait3A_75 : memref<1x128xf32, #tpu.memory_space<vmem>> -> memref<128xf32, #tpu.memory_space<vmem>>
      tpu.wait_dma2 semaphore(%run_scoped3A_62 : memref<!tpu.dma_semaphore, #tpu.memory_space<semaphore_mem>>) src(%dma_wait3A_76 : memref<128xf32, #tpu.memory_space<vmem>>) dst(%dma_wait3A_73 : memref<128xf32, #tpu.memory_space<vmem_shared>>)
      tpu.yield
    }) : () -> ()
    %barrier3A = arith.constant 0 : index
    tpu.barrier barrier_id(%barrier3A)
    %mul3A_36 = arith.constant 2 : i32
    %mul3A_37 = arith.muli %arg1, %mul3A_36 : i32
    %add3A_38 = arith.addi %mul3A_37, %arg0 : i32
    %mul3A_39 = arith.constant 80 : i32
    %mul3A_40 = arith.muli %add3A_38, %mul3A_39 : i32
    %iota3A = tpu.iota {dimensions = array<i32: 0>} : vector<16xi32>
    %broadcast_in_dim3A_41 = arith.constant 0 : i32
    %broadcast_in_dim3A_42 = vector.broadcast %broadcast_in_dim3A_41 : i32 to vector<16xi32>
    %scan3A_43 = arith.constant 0 : i32
    %scan3A_44 = arith.constant 0 : i32
    %scan3A_45 = arith.constant 10 : i32
    %scan3A_46 = arith.addi %scan3A_44, %scan3A_45 : i32
    %scan3A_47 = arith.constant 1 : i32
    %scan3A_48 = scf.for %scan3A_62 = %scan3A_44 to %scan3A_46 step %scan3A_47 iter_args(%scan3A_63 = %scan3A_43) -> (i32)  : i32 {
      %mul3A_64 = arith.constant 8 : i32
      %mul3A_65 = arith.muli %scan3A_62, %mul3A_64 : i32
      %add3A_66 = arith.addi %mul3A_40, %mul3A_65 : i32
      %mul3A_67 = arith.constant 2 : i32
      %mul3A_68 = arith.muli %add3A_66, %mul3A_67 : i32
      "tpu.region"() ({
        %run_scoped3A_118 = tpu.sem_alloc : memref<!tpu.dma_semaphore, #tpu.memory_space<semaphore_mem>>
        %dma_start3A_119 = arith.constant 0 : i32
        %dma_start3A_120 = tpu.memref_slice %arg4[%mul3A_68, %dma_start3A_119] : memref<5120x64xi32, #tpu.memory_space<hbm>> -> memref<16x64xi32, #tpu.memory_space<hbm>>
        %dma_start3A_121 = arith.constant 0 : i32
        %dma_start3A_122 = tpu.memref_slice %arg4[%mul3A_68, %dma_start3A_121] : memref<5120x64xi32, #tpu.memory_space<hbm>> -> memref<16x64xi32, #tpu.memory_space<hbm>>
        tpu.enqueue_dma source(%dma_start3A_122 : memref<16x64xi32, #tpu.memory_space<hbm>>) target(%arg13 : memref<16x64xi32, #tpu.memory_space<vmem>>) target_semaphore(%run_scoped3A_118 : memref<!tpu.dma_semaphore, #tpu.memory_space<semaphore_mem>>)
        %dma_wait3A = arith.constant 0 : i32
        %dma_wait3A_123 = tpu.memref_slice %arg4[%mul3A_68, %dma_wait3A] : memref<5120x64xi32, #tpu.memory_space<hbm>> -> memref<16x64xi32, #tpu.memory_space<hbm>>
        %dma_wait3A_124 = arith.constant 0 : i32
        %dma_wait3A_125 = tpu.memref_slice %arg4[%mul3A_68, %dma_wait3A_124] : memref<5120x64xi32, #tpu.memory_space<hbm>> -> memref<16x64xi32, #tpu.memory_space<hbm>>
        tpu.wait_dma2 semaphore(%run_scoped3A_118 : memref<!tpu.dma_semaphore, #tpu.memory_space<semaphore_mem>>) src(%dma_wait3A_125 : memref<16x64xi32, #tpu.memory_space<hbm>>) dst(%arg13 : memref<16x64xi32, #tpu.memory_space<vmem>>)
        tpu.yield
      }) : () -> ()
      %mul3A_69 = arith.constant 2 : i32
      %mul3A_70 = arith.muli %add3A_66, %mul3A_69 : i32
      "tpu.region"() ({
        %run_scoped3A_118 = tpu.sem_alloc : memref<!tpu.dma_semaphore, #tpu.memory_space<semaphore_mem>>
        %dma_start3A_119 = arith.constant 0 : i32
        %dma_start3A_120 = tpu.memref_slice %arg5[%mul3A_70, %dma_start3A_119] : memref<5120x64xi32, #tpu.memory_space<hbm>> -> memref<16x64xi32, #tpu.memory_space<hbm>>
        %dma_start3A_121 = arith.constant 0 : i32
        %dma_start3A_122 = tpu.memref_slice %arg5[%mul3A_70, %dma_start3A_121] : memref<5120x64xi32, #tpu.memory_space<hbm>> -> memref<16x64xi32, #tpu.memory_space<hbm>>
        tpu.enqueue_dma source(%dma_start3A_122 : memref<16x64xi32, #tpu.memory_space<hbm>>) target(%arg14 : memref<16x64xi32, #tpu.memory_space<vmem>>) target_semaphore(%run_scoped3A_118 : memref<!tpu.dma_semaphore, #tpu.memory_space<semaphore_mem>>)
        %dma_wait3A = arith.constant 0 : i32
        %dma_wait3A_123 = tpu.memref_slice %arg5[%mul3A_70, %dma_wait3A] : memref<5120x64xi32, #tpu.memory_space<hbm>> -> memref<16x64xi32, #tpu.memory_space<hbm>>
        %dma_wait3A_124 = arith.constant 0 : i32
        %dma_wait3A_125 = tpu.memref_slice %arg5[%mul3A_70, %dma_wait3A_124] : memref<5120x64xi32, #tpu.memory_space<hbm>> -> memref<16x64xi32, #tpu.memory_space<hbm>>
        tpu.wait_dma2 semaphore(%run_scoped3A_118 : memref<!tpu.dma_semaphore, #tpu.memory_space<semaphore_mem>>) src(%dma_wait3A_125 : memref<16x64xi32, #tpu.memory_space<hbm>>) dst(%arg14 : memref<16x64xi32, #tpu.memory_space<vmem>>)
        tpu.yield
      }) : () -> ()
      "tpu.region"() ({
        %run_scoped3A_118 = tpu.sem_alloc : memref<!tpu.dma_semaphore, #tpu.memory_space<semaphore_mem>>
        %dma_start3A_119 = arith.constant 0 : i32
        %dma_start3A_120 = tpu.memref_slice %arg6[%add3A_66, %dma_start3A_119] : memref<2560x128xf32, #tpu.memory_space<hbm>> -> memref<8x128xf32, #tpu.memory_space<hbm>>
        %dma_start3A_121 = arith.constant 0 : i32
        %dma_start3A_122 = tpu.memref_slice %arg6[%add3A_66, %dma_start3A_121] : memref<2560x128xf32, #tpu.memory_space<hbm>> -> memref<8x128xf32, #tpu.memory_space<hbm>>
        tpu.enqueue_dma source(%dma_start3A_122 : memref<8x128xf32, #tpu.memory_space<hbm>>) target(%arg15 : memref<8x128xf32, #tpu.memory_space<vmem>>) target_semaphore(%run_scoped3A_118 : memref<!tpu.dma_semaphore, #tpu.memory_space<semaphore_mem>>)
        %dma_wait3A = arith.constant 0 : i32
        %dma_wait3A_123 = tpu.memref_slice %arg6[%add3A_66, %dma_wait3A] : memref<2560x128xf32, #tpu.memory_space<hbm>> -> memref<8x128xf32, #tpu.memory_space<hbm>>
        %dma_wait3A_124 = arith.constant 0 : i32
        %dma_wait3A_125 = tpu.memref_slice %arg6[%add3A_66, %dma_wait3A_124] : memref<2560x128xf32, #tpu.memory_space<hbm>> -> memref<8x128xf32, #tpu.memory_space<hbm>>
        tpu.wait_dma2 semaphore(%run_scoped3A_118 : memref<!tpu.dma_semaphore, #tpu.memory_space<semaphore_mem>>) src(%dma_wait3A_125 : memref<8x128xf32, #tpu.memory_space<hbm>>) dst(%arg15 : memref<8x128xf32, #tpu.memory_space<vmem>>)
        tpu.yield
      }) : () -> ()
      %dma_start3A = arith.constant 0 : i32
      %dma_start3A_71 = arith.constant 0 : i32
      %dma_start3A_72 = arith.constant 0 : i32
      %dma_start3A_73 = tpu.memref_slice %arg18[%dma_start3A_71, %dma_start3A_72] : memref<128x128xf32, #tpu.memory_space<vmem>> -> memref<32x128xf32, #tpu.memory_space<vmem>>
      %dma_start3A_74 = arith.constant 0 : i32
      %dma_start3A_75 = tpu.memref_slice %arg13[%dma_start3A, %dma_start3A_74] : memref<16x64xi32, #tpu.memory_space<vmem>> -> memref<1x32xi32, #tpu.memory_space<vmem>>
      %dma_start3A_76 = tpu.memref_squeeze %dma_start3A_75 : memref<1x32xi32, #tpu.memory_space<vmem>> -> memref<32xi32, #tpu.memory_space<vmem>>
      %dma_start3A_77 = arith.constant 0 : i32
      %dma_start3A_78 = arith.constant 0 : i32
      %dma_start3A_79 = tpu.memref_slice %arg2[%dma_start3A_77, %dma_start3A_78] : memref<10000x128xf32, #tpu.memory_space<hbm>> -> memref<10000x128xf32, #tpu.memory_space<hbm>>
      tpu.enqueue_indirect_dma source(%dma_start3A_79 : memref<10000x128xf32, #tpu.memory_space<hbm>>) target(%dma_start3A_73 : memref<32x128xf32, #tpu.memory_space<vmem>>) offsets(%dma_start3A_76 : memref<32xi32, #tpu.memory_space<vmem>>) semaphore(%arg22 : memref<!tpu.dma_semaphore, #tpu.memory_space<semaphore_mem>>)
      %dma_start3A_80 = arith.constant 0 : i32
      %dma_start3A_81 = arith.constant 0 : i32
      %dma_start3A_82 = arith.constant 0 : i32
      %dma_start3A_83 = tpu.memref_slice %arg19[%dma_start3A_81, %dma_start3A_82] : memref<128x128xf32, #tpu.memory_space<vmem>> -> memref<32x128xf32, #tpu.memory_space<vmem>>
      %dma_start3A_84 = arith.constant 0 : i32
      %dma_start3A_85 = tpu.memref_slice %arg14[%dma_start3A_80, %dma_start3A_84] : memref<16x64xi32, #tpu.memory_space<vmem>> -> memref<1x32xi32, #tpu.memory_space<vmem>>
      %dma_start3A_86 = tpu.memref_squeeze %dma_start3A_85 : memref<1x32xi32, #tpu.memory_space<vmem>> -> memref<32xi32, #tpu.memory_space<vmem>>
      %dma_start3A_87 = arith.constant 0 : i32
      %dma_start3A_88 = arith.constant 0 : i32
      %dma_start3A_89 = tpu.memref_slice %arg3[%dma_start3A_87, %dma_start3A_88] : memref<10000x128xf32, #tpu.memory_space<hbm>> -> memref<10000x128xf32, #tpu.memory_space<hbm>>
      tpu.enqueue_indirect_dma source(%dma_start3A_89 : memref<10000x128xf32, #tpu.memory_space<hbm>>) target(%dma_start3A_83 : memref<32x128xf32, #tpu.memory_space<vmem>>) offsets(%dma_start3A_86 : memref<32xi32, #tpu.memory_space<vmem>>) semaphore(%arg22 : memref<!tpu.dma_semaphore, #tpu.memory_space<semaphore_mem>>)
      %dma_start3A_90 = arith.constant 0 : i32
      %dma_start3A_91 = arith.constant 32 : i32
      %dma_start3A_92 = arith.constant 0 : i32
      %dma_start3A_93 = tpu.memref_slice %arg18[%dma_start3A_91, %dma_start3A_92] : memref<128x128xf32, #tpu.memory_space<vmem>> -> memref<32x128xf32, #tpu.memory_space<vmem>>
      %dma_start3A_94 = arith.constant 32 : i32
      %dma_start3A_95 = tpu.memref_slice %arg13[%dma_start3A_90, %dma_start3A_94] : memref<16x64xi32, #tpu.memory_space<vmem>> -> memref<1x32xi32, #tpu.memory_space<vmem>>
      %dma_start3A_96 = tpu.memref_squeeze %dma_start3A_95 : memref<1x32xi32, #tpu.memory_space<vmem>> -> memref<32xi32, #tpu.memory_space<vmem>>
      %dma_start3A_97 = arith.constant 0 : i32
      %dma_start3A_98 = arith.constant 0 : i32
      %dma_start3A_99 = tpu.memref_slice %arg2[%dma_start3A_97, %dma_start3A_98] : memref<10000x128xf32, #tpu.memory_space<hbm>> -> memref<10000x128xf32, #tpu.memory_space<hbm>>
      tpu.enqueue_indirect_dma source(%dma_start3A_99 : memref<10000x128xf32, #tpu.memory_space<hbm>>) target(%dma_start3A_93 : memref<32x128xf32, #tpu.memory_space<vmem>>) offsets(%dma_start3A_96 : memref<32xi32, #tpu.memory_space<vmem>>) semaphore(%arg22 : memref<!tpu.dma_semaphore, #tpu.memory_space<semaphore_mem>>)
      %dma_start3A_100 = arith.constant 0 : i32
      %dma_start3A_101 = arith.constant 32 : i32
      %dma_start3A_102 = arith.constant 0 : i32
      %dma_start3A_103 = tpu.memref_slice %arg19[%dma_start3A_101, %dma_start3A_102] : memref<128x128xf32, #tpu.memory_space<vmem>> -> memref<32x128xf32, #tpu.memory_space<vmem>>
      %dma_start3A_104 = arith.constant 32 : i32
      %dma_start3A_105 = tpu.memref_slice %arg14[%dma_start3A_100, %dma_start3A_104] : memref<16x64xi32, #tpu.memory_space<vmem>> -> memref<1x32xi32, #tpu.memory_space<vmem>>
      %dma_start3A_106 = tpu.memref_squeeze %dma_start3A_105 : memref<1x32xi32, #tpu.memory_space<vmem>> -> memref<32xi32, #tpu.memory_space<vmem>>
      %dma_start3A_107 = arith.constant 0 : i32
      %dma_start3A_108 = arith.constant 0 : i32
      %dma_start3A_109 = tpu.memref_slice %arg3[%dma_start3A_107, %dma_start3A_108] : memref<10000x128xf32, #tpu.memory_space<hbm>> -> memref<10000x128xf32, #tpu.memory_space<hbm>>
      tpu.enqueue_indirect_dma source(%dma_start3A_109 : memref<10000x128xf32, #tpu.memory_space<hbm>>) target(%dma_start3A_103 : memref<32x128xf32, #tpu.memory_space<vmem>>) offsets(%dma_start3A_106 : memref<32xi32, #tpu.memory_space<vmem>>) semaphore(%arg22 : memref<!tpu.dma_semaphore, #tpu.memory_space<semaphore_mem>>)
      %scan3A_110 = arith.constant 0 : i32
      %scan3A_111 = arith.constant 0 : i32
      %scan3A_112 = arith.constant 16 : i32
      %scan3A_113 = arith.addi %scan3A_111, %scan3A_112 : i32
      %scan3A_114 = arith.constant 1 : i32
      %scan3A_115 = scf.for %scan3A_118 = %scan3A_111 to %scan3A_113 step %scan3A_114 iter_args(%scan3A_119 = %scan3A_110) -> (i32)  : i32 {
        %jit3A = arith.constant 2 : i32
        %eq3A = arith.constant 0 : i32
        %eq3A_120 = arith.cmpi eq, %jit3A, %eq3A : i32
        %jit3A_121 = arith.constant 1 : i32
        %select_n3A = arith.select %eq3A_120, %jit3A_121, %jit3A : i32
        %rem3A = arith.remsi %scan3A_118, %select_n3A : i32
        %ne3A = arith.constant 0 : i32
        %ne3A_122 = arith.cmpi ne, %rem3A, %ne3A : i32
        %lt3A = arith.constant 0 : i32
        %lt3A_123 = arith.cmpi slt, %rem3A, %lt3A : i32
        %lt3A_124 = arith.constant 0 : i32
        %lt3A_125 = arith.cmpi slt, %select_n3A, %lt3A_124 : i32
        %ne3A_126 = arith.xori %lt3A_123, %lt3A_125 : i1
        %and3A = arith.andi %ne3A_126, %ne3A_122 : i1
        %add3A_127 = arith.addi %rem3A, %select_n3A : i32
        %select_n3A_128 = arith.select %and3A, %add3A_127, %rem3A : i32
        %lt3A_129 = arith.constant 15 : i32
        %lt3A_130 = arith.cmpi slt, %scan3A_118, %lt3A_129 : i32
        %convert_element_type3A = arith.extui %lt3A_130 : i1 to i32
        %cond3A = arith.constant 0 : i32
        %cond3A_131 = arith.cmpi ne, %convert_element_type3A, %cond3A : i32
        scf.if %cond3A_131 {
          %add3A_312 = arith.constant 1 : i32
          %add3A_313 = arith.addi %scan3A_118, %add3A_312 : i32
          %sub3A_314 = arith.constant 1 : i32
          %sub3A_315 = arith.subi %sub3A_314, %select_n3A_128 : i32
          %mul3A_316 = arith.constant 64 : i32
          %mul3A_317 = arith.muli %sub3A_315, %mul3A_316 : i32
          %add3A_318 = arith.constant 0 : i32
          %add3A_319 = arith.addi %mul3A_317, %add3A_318 : i32
          %dma_start3A_320 = arith.constant 0 : i32
          %dma_start3A_321 = tpu.memref_slice %arg18[%add3A_319, %dma_start3A_320] : memref<128x128xf32, #tpu.memory_space<vmem>> -> memref<32x128xf32, #tpu.memory_space<vmem>>
          %dma_start3A_322 = arith.constant 0 : i32
          %dma_start3A_323 = tpu.memref_slice %arg13[%add3A_313, %dma_start3A_322] : memref<16x64xi32, #tpu.memory_space<vmem>> -> memref<1x32xi32, #tpu.memory_space<vmem>>
          %dma_start3A_324 = tpu.memref_squeeze %dma_start3A_323 : memref<1x32xi32, #tpu.memory_space<vmem>> -> memref<32xi32, #tpu.memory_space<vmem>>
          %dma_start3A_325 = arith.constant 0 : i32
          %dma_start3A_326 = arith.constant 0 : i32
          %dma_start3A_327 = tpu.memref_slice %arg2[%dma_start3A_325, %dma_start3A_326] : memref<10000x128xf32, #tpu.memory_space<hbm>> -> memref<10000x128xf32, #tpu.memory_space<hbm>>
          tpu.enqueue_indirect_dma source(%dma_start3A_327 : memref<10000x128xf32, #tpu.memory_space<hbm>>) target(%dma_start3A_321 : memref<32x128xf32, #tpu.memory_space<vmem>>) offsets(%dma_start3A_324 : memref<32xi32, #tpu.memory_space<vmem>>) semaphore(%arg22 : memref<!tpu.dma_semaphore, #tpu.memory_space<semaphore_mem>>)
          %mul3A_328 = arith.constant 64 : i32
          %mul3A_329 = arith.muli %sub3A_315, %mul3A_328 : i32
          %add3A_330 = arith.constant 0 : i32
          %add3A_331 = arith.addi %mul3A_329, %add3A_330 : i32
          %dma_start3A_332 = arith.constant 0 : i32
          %dma_start3A_333 = tpu.memref_slice %arg19[%add3A_331, %dma_start3A_332] : memref<128x128xf32, #tpu.memory_space<vmem>> -> memref<32x128xf32, #tpu.memory_space<vmem>>
          %dma_start3A_334 = arith.constant 0 : i32
          %dma_start3A_335 = tpu.memref_slice %arg14[%add3A_313, %dma_start3A_334] : memref<16x64xi32, #tpu.memory_space<vmem>> -> memref<1x32xi32, #tpu.memory_space<vmem>>
          %dma_start3A_336 = tpu.memref_squeeze %dma_start3A_335 : memref<1x32xi32, #tpu.memory_space<vmem>> -> memref<32xi32, #tpu.memory_space<vmem>>
          %dma_start3A_337 = arith.constant 0 : i32
          %dma_start3A_338 = arith.constant 0 : i32
          %dma_start3A_339 = tpu.memref_slice %arg3[%dma_start3A_337, %dma_start3A_338] : memref<10000x128xf32, #tpu.memory_space<hbm>> -> memref<10000x128xf32, #tpu.memory_space<hbm>>
          tpu.enqueue_indirect_dma source(%dma_start3A_339 : memref<10000x128xf32, #tpu.memory_space<hbm>>) target(%dma_start3A_333 : memref<32x128xf32, #tpu.memory_space<vmem>>) offsets(%dma_start3A_336 : memref<32xi32, #tpu.memory_space<vmem>>) semaphore(%arg22 : memref<!tpu.dma_semaphore, #tpu.memory_space<semaphore_mem>>)
          %mul3A_340 = arith.constant 64 : i32
          %mul3A_341 = arith.muli %sub3A_315, %mul3A_340 : i32
          %add3A_342 = arith.constant 32 : i32
          %add3A_343 = arith.addi %mul3A_341, %add3A_342 : i32
          %dma_start3A_344 = arith.constant 0 : i32
          %dma_start3A_345 = tpu.memref_slice %arg18[%add3A_343, %dma_start3A_344] : memref<128x128xf32, #tpu.memory_space<vmem>> -> memref<32x128xf32, #tpu.memory_space<vmem>>
          %dma_start3A_346 = arith.constant 32 : i32
          %dma_start3A_347 = tpu.memref_slice %arg13[%add3A_313, %dma_start3A_346] : memref<16x64xi32, #tpu.memory_space<vmem>> -> memref<1x32xi32, #tpu.memory_space<vmem>>
          %dma_start3A_348 = tpu.memref_squeeze %dma_start3A_347 : memref<1x32xi32, #tpu.memory_space<vmem>> -> memref<32xi32, #tpu.memory_space<vmem>>
          %dma_start3A_349 = arith.constant 0 : i32
          %dma_start3A_350 = arith.constant 0 : i32
          %dma_start3A_351 = tpu.memref_slice %arg2[%dma_start3A_349, %dma_start3A_350] : memref<10000x128xf32, #tpu.memory_space<hbm>> -> memref<10000x128xf32, #tpu.memory_space<hbm>>
          tpu.enqueue_indirect_dma source(%dma_start3A_351 : memref<10000x128xf32, #tpu.memory_space<hbm>>) target(%dma_start3A_345 : memref<32x128xf32, #tpu.memory_space<vmem>>) offsets(%dma_start3A_348 : memref<32xi32, #tpu.memory_space<vmem>>) semaphore(%arg22 : memref<!tpu.dma_semaphore, #tpu.memory_space<semaphore_mem>>)
          %mul3A_352 = arith.constant 64 : i32
          %mul3A_353 = arith.muli %sub3A_315, %mul3A_352 : i32
          %add3A_354 = arith.constant 32 : i32
          %add3A_355 = arith.addi %mul3A_353, %add3A_354 : i32
          %dma_start3A_356 = arith.constant 0 : i32
          %dma_start3A_357 = tpu.memref_slice %arg19[%add3A_355, %dma_start3A_356] : memref<128x128xf32, #tpu.memory_space<vmem>> -> memref<32x128xf32, #tpu.memory_space<vmem>>
          %dma_start3A_358 = arith.constant 32 : i32
          %dma_start3A_359 = tpu.memref_slice %arg14[%add3A_313, %dma_start3A_358] : memref<16x64xi32, #tpu.memory_space<vmem>> -> memref<1x32xi32, #tpu.memory_space<vmem>>
          %dma_start3A_360 = tpu.memref_squeeze %dma_start3A_359 : memref<1x32xi32, #tpu.memory_space<vmem>> -> memref<32xi32, #tpu.memory_space<vmem>>
          %dma_start3A_361 = arith.constant 0 : i32
          %dma_start3A_362 = arith.constant 0 : i32
          %dma_start3A_363 = tpu.memref_slice %arg3[%dma_start3A_361, %dma_start3A_362] : memref<10000x128xf32, #tpu.memory_space<hbm>> -> memref<10000x128xf32, #tpu.memory_space<hbm>>
          tpu.enqueue_indirect_dma source(%dma_start3A_363 : memref<10000x128xf32, #tpu.memory_space<hbm>>) target(%dma_start3A_357 : memref<32x128xf32, #tpu.memory_space<vmem>>) offsets(%dma_start3A_360 : memref<32xi32, #tpu.memory_space<vmem>>) semaphore(%arg22 : memref<!tpu.dma_semaphore, #tpu.memory_space<semaphore_mem>>)
        } else {
        }
        %mul3A_132 = arith.constant 64 : i32
        %mul3A_133 = arith.muli %select_n3A_128, %mul3A_132 : i32
        %add3A_134 = arith.constant 0 : i32
        %add3A_135 = arith.addi %mul3A_133, %add3A_134 : i32
        %dma_wait3A = arith.constant 0 : i32
        %dma_wait3A_136 = tpu.memref_slice %arg18[%add3A_135, %dma_wait3A] : memref<128x128xf32, #tpu.memory_space<vmem>> -> memref<32x128xf32, #tpu.memory_space<vmem>>
        %dma_wait3A_137 = arith.constant 0 : i32
        %dma_wait3A_138 = tpu.memref_slice %arg13[%scan3A_118, %dma_wait3A_137] : memref<16x64xi32, #tpu.memory_space<vmem>> -> memref<1x32xi32, #tpu.memory_space<vmem>>
        %dma_wait3A_139 = tpu.memref_squeeze %dma_wait3A_138 : memref<1x32xi32, #tpu.memory_space<vmem>> -> memref<32xi32, #tpu.memory_space<vmem>>
        %dma_wait3A_140 = arith.constant 0 : i32
        %dma_wait3A_141 = arith.constant 0 : i32
        %dma_wait3A_142 = tpu.memref_slice %arg2[%dma_wait3A_140, %dma_wait3A_141] : memref<10000x128xf32, #tpu.memory_space<hbm>> -> memref<10000x128xf32, #tpu.memory_space<hbm>>
        tpu.wait_indirect_dma semaphore(%arg22 : memref<!tpu.dma_semaphore, #tpu.memory_space<semaphore_mem>>) src(%dma_wait3A_142 : memref<10000x128xf32, #tpu.memory_space<hbm>>) dst(%dma_wait3A_136 : memref<32x128xf32, #tpu.memory_space<vmem>>)
        %mul3A_143 = arith.constant 64 : i32
        %mul3A_144 = arith.muli %select_n3A_128, %mul3A_143 : i32
        %add3A_145 = arith.constant 0 : i32
        %add3A_146 = arith.addi %mul3A_144, %add3A_145 : i32
        %dma_wait3A_147 = arith.constant 0 : i32
        %dma_wait3A_148 = tpu.memref_slice %arg19[%add3A_146, %dma_wait3A_147] : memref<128x128xf32, #tpu.memory_space<vmem>> -> memref<32x128xf32, #tpu.memory_space<vmem>>
        %dma_wait3A_149 = arith.constant 0 : i32
        %dma_wait3A_150 = tpu.memref_slice %arg14[%scan3A_118, %dma_wait3A_149] : memref<16x64xi32, #tpu.memory_space<vmem>> -> memref<1x32xi32, #tpu.memory_space<vmem>>
        %dma_wait3A_151 = tpu.memref_squeeze %dma_wait3A_150 : memref<1x32xi32, #tpu.memory_space<vmem>> -> memref<32xi32, #tpu.memory_space<vmem>>
        %dma_wait3A_152 = arith.constant 0 : i32
        %dma_wait3A_153 = arith.constant 0 : i32
        %dma_wait3A_154 = tpu.memref_slice %arg3[%dma_wait3A_152, %dma_wait3A_153] : memref<10000x128xf32, #tpu.memory_space<hbm>> -> memref<10000x128xf32, #tpu.memory_space<hbm>>
        tpu.wait_indirect_dma semaphore(%arg22 : memref<!tpu.dma_semaphore, #tpu.memory_space<semaphore_mem>>) src(%dma_wait3A_154 : memref<10000x128xf32, #tpu.memory_space<hbm>>) dst(%dma_wait3A_148 : memref<32x128xf32, #tpu.memory_space<vmem>>)
        %mul3A_155 = arith.constant 64 : i32
        %mul3A_156 = arith.muli %select_n3A_128, %mul3A_155 : i32
        %add3A_157 = arith.constant 32 : i32
        %add3A_158 = arith.addi %mul3A_156, %add3A_157 : i32
        %dma_wait3A_159 = arith.constant 0 : i32
        %dma_wait3A_160 = tpu.memref_slice %arg18[%add3A_158, %dma_wait3A_159] : memref<128x128xf32, #tpu.memory_space<vmem>> -> memref<32x128xf32, #tpu.memory_space<vmem>>
        %dma_wait3A_161 = arith.constant 32 : i32
        %dma_wait3A_162 = tpu.memref_slice %arg13[%scan3A_118, %dma_wait3A_161] : memref<16x64xi32, #tpu.memory_space<vmem>> -> memref<1x32xi32, #tpu.memory_space<vmem>>
        %dma_wait3A_163 = tpu.memref_squeeze %dma_wait3A_162 : memref<1x32xi32, #tpu.memory_space<vmem>> -> memref<32xi32, #tpu.memory_space<vmem>>
        %dma_wait3A_164 = arith.constant 0 : i32
        %dma_wait3A_165 = arith.constant 0 : i32
        %dma_wait3A_166 = tpu.memref_slice %arg2[%dma_wait3A_164, %dma_wait3A_165] : memref<10000x128xf32, #tpu.memory_space<hbm>> -> memref<10000x128xf32, #tpu.memory_space<hbm>>
        tpu.wait_indirect_dma semaphore(%arg22 : memref<!tpu.dma_semaphore, #tpu.memory_space<semaphore_mem>>) src(%dma_wait3A_166 : memref<10000x128xf32, #tpu.memory_space<hbm>>) dst(%dma_wait3A_160 : memref<32x128xf32, #tpu.memory_space<vmem>>)
        %mul3A_167 = arith.constant 64 : i32
        %mul3A_168 = arith.muli %select_n3A_128, %mul3A_167 : i32
        %add3A_169 = arith.constant 32 : i32
        %add3A_170 = arith.addi %mul3A_168, %add3A_169 : i32
        %dma_wait3A_171 = arith.constant 0 : i32
        %dma_wait3A_172 = tpu.memref_slice %arg19[%add3A_170, %dma_wait3A_171] : memref<128x128xf32, #tpu.memory_space<vmem>> -> memref<32x128xf32, #tpu.memory_space<vmem>>
        %dma_wait3A_173 = arith.constant 32 : i32
        %dma_wait3A_174 = tpu.memref_slice %arg14[%scan3A_118, %dma_wait3A_173] : memref<16x64xi32, #tpu.memory_space<vmem>> -> memref<1x32xi32, #tpu.memory_space<vmem>>
        %dma_wait3A_175 = tpu.memref_squeeze %dma_wait3A_174 : memref<1x32xi32, #tpu.memory_space<vmem>> -> memref<32xi32, #tpu.memory_space<vmem>>
        %dma_wait3A_176 = arith.constant 0 : i32
        %dma_wait3A_177 = arith.constant 0 : i32
        %dma_wait3A_178 = tpu.memref_slice %arg3[%dma_wait3A_176, %dma_wait3A_177] : memref<10000x128xf32, #tpu.memory_space<hbm>> -> memref<10000x128xf32, #tpu.memory_space<hbm>>
        tpu.wait_indirect_dma semaphore(%arg22 : memref<!tpu.dma_semaphore, #tpu.memory_space<semaphore_mem>>) src(%dma_wait3A_178 : memref<10000x128xf32, #tpu.memory_space<hbm>>) dst(%dma_wait3A_172 : memref<32x128xf32, #tpu.memory_space<vmem>>)
        %jit3A_179 = arith.constant 2 : i32
        %div3A = arith.divsi %scan3A_118, %jit3A_179 : i32
        %sign3A = arith.constant 0 : i32
        %sign3A_180 = arith.cmpi sgt, %scan3A_118, %sign3A : i32
        %sign3A_181 = arith.extui %sign3A_180 : i1 to i32
        %sign3A_182 = arith.constant 0 : i32
        %sign3A_183 = arith.cmpi slt, %scan3A_118, %sign3A_182 : i32
        %sign3A_184 = arith.extui %sign3A_183 : i1 to i32
        %sign3A_185 = arith.subi %sign3A_181, %sign3A_184 : i32
        %sign3A_186 = arith.constant 0 : i32
        %sign3A_187 = arith.cmpi sgt, %jit3A_179, %sign3A_186 : i32
        %sign3A_188 = arith.extui %sign3A_187 : i1 to i32
        %sign3A_189 = arith.constant 0 : i32
        %sign3A_190 = arith.cmpi slt, %jit3A_179, %sign3A_189 : i32
        %sign3A_191 = arith.extui %sign3A_190 : i1 to i32
        %sign3A_192 = arith.subi %sign3A_188, %sign3A_191 : i32
        %ne3A_193 = arith.cmpi ne, %sign3A_185, %sign3A_192 : i32
        %rem3A_194 = arith.remsi %scan3A_118, %jit3A_179 : i32
        %ne3A_195 = arith.constant 0 : i32
        %ne3A_196 = arith.cmpi ne, %rem3A_194, %ne3A_195 : i32
        %and3A_197 = arith.andi %ne3A_193, %ne3A_196 : i1
        %sub3A = arith.constant 1 : i32
        %sub3A_198 = arith.subi %div3A, %sub3A : i32
        %select_n3A_199 = arith.select %and3A_197, %sub3A_198, %div3A : i32
        %mul3A_200 = arith.constant 64 : i32
        %mul3A_201 = arith.muli %select_n3A_128, %mul3A_200 : i32
        %add3A_202 = arith.constant 0 : i32
        %add3A_203 = arith.addi %mul3A_201, %add3A_202 : i32
        %get3A = arith.index_cast %select_n3A_199 : i32 to index
        %get3A_204 = arith.index_cast %add3A_203 : i32 to index
        %get3A_205 = tpu.vector_load %arg15[%get3A, %get3A_204] {strides = array<i32>} : memref<8x128xf32, #tpu.memory_space<vmem>>, vector<16xf32>,
        %mul3A_206 = arith.constant 64 : i32
        %mul3A_207 = arith.muli %select_n3A_128, %mul3A_206 : i32
        %add3A_208 = arith.constant 16 : i32
        %add3A_209 = arith.addi %mul3A_207, %add3A_208 : i32
        %get3A_210 = arith.index_cast %select_n3A_199 : i32 to index
        %get3A_211 = arith.index_cast %add3A_209 : i32 to index
        %get3A_212 = tpu.vector_load %arg15[%get3A_210, %get3A_211] {strides = array<i32>} : memref<8x128xf32, #tpu.memory_space<vmem>>, vector<16xf32>,
        %mul3A_213 = arith.constant 64 : i32
        %mul3A_214 = arith.muli %select_n3A_128, %mul3A_213 : i32
        %add3A_215 = arith.constant 32 : i32
        %add3A_216 = arith.addi %mul3A_214, %add3A_215 : i32
        %get3A_217 = arith.index_cast %select_n3A_199 : i32 to index
        %get3A_218 = arith.index_cast %add3A_216 : i32 to index
        %get3A_219 = tpu.vector_load %arg15[%get3A_217, %get3A_218] {strides = array<i32>} : memref<8x128xf32, #tpu.memory_space<vmem>>, vector<16xf32>,
        %mul3A_220 = arith.constant 64 : i32
        %mul3A_221 = arith.muli %select_n3A_128, %mul3A_220 : i32
        %add3A_222 = arith.constant 48 : i32
        %add3A_223 = arith.addi %mul3A_221, %add3A_222 : i32
        %get3A_224 = arith.index_cast %select_n3A_199 : i32 to index
        %get3A_225 = arith.index_cast %add3A_223 : i32 to index
        %get3A_226 = tpu.vector_load %arg15[%get3A_224, %get3A_225] {strides = array<i32>} : memref<8x128xf32, #tpu.memory_space<vmem>>, vector<16xf32>,
        %mul3A_227 = arith.constant 64 : i32
        %mul3A_228 = arith.muli %select_n3A_128, %mul3A_227 : i32
        %broadcast_in_dim3A_229 = arith.constant 0.000000e+00 : f32
        %broadcast_in_dim3A_230 = vector.broadcast %broadcast_in_dim3A_229 : f32 to vector<16xf32>
        %scan3A_231 = arith.constant 0 : i32
        %scan3A_232 = arith.constant 128 : i32
        %scan3A_233 = arith.addi %scan3A_231, %scan3A_232 : i32
        %scan3A_234 = arith.constant 1 : i32
        %scan3A_235:4 = scf.for %scan3A_312 = %scan3A_231 to %scan3A_233 step %scan3A_234 iter_args(%scan3A_313 = %broadcast_in_dim3A_230, %scan3A_314 = %broadcast_in_dim3A_230, %scan3A_315 = %broadcast_in_dim3A_230, %scan3A_316 = %broadcast_in_dim3A_230) -> (vector<16xf32>, vector<16xf32>, vector<16xf32>, vector<16xf32>)  : i32 {
          %broadcast_in_dim3A_317 = vector.broadcast %scan3A_312 : i32 to vector<16xi32>
          %add3A_318 = arith.addi %broadcast_in_dim3A_317, %iota3A : vector<16xi32>
          %and3A_319 = arith.constant 127 : i32
          %and3A_320 = vector.broadcast %and3A_319 : i32 to vector<16xi32>
          %and3A_321 = arith.andi %add3A_318, %and3A_320 : vector<16xi32>
          %gather3A = tpu.vector_load_idx %arg16[%broadcast_in_dim3A_42, %and3A_321] : memref<1x128xf32, #tpu.memory_space<vmem>>[vector<16xi32>, vector<16xi32>], vector<16xf32>,
          %gather3A_322 = tpu.vector_load_idx %arg17[%broadcast_in_dim3A_42, %and3A_321] : memref<1x128xf32, #tpu.memory_space<vmem>>[vector<16xi32>, vector<16xi32>], vector<16xf32>,
          %add3A_323 = arith.constant 0 : i32
          %add3A_324 = arith.addi %mul3A_228, %add3A_323 : i32
          %add3A_325 = vector.broadcast %add3A_324 : i32 to vector<16xi32>
          %add3A_326 = arith.addi %iota3A, %add3A_325 : vector<16xi32>
          %gather3A_327 = tpu.vector_load_idx %arg18[%add3A_326, %and3A_321] : memref<128x128xf32, #tpu.memory_space<vmem>>[vector<16xi32>, vector<16xi32>], vector<16xf32>,
          %gather3A_328 = tpu.vector_load_idx %arg19[%add3A_326, %and3A_321] : memref<128x128xf32, #tpu.memory_space<vmem>>[vector<16xi32>, vector<16xi32>], vector<16xf32>,
          %add3A_329 = arith.addf %gather3A_327, %gather3A_328 : vector<16xf32>
          %mul3A_330 = arith.mulf %get3A_205, %gather3A : vector<16xf32>
          %add3A_331 = arith.addf %add3A_329, %mul3A_330 : vector<16xf32>
          %mul3A_332 = arith.constant 2.000000e-01 : f32
          %mul3A_333 = vector.broadcast %mul3A_332 : f32 to vector<16xf32>
          %mul3A_334 = arith.mulf %add3A_331, %mul3A_333 : vector<16xf32>
          %max3A = arith.maximumf %add3A_331, %mul3A_334 : vector<16xf32>
          %mul3A_335 = arith.mulf %max3A, %gather3A_322 : vector<16xf32>
          %add3A_336 = arith.addf %scan3A_313, %mul3A_335 : vector<16xf32>
          %add3A_337 = arith.constant 16 : i32
          %add3A_338 = arith.addi %mul3A_228, %add3A_337 : i32
          %add3A_339 = vector.broadcast %add3A_338 : i32 to vector<16xi32>
          %add3A_340 = arith.addi %iota3A, %add3A_339 : vector<16xi32>
          %gather3A_341 = tpu.vector_load_idx %arg18[%add3A_340, %and3A_321] : memref<128x128xf32, #tpu.memory_space<vmem>>[vector<16xi32>, vector<16xi32>], vector<16xf32>,
          %gather3A_342 = tpu.vector_load_idx %arg19[%add3A_340, %and3A_321] : memref<128x128xf32, #tpu.memory_space<vmem>>[vector<16xi32>, vector<16xi32>], vector<16xf32>,
          %add3A_343 = arith.addf %gather3A_341, %gather3A_342 : vector<16xf32>
          %mul3A_344 = arith.mulf %get3A_212, %gather3A : vector<16xf32>
          %add3A_345 = arith.addf %add3A_343, %mul3A_344 : vector<16xf32>
          %mul3A_346 = arith.constant 2.000000e-01 : f32
          %mul3A_347 = vector.broadcast %mul3A_346 : f32 to vector<16xf32>
          %mul3A_348 = arith.mulf %add3A_345, %mul3A_347 : vector<16xf32>
          %max3A_349 = arith.maximumf %add3A_345, %mul3A_348 : vector<16xf32>
          %mul3A_350 = arith.mulf %max3A_349, %gather3A_322 : vector<16xf32>
          %add3A_351 = arith.addf %scan3A_314, %mul3A_350 : vector<16xf32>
          %add3A_352 = arith.constant 32 : i32
          %add3A_353 = arith.addi %mul3A_228, %add3A_352 : i32
          %add3A_354 = vector.broadcast %add3A_353 : i32 to vector<16xi32>
          %add3A_355 = arith.addi %iota3A, %add3A_354 : vector<16xi32>
          %gather3A_356 = tpu.vector_load_idx %arg18[%add3A_355, %and3A_321] : memref<128x128xf32, #tpu.memory_space<vmem>>[vector<16xi32>, vector<16xi32>], vector<16xf32>,
          %gather3A_357 = tpu.vector_load_idx %arg19[%add3A_355, %and3A_321] : memref<128x128xf32, #tpu.memory_space<vmem>>[vector<16xi32>, vector<16xi32>], vector<16xf32>,
          %add3A_358 = arith.addf %gather3A_356, %gather3A_357 : vector<16xf32>
          %mul3A_359 = arith.mulf %get3A_219, %gather3A : vector<16xf32>
          %add3A_360 = arith.addf %add3A_358, %mul3A_359 : vector<16xf32>
          %mul3A_361 = arith.constant 2.000000e-01 : f32
          %mul3A_362 = vector.broadcast %mul3A_361 : f32 to vector<16xf32>
          %mul3A_363 = arith.mulf %add3A_360, %mul3A_362 : vector<16xf32>
          %max3A_364 = arith.maximumf %add3A_360, %mul3A_363 : vector<16xf32>
          %mul3A_365 = arith.mulf %max3A_364, %gather3A_322 : vector<16xf32>
          %add3A_366 = arith.addf %scan3A_315, %mul3A_365 : vector<16xf32>
          %add3A_367 = arith.constant 48 : i32
          %add3A_368 = arith.addi %mul3A_228, %add3A_367 : i32
          %add3A_369 = vector.broadcast %add3A_368 : i32 to vector<16xi32>
          %add3A_370 = arith.addi %iota3A, %add3A_369 : vector<16xi32>
          %gather3A_371 = tpu.vector_load_idx %arg18[%add3A_370, %and3A_321] : memref<128x128xf32, #tpu.memory_space<vmem>>[vector<16xi32>, vector<16xi32>], vector<16xf32>,
          %gather3A_372 = tpu.vector_load_idx %arg19[%add3A_370, %and3A_321] : memref<128x128xf32, #tpu.memory_space<vmem>>[vector<16xi32>, vector<16xi32>], vector<16xf32>,
          %add3A_373 = arith.addf %gather3A_371, %gather3A_372 : vector<16xf32>
          %mul3A_374 = arith.mulf %get3A_226, %gather3A : vector<16xf32>
          %add3A_375 = arith.addf %add3A_373, %mul3A_374 : vector<16xf32>
          %mul3A_376 = arith.constant 2.000000e-01 : f32
          %mul3A_377 = vector.broadcast %mul3A_376 : f32 to vector<16xf32>
          %mul3A_378 = arith.mulf %add3A_375, %mul3A_377 : vector<16xf32>
          %max3A_379 = arith.maximumf %add3A_375, %mul3A_378 : vector<16xf32>
          %mul3A_380 = arith.mulf %max3A_379, %gather3A_322 : vector<16xf32>
          %add3A_381 = arith.addf %scan3A_316, %mul3A_380 : vector<16xf32>
          scf.yield %add3A_336, %add3A_351, %add3A_366, %add3A_381 : vector<16xf32>, vector<16xf32>, vector<16xf32>, vector<16xf32>
        }
        %scan3A_236 = arith.constant 128 : i32
        %add3A_237 = arith.addi %add3A_66, %select_n3A_199 : i32
        %mul3A_238 = arith.constant 128 : i32
        %mul3A_239 = arith.muli %add3A_237, %mul3A_238 : i32
        %mul3A_240 = arith.constant 64 : i32
        %mul3A_241 = arith.muli %select_n3A_128, %mul3A_240 : i32
        %add3A_242 = arith.addi %mul3A_239, %mul3A_241 : i32
        %add3A_243 = arith.constant 0 : i32
        %add3A_244 = arith.addi %add3A_242, %add3A_243 : i32
        %add3A_245 = vector.broadcast %add3A_244 : i32 to vector<16xi32>
        %add3A_246 = arith.addi %add3A_245, %iota3A : vector<16xi32>
        %lt3A_247 = arith.constant 320000 : i32
        %lt3A_248 = vector.broadcast %lt3A_247 : i32 to vector<16xi32>
        %lt3A_249 = arith.cmpi slt, %add3A_246, %lt3A_248 : vector<16xi32>
        %exp3A = math.exp %scan3A_235#0 : vector<16xf32>
        %jit3A_250 = arith.constant 0.000000e+00 : f32
        %broadcast_in_dim3A_251 = vector.broadcast %jit3A_250 : f32 to vector<16xf32>
        %select_n3A_252 = arith.select %lt3A_249, %exp3A, %broadcast_in_dim3A_251 : vector<16xi1>, vector<16xf32>
        %add3A_253 = arith.constant 16 : i32
        %add3A_254 = arith.addi %add3A_242, %add3A_253 : i32
        %add3A_255 = vector.broadcast %add3A_254 : i32 to vector<16xi32>
        %add3A_256 = arith.addi %add3A_255, %iota3A : vector<16xi32>
        %lt3A_257 = arith.constant 320000 : i32
        %lt3A_258 = vector.broadcast %lt3A_257 : i32 to vector<16xi32>
        %lt3A_259 = arith.cmpi slt, %add3A_256, %lt3A_258 : vector<16xi32>
        %exp3A_260 = math.exp %scan3A_235#1 : vector<16xf32>
        %jit3A_261 = arith.constant 0.000000e+00 : f32
        %broadcast_in_dim3A_262 = vector.broadcast %jit3A_261 : f32 to vector<16xf32>
        %select_n3A_263 = arith.select %lt3A_259, %exp3A_260, %broadcast_in_dim3A_262 : vector<16xi1>, vector<16xf32>
        %add3A_264 = arith.constant 32 : i32
        %add3A_265 = arith.addi %add3A_242, %add3A_264 : i32
        %add3A_266 = vector.broadcast %add3A_265 : i32 to vector<16xi32>
        %add3A_267 = arith.addi %add3A_266, %iota3A : vector<16xi32>
        %lt3A_268 = arith.constant 320000 : i32
        %lt3A_269 = vector.broadcast %lt3A_268 : i32 to vector<16xi32>
        %lt3A_270 = arith.cmpi slt, %add3A_267, %lt3A_269 : vector<16xi32>
        %exp3A_271 = math.exp %scan3A_235#2 : vector<16xf32>
        %jit3A_272 = arith.constant 0.000000e+00 : f32
        %broadcast_in_dim3A_273 = vector.broadcast %jit3A_272 : f32 to vector<16xf32>
        %select_n3A_274 = arith.select %lt3A_270, %exp3A_271, %broadcast_in_dim3A_273 : vector<16xi1>, vector<16xf32>
        %add3A_275 = arith.constant 48 : i32
        %add3A_276 = arith.addi %add3A_242, %add3A_275 : i32
        %add3A_277 = vector.broadcast %add3A_276 : i32 to vector<16xi32>
        %add3A_278 = arith.addi %add3A_277, %iota3A : vector<16xi32>
        %lt3A_279 = arith.constant 320000 : i32
        %lt3A_280 = vector.broadcast %lt3A_279 : i32 to vector<16xi32>
        %lt3A_281 = arith.cmpi slt, %add3A_278, %lt3A_280 : vector<16xi32>
        %exp3A_282 = math.exp %scan3A_235#3 : vector<16xf32>
        %jit3A_283 = arith.constant 0.000000e+00 : f32
        %broadcast_in_dim3A_284 = vector.broadcast %jit3A_283 : f32 to vector<16xf32>
        %select_n3A_285 = arith.select %lt3A_281, %exp3A_282, %broadcast_in_dim3A_284 : vector<16xi1>, vector<16xf32>
        %swap3A = arith.constant 0 : i32
        %swap3A_286 = arith.index_cast %swap3A : i32 to index
        %swap3A_287 = arith.constant 0 : index
        %swap3A_288 = tpu.vector_load %arg20[%swap3A_286, %swap3A_287] {strides = array<i32>} : memref<1x64xf32, #tpu.memory_space<vmem>>, vector<16xf32>,
        tpu.vector_store %arg20[%swap3A_286, %swap3A_287], %select_n3A_252 {strides = array<i32>} : memref<1x64xf32, #tpu.memory_space<vmem>>, vector<16xf32>,
        %swap3A_289 = arith.constant 0 : i32
        %swap3A_290 = arith.index_cast %swap3A_289 : i32 to index
        %swap3A_291 = arith.constant 16 : index
        %swap3A_292 = tpu.vector_load %arg20[%swap3A_290, %swap3A_291] {strides = array<i32>} : memref<1x64xf32, #tpu.memory_space<vmem>>, vector<16xf32>,
        tpu.vector_store %arg20[%swap3A_290, %swap3A_291], %select_n3A_263 {strides = array<i32>} : memref<1x64xf32, #tpu.memory_space<vmem>>, vector<16xf32>,
        %swap3A_293 = arith.constant 0 : i32
        %swap3A_294 = arith.index_cast %swap3A_293 : i32 to index
        %swap3A_295 = arith.constant 32 : index
        %swap3A_296 = tpu.vector_load %arg20[%swap3A_294, %swap3A_295] {strides = array<i32>} : memref<1x64xf32, #tpu.memory_space<vmem>>, vector<16xf32>,
        tpu.vector_store %arg20[%swap3A_294, %swap3A_295], %select_n3A_274 {strides = array<i32>} : memref<1x64xf32, #tpu.memory_space<vmem>>, vector<16xf32>,
        %swap3A_297 = arith.constant 0 : i32
        %swap3A_298 = arith.index_cast %swap3A_297 : i32 to index
        %swap3A_299 = arith.constant 48 : index
        %swap3A_300 = tpu.vector_load %arg20[%swap3A_298, %swap3A_299] {strides = array<i32>} : memref<1x64xf32, #tpu.memory_space<vmem>>, vector<16xf32>,
        tpu.vector_store %arg20[%swap3A_298, %swap3A_299], %select_n3A_285 {strides = array<i32>} : memref<1x64xf32, #tpu.memory_space<vmem>>, vector<16xf32>,
        %scan3A_301 = arith.constant 0 : i32
        %scan3A_302 = arith.constant 0 : i32
        %scan3A_303 = arith.constant 128 : i32
        %scan3A_304 = arith.addi %scan3A_302, %scan3A_303 : i32
        %scan3A_305 = arith.constant 1 : i32
        %scan3A_306 = scf.for %scan3A_312 = %scan3A_302 to %scan3A_304 step %scan3A_305 iter_args(%scan3A_313 = %scan3A_301) -> (i32)  : i32 {
          %broadcast_in_dim3A_314 = vector.broadcast %scan3A_312 : i32 to vector<16xi32>
          %add3A_315 = arith.addi %broadcast_in_dim3A_314, %iota3A : vector<16xi32>
          %and3A_316 = arith.constant 127 : i32
          %and3A_317 = vector.broadcast %and3A_316 : i32 to vector<16xi32>
          %and3A_318 = arith.andi %add3A_315, %and3A_317 : vector<16xi32>
          %add3A_319 = arith.constant 0 : i32
          %add3A_320 = arith.addi %mul3A_228, %add3A_319 : i32
          %add3A_321 = vector.broadcast %add3A_320 : i32 to vector<16xi32>
          %add3A_322 = arith.addi %iota3A, %add3A_321 : vector<16xi32>
          %gather3A = tpu.vector_load_idx %arg18[%add3A_322, %and3A_318] : memref<128x128xf32, #tpu.memory_space<vmem>>[vector<16xi32>, vector<16xi32>], vector<16xf32>,
          %mul3A_323 = arith.mulf %gather3A, %select_n3A_252 : vector<16xf32>
          tpu.vector_store_idx %arg18[%add3A_322, %and3A_318], %mul3A_323 : memref<128x128xf32, #tpu.memory_space<vmem>>[vector<16xi32>, vector<16xi32>], vector<16xf32>,
          %add3A_324 = arith.constant 16 : i32
          %add3A_325 = arith.addi %mul3A_228, %add3A_324 : i32
          %add3A_326 = vector.broadcast %add3A_325 : i32 to vector<16xi32>
          %add3A_327 = arith.addi %iota3A, %add3A_326 : vector<16xi32>
          %gather3A_328 = tpu.vector_load_idx %arg18[%add3A_327, %and3A_318] : memref<128x128xf32, #tpu.memory_space<vmem>>[vector<16xi32>, vector<16xi32>], vector<16xf32>,
          %mul3A_329 = arith.mulf %gather3A_328, %select_n3A_263 : vector<16xf32>
          tpu.vector_store_idx %arg18[%add3A_327, %and3A_318], %mul3A_329 : memref<128x128xf32, #tpu.memory_space<vmem>>[vector<16xi32>, vector<16xi32>], vector<16xf32>,
          %add3A_330 = arith.constant 32 : i32
          %add3A_331 = arith.addi %mul3A_228, %add3A_330 : i32
          %add3A_332 = vector.broadcast %add3A_331 : i32 to vector<16xi32>
          %add3A_333 = arith.addi %iota3A, %add3A_332 : vector<16xi32>
          %gather3A_334 = tpu.vector_load_idx %arg18[%add3A_333, %and3A_318] : memref<128x128xf32, #tpu.memory_space<vmem>>[vector<16xi32>, vector<16xi32>], vector<16xf32>,
          %mul3A_335 = arith.mulf %gather3A_334, %select_n3A_274 : vector<16xf32>
          tpu.vector_store_idx %arg18[%add3A_333, %and3A_318], %mul3A_335 : memref<128x128xf32, #tpu.memory_space<vmem>>[vector<16xi32>, vector<16xi32>], vector<16xf32>,
          %add3A_336 = arith.constant 48 : i32
          %add3A_337 = arith.addi %mul3A_228, %add3A_336 : i32
          %add3A_338 = vector.broadcast %add3A_337 : i32 to vector<16xi32>
          %add3A_339 = arith.addi %iota3A, %add3A_338 : vector<16xi32>
          %gather3A_340 = tpu.vector_load_idx %arg18[%add3A_339, %and3A_318] : memref<128x128xf32, #tpu.memory_space<vmem>>[vector<16xi32>, vector<16xi32>], vector<16xf32>,
          %mul3A_341 = arith.mulf %gather3A_340, %select_n3A_285 : vector<16xf32>
          tpu.vector_store_idx %arg18[%add3A_339, %and3A_318], %mul3A_341 : memref<128x128xf32, #tpu.memory_space<vmem>>[vector<16xi32>, vector<16xi32>], vector<16xf32>,
          %scan3A_342 = arith.constant 0 : i32
          scf.yield %scan3A_342 : i32
        }
        %scan3A_307 = arith.constant 128 : i32
        %mul3A_308 = arith.constant 64 : i32
        %mul3A_309 = arith.muli %select_n3A_128, %mul3A_308 : i32
        "tpu.region"() ({
          %run_scoped3A_312 = tpu.sem_alloc : memref<!tpu.dma_semaphore, #tpu.memory_space<semaphore_mem>>
          %dma_start3A_313 = arith.constant 0 : i32
          %dma_start3A_314 = tpu.memref_slice %arg18[%mul3A_309, %dma_start3A_313] : memref<128x128xf32, #tpu.memory_space<vmem>> -> memref<64x128xf32, #tpu.memory_space<vmem>>
          %dma_start3A_315 = arith.constant 0 : i32
          %dma_start3A_316 = tpu.memref_slice %arg14[%scan3A_118, %dma_start3A_315] : memref<16x64xi32, #tpu.memory_space<vmem>> -> memref<1x64xi32, #tpu.memory_space<vmem>>
          %dma_start3A_317 = tpu.memref_squeeze %dma_start3A_316 : memref<1x64xi32, #tpu.memory_space<vmem>> -> memref<64xi32, #tpu.memory_space<vmem>>
          %dma_start3A_318 = arith.constant 0 : i32
          %dma_start3A_319 = arith.constant 0 : i32
          %dma_start3A_320 = tpu.memref_slice %arg11[%dma_start3A_318, %dma_start3A_319] : memref<10112x128xf32, #tpu.memory_space<vmem_shared>> -> memref<10112x128xf32, #tpu.memory_space<vmem_shared>>
          tpu.enqueue_indirect_dma source(%dma_start3A_314 : memref<64x128xf32, #tpu.memory_space<vmem>>) target(%dma_start3A_320 : memref<10112x128xf32, #tpu.memory_space<vmem_shared>>) offsets(%dma_start3A_317 : memref<64xi32, #tpu.memory_space<vmem>>) semaphore(%run_scoped3A_312 : memref<!tpu.dma_semaphore, #tpu.memory_space<semaphore_mem>>) {add = true}
          %dma_wait3A_321 = arith.constant 0 : i32
          %dma_wait3A_322 = tpu.memref_slice %arg18[%mul3A_309, %dma_wait3A_321] : memref<128x128xf32, #tpu.memory_space<vmem>> -> memref<64x128xf32, #tpu.memory_space<vmem>>
          %dma_wait3A_323 = arith.constant 0 : i32
          %dma_wait3A_324 = tpu.memref_slice %arg14[%scan3A_118, %dma_wait3A_323] : memref<16x64xi32, #tpu.memory_space<vmem>> -> memref<1x64xi32, #tpu.memory_space<vmem>>
          %dma_wait3A_325 = tpu.memref_squeeze %dma_wait3A_324 : memref<1x64xi32, #tpu.memory_space<vmem>> -> memref<64xi32, #tpu.memory_space<vmem>>
          %dma_wait3A_326 = arith.constant 0 : i32
          %dma_wait3A_327 = arith.constant 0 : i32
          %dma_wait3A_328 = tpu.memref_slice %arg11[%dma_wait3A_326, %dma_wait3A_327] : memref<10112x128xf32, #tpu.memory_space<vmem_shared>> -> memref<10112x128xf32, #tpu.memory_space<vmem_shared>>
          tpu.wait_indirect_dma semaphore(%run_scoped3A_312 : memref<!tpu.dma_semaphore, #tpu.memory_space<semaphore_mem>>) src(%dma_wait3A_322 : memref<64x128xf32, #tpu.memory_space<vmem>>) dst(%dma_wait3A_328 : memref<10112x128xf32, #tpu.memory_space<vmem_shared>>)
          tpu.yield
        }) : () -> ()
        %run_scoped3A_310 = arith.constant 0 : i32
        "tpu.region"() ({
          %run_scoped3A_312 = tpu.sem_alloc : memref<!tpu.dma_semaphore, #tpu.memory_space<semaphore_mem>>
          %dma_start3A_313 = arith.constant 0 : i32
          %dma_start3A_314 = tpu.memref_slice %arg20[%run_scoped3A_310, %dma_start3A_313] : memref<1x64xf32, #tpu.memory_space<vmem>> -> memref<1x64xf32, #tpu.memory_space<vmem>>
          %dma_start3A_315 = tpu.memref_squeeze %dma_start3A_314 : memref<1x64xf32, #tpu.memory_space<vmem>> -> memref<64xf32, #tpu.memory_space<vmem>>
          %dma_start3A_316 = arith.constant 0 : i32
          %dma_start3A_317 = tpu.memref_slice %arg14[%scan3A_118, %dma_start3A_316] : memref<16x64xi32, #tpu.memory_space<vmem>> -> memref<1x64xi32, #tpu.memory_space<vmem>>
          %dma_start3A_318 = tpu.memref_squeeze %dma_start3A_317 : memref<1x64xi32, #tpu.memory_space<vmem>> -> memref<64xi32, #tpu.memory_space<vmem>>
          %dma_start3A_319 = arith.constant 0 : i32
          %dma_start3A_320 = tpu.memref_slice %arg12[%dma_start3A_319] : memref<10240xf32, #tpu.memory_space<vmem_shared>> -> memref<10240xf32, #tpu.memory_space<vmem_shared>>
          tpu.enqueue_indirect_dma source(%dma_start3A_315 : memref<64xf32, #tpu.memory_space<vmem>>) target(%dma_start3A_320 : memref<10240xf32, #tpu.memory_space<vmem_shared>>) offsets(%dma_start3A_318 : memref<64xi32, #tpu.memory_space<vmem>>) semaphore(%run_scoped3A_312 : memref<!tpu.dma_semaphore, #tpu.memory_space<semaphore_mem>>) {add = true}
          %dma_wait3A_321 = arith.constant 0 : i32
          %dma_wait3A_322 = tpu.memref_slice %arg20[%run_scoped3A_310, %dma_wait3A_321] : memref<1x64xf32, #tpu.memory_space<vmem>> -> memref<1x64xf32, #tpu.memory_space<vmem>>
          %dma_wait3A_323 = tpu.memref_squeeze %dma_wait3A_322 : memref<1x64xf32, #tpu.memory_space<vmem>> -> memref<64xf32, #tpu.memory_space<vmem>>
          %dma_wait3A_324 = arith.constant 0 : i32
          %dma_wait3A_325 = tpu.memref_slice %arg14[%scan3A_118, %dma_wait3A_324] : memref<16x64xi32, #tpu.memory_space<vmem>> -> memref<1x64xi32, #tpu.memory_space<vmem>>
          %dma_wait3A_326 = tpu.memref_squeeze %dma_wait3A_325 : memref<1x64xi32, #tpu.memory_space<vmem>> -> memref<64xi32, #tpu.memory_space<vmem>>
          %dma_wait3A_327 = arith.constant 0 : i32
          %dma_wait3A_328 = tpu.memref_slice %arg12[%dma_wait3A_327] : memref<10240xf32, #tpu.memory_space<vmem_shared>> -> memref<10240xf32, #tpu.memory_space<vmem_shared>>
          tpu.wait_indirect_dma semaphore(%run_scoped3A_312 : memref<!tpu.dma_semaphore, #tpu.memory_space<semaphore_mem>>) src(%dma_wait3A_323 : memref<64xf32, #tpu.memory_space<vmem>>) dst(%dma_wait3A_328 : memref<10240xf32, #tpu.memory_space<vmem_shared>>)
          tpu.yield
        }) : () -> ()
        %scan3A_311 = arith.constant 0 : i32
        scf.yield %scan3A_311 : i32
      }
      %scan3A_116 = arith.constant 16 : i32
      %scan3A_117 = arith.constant 0 : i32
      scf.yield %scan3A_117 : i32
    }
    %scan3A_49 = arith.constant 10 : i32
    %barrier3A_50 = arith.constant 0 : index
    tpu.barrier barrier_id(%barrier3A_50)
    %mul3A_51 = arith.constant 632 : i32
    %mul3A_52 = arith.muli %arg1, %mul3A_51 : i32
    %mul3A_53 = arith.constant 632 : i32
    %mul3A_54 = arith.muli %arg1, %mul3A_53 : i32
    "tpu.region"() ({
      %run_scoped3A_62 = tpu.sem_alloc : memref<!tpu.dma_semaphore, #tpu.memory_space<semaphore_mem>>
      %dma_start3A = arith.constant 0 : i32
      %dma_start3A_63 = tpu.memref_slice %arg9[%arg0, %mul3A_54, %dma_start3A] : memref<2x10112x128xf32, #tpu.memory_space<hbm>> -> memref<1x632x128xf32, #tpu.memory_space<hbm>>
      %dma_start3A_64 = tpu.memref_squeeze %dma_start3A_63 : memref<1x632x128xf32, #tpu.memory_space<hbm>> -> memref<632x128xf32, #tpu.memory_space<hbm>>
      %dma_start3A_65 = arith.constant 0 : i32
      %dma_start3A_66 = tpu.memref_slice %arg11[%mul3A_52, %dma_start3A_65] : memref<10112x128xf32, #tpu.memory_space<vmem_shared>> -> memref<632x128xf32, #tpu.memory_space<vmem_shared>>
      tpu.enqueue_dma source(%dma_start3A_66 : memref<632x128xf32, #tpu.memory_space<vmem_shared>>) target(%dma_start3A_64 : memref<632x128xf32, #tpu.memory_space<hbm>>) target_semaphore(%run_scoped3A_62 : memref<!tpu.dma_semaphore, #tpu.memory_space<semaphore_mem>>)
      %dma_wait3A = arith.constant 0 : i32
      %dma_wait3A_67 = tpu.memref_slice %arg9[%arg0, %mul3A_54, %dma_wait3A] : memref<2x10112x128xf32, #tpu.memory_space<hbm>> -> memref<1x632x128xf32, #tpu.memory_space<hbm>>
      %dma_wait3A_68 = tpu.memref_squeeze %dma_wait3A_67 : memref<1x632x128xf32, #tpu.memory_space<hbm>> -> memref<632x128xf32, #tpu.memory_space<hbm>>
      %dma_wait3A_69 = arith.constant 0 : i32
      %dma_wait3A_70 = tpu.memref_slice %arg11[%mul3A_52, %dma_wait3A_69] : memref<10112x128xf32, #tpu.memory_space<vmem_shared>> -> memref<632x128xf32, #tpu.memory_space<vmem_shared>>
      tpu.wait_dma2 semaphore(%run_scoped3A_62 : memref<!tpu.dma_semaphore, #tpu.memory_space<semaphore_mem>>) src(%dma_wait3A_70 : memref<632x128xf32, #tpu.memory_space<vmem_shared>>) dst(%dma_wait3A_68 : memref<632x128xf32, #tpu.memory_space<hbm>>)
      tpu.yield
    }) : () -> ()
    %mul3A_55 = arith.constant 640 : i32
    %mul3A_56 = arith.muli %arg1, %mul3A_55 : i32
    %mul3A_57 = arith.constant 10240 : i32
    %mul3A_58 = arith.muli %arg0, %mul3A_57 : i32
    %mul3A_59 = arith.constant 640 : i32
    %mul3A_60 = arith.muli %arg1, %mul3A_59 : i32
    %add3A_61 = arith.addi %mul3A_58, %mul3A_60 : i32
    "tpu.region"() ({
      %run_scoped3A_62 = tpu.sem_alloc : memref<!tpu.dma_semaphore, #tpu.memory_space<semaphore_mem>>
      %dma_start3A = tpu.memref_slice %arg10[%add3A_61] : memref<20480xf32, #tpu.memory_space<hbm>> -> memref<640xf32, #tpu.memory_space<hbm>>
      %dma_start3A_63 = tpu.memref_slice %arg12[%mul3A_56] : memref<10240xf32, #tpu.memory_space<vmem_shared>> -> memref<640xf32, #tpu.memory_space<vmem_shared>>
      tpu.enqueue_dma source(%dma_start3A_63 : memref<640xf32, #tpu.memory_space<vmem_shared>>) target(%dma_start3A : memref<640xf32, #tpu.memory_space<hbm>>) target_semaphore(%run_scoped3A_62 : memref<!tpu.dma_semaphore, #tpu.memory_space<semaphore_mem>>)
      %dma_wait3A = tpu.memref_slice %arg10[%add3A_61] : memref<20480xf32, #tpu.memory_space<hbm>> -> memref<640xf32, #tpu.memory_space<hbm>>
      %dma_wait3A_64 = tpu.memref_slice %arg12[%mul3A_56] : memref<10240xf32, #tpu.memory_space<vmem_shared>> -> memref<640xf32, #tpu.memory_space<vmem_shared>>
      tpu.wait_dma2 semaphore(%run_scoped3A_62 : memref<!tpu.dma_semaphore, #tpu.memory_space<semaphore_mem>>) src(%dma_wait3A_64 : memref<640xf32, #tpu.memory_space<vmem_shared>>) dst(%dma_wait3A : memref<640xf32, #tpu.memory_space<hbm>>)
      tpu.yield
    }) : () -> ()
    return
  }
}

#map = affine_map<(d0, d1) -> (0, 0)>
#map1 = affine_map<(d0, d1) -> (0, 0, 0)>
#map2 = affine_map<(d0, d1) -> (0)>
module attributes {stable_mosaic.version = 14 : i64} {
  func.func @k(%arg0: i32, %arg1: i32, %arg2: memref<10000x128xf32, #tpu.memory_space<hbm>>, %arg3: memref<10000x128xf32, #tpu.memory_space<hbm>>, %arg4: memref<5120x64xi32, #tpu.memory_space<hbm>>, %arg5: memref<5120x64xi32, #tpu.memory_space<hbm>>, %arg6: memref<2560x128xf32, #tpu.memory_space<hbm>>, %arg7: memref<1x128xf32, #tpu.memory_space<hbm>>, %arg8: memref<1x128xf32, #tpu.memory_space<hbm>>, %arg9: memref<2x10112x128xf32, #tpu.memory_space<hbm>>, %arg10: memref<20480xf32, #tpu.memory_space<hbm>>, %arg11: memref<10112x128xf32, #tpu.memory_space<vmem_shared>>, %arg12: memref<10240xf32, #tpu.memory_space<vmem_shared>>, %arg13: memref<16x64xi32, #tpu.memory_space<vmem>>, %arg14: memref<16x64xi32, #tpu.memory_space<vmem>>, %arg15: memref<8x128xf32, #tpu.memory_space<vmem>>, %arg16: memref<1x128xf32, #tpu.memory_space<vmem>>, %arg17: memref<1x128xf32, #tpu.memory_space<vmem>>, %arg18: memref<128x128xf32, #tpu.memory_space<vmem>>, %arg19: memref<128x128xf32, #tpu.memory_space<vmem>>, %arg20: memref<1x64xf32, #tpu.memory_space<vmem>>, %arg21: memref<8x128xf32, #tpu.memory_space<vmem>>, %arg22: memref<!tpu.dma_semaphore, #tpu.memory_space<semaphore_mem>>) attributes {dimension_semantics = [#tpu.dimension_semantics<core_parallel>, #tpu.dimension_semantics<subcore_parallel>], iteration_bounds = array<i64: 2, 16>, scalar_prefetch = 0 : i64, scratch_operands = 12 : i64, tpu.core_type = #tpu.core_type<sc_vector_subcore>, window_params = [{transform_indices = #map}, {transform_indices = #map}, {transform_indices = #map}, {transform_indices = #map}, {transform_indices = #map}, {transform_indices = #map}, {transform_indices = #map}, {transform_indices = #map1}, {transform_indices = #map2}]} {
    "tpu.region"() ({
      %run_scoped3A_62 = tpu.sem_alloc : memref<!tpu.dma_semaphore, #tpu.memory_space<semaphore_mem>>
      tpu.enqueue_dma source(%arg7 : memref<1x128xf32, #tpu.memory_space<hbm>>) target(%arg16 : memref<1x128xf32, #tpu.memory_space<vmem>>) target_semaphore(%run_scoped3A_62 : memref<!tpu.dma_semaphore, #tpu.memory_space<semaphore_mem>>)
      tpu.wait_dma2 semaphore(%run_scoped3A_62 : memref<!tpu.dma_semaphore, #tpu.memory_space<semaphore_mem>>) src(%arg7 : memref<1x128xf32, #tpu.memory_space<hbm>>) dst(%arg16 : memref<1x128xf32, #tpu.memory_space<vmem>>)
      tpu.yield
    }) : () -> ()
    "tpu.region"() ({
      %run_scoped3A_62 = tpu.sem_alloc : memref<!tpu.dma_semaphore, #tpu.memory_space<semaphore_mem>>
      tpu.enqueue_dma source(%arg8 : memref<1x128xf32, #tpu.memory_space<hbm>>) target(%arg17 : memref<1x128xf32, #tpu.memory_space<vmem>>) target_semaphore(%run_scoped3A_62 : memref<!tpu.dma_semaphore, #tpu.memory_space<semaphore_mem>>)
      tpu.wait_dma2 semaphore(%run_scoped3A_62 : memref<!tpu.dma_semaphore, #tpu.memory_space<semaphore_mem>>) src(%arg8 : memref<1x128xf32, #tpu.memory_space<hbm>>) dst(%arg17 : memref<1x128xf32, #tpu.memory_space<vmem>>)
      tpu.yield
    }) : () -> ()
    %broadcast_in_dim3A = arith.constant 0.000000e+00 : f32
    %broadcast_in_dim3A_0 = vector.broadcast %broadcast_in_dim3A : f32 to vector<16xf32>
    %scan3A = arith.constant 0 : i32
    %scan3A_1 = arith.constant 0 : i32
    %scan3A_2 = arith.constant 64 : i32
    %scan3A_3 = arith.addi %scan3A_1, %scan3A_2 : i32
    %scan3A_4 = arith.constant 1 : i32
    %scan3A_5 = scf.for %scan3A_62 = %scan3A_1 to %scan3A_3 step %scan3A_4 iter_args(%scan3A_63 = %scan3A) -> (i32)  : i32 {
      %jit3A = arith.constant 8 : i32
      %div3A = arith.divsi %scan3A_62, %jit3A : i32
      %sign3A = arith.constant 0 : i32
      %sign3A_64 = arith.cmpi sgt, %scan3A_62, %sign3A : i32
      %sign3A_65 = arith.extui %sign3A_64 : i1 to i32
      %sign3A_66 = arith.constant 0 : i32
      %sign3A_67 = arith.cmpi slt, %scan3A_62, %sign3A_66 : i32
      %sign3A_68 = arith.extui %sign3A_67 : i1 to i32
      %sign3A_69 = arith.subi %sign3A_65, %sign3A_68 : i32
      %sign3A_70 = arith.constant 0 : i32
      %sign3A_71 = arith.cmpi sgt, %jit3A, %sign3A_70 : i32
      %sign3A_72 = arith.extui %sign3A_71 : i1 to i32
      %sign3A_73 = arith.constant 0 : i32
      %sign3A_74 = arith.cmpi slt, %jit3A, %sign3A_73 : i32
      %sign3A_75 = arith.extui %sign3A_74 : i1 to i32
      %sign3A_76 = arith.subi %sign3A_72, %sign3A_75 : i32
      %ne3A = arith.cmpi ne, %sign3A_69, %sign3A_76 : i32
      %rem3A = arith.remsi %scan3A_62, %jit3A : i32
      %ne3A_77 = arith.constant 0 : i32
      %ne3A_78 = arith.cmpi ne, %rem3A, %ne3A_77 : i32
      %and3A = arith.andi %ne3A, %ne3A_78 : i1
      %sub3A = arith.constant 1 : i32
      %sub3A_79 = arith.subi %div3A, %sub3A : i32
      %select_n3A = arith.select %and3A, %sub3A_79, %div3A : i32
      %jit3A_80 = arith.constant 8 : i32
      %eq3A = arith.constant 0 : i32
      %eq3A_81 = arith.cmpi eq, %jit3A_80, %eq3A : i32
      %jit3A_82 = arith.constant 1 : i32
      %select_n3A_83 = arith.select %eq3A_81, %jit3A_82, %jit3A_80 : i32
      %rem3A_84 = arith.remsi %scan3A_62, %select_n3A_83 : i32
      %ne3A_85 = arith.constant 0 : i32
      %ne3A_86 = arith.cmpi ne, %rem3A_84, %ne3A_85 : i32
      %lt3A = arith.constant 0 : i32
      %lt3A_87 = arith.cmpi slt, %rem3A_84, %lt3A : i32
      %lt3A_88 = arith.constant 0 : i32
      %lt3A_89 = arith.cmpi slt, %select_n3A_83, %lt3A_88 : i32
      %ne3A_90 = arith.xori %lt3A_87, %lt3A_89 : i1
      %and3A_91 = arith.andi %ne3A_90, %ne3A_86 : i1
      %add3A_92 = arith.addi %rem3A_84, %select_n3A_83 : i32
      %select_n3A_93 = arith.select %and3A_91, %add3A_92, %rem3A_84 : i32
      %mul3A_94 = arith.constant 16 : i32
      %mul3A_95 = arith.muli %select_n3A_93, %mul3A_94 : i32
      %swap3A = arith.index_cast %select_n3A : i32 to index
      %swap3A_96 = arith.index_cast %mul3A_95 : i32 to index
      %swap3A_97 = tpu.vector_load %arg21[%swap3A, %swap3A_96] {strides = array<i32>} : memref<8x128xf32, #tpu.memory_space<vmem>>, vector<16xf32>,
      tpu.vector_store %arg21[%swap3A, %swap3A_96], %broadcast_in_dim3A_0 {strides = array<i32>} : memref<8x128xf32, #tpu.memory_space<vmem>>, vector<16xf32>,
      %scan3A_98 = arith.constant 0 : i32
      scf.yield %scan3A_98 : i32
    }
    %scan3A_6 = arith.constant 64 : i32
    %scan3A_7 = arith.constant 0 : i32
    %scan3A_8 = arith.constant 0 : i32
    %scan3A_9 = arith.constant 79 : i32
    %scan3A_10 = arith.addi %scan3A_8, %scan3A_9 : i32
    %scan3A_11 = arith.constant 1 : i32
    %scan3A_12 = scf.for %scan3A_62 = %scan3A_8 to %scan3A_10 step %scan3A_11 iter_args(%scan3A_63 = %scan3A_7) -> (i32)  : i32 {
      %mul3A_64 = arith.constant 632 : i32
      %mul3A_65 = arith.muli %arg1, %mul3A_64 : i32
      %mul3A_66 = arith.constant 8 : i32
      %mul3A_67 = arith.muli %scan3A_62, %mul3A_66 : i32
      %add3A_68 = arith.addi %mul3A_65, %mul3A_67 : i32
      "tpu.region"() ({
        %run_scoped3A_70 = tpu.sem_alloc : memref<!tpu.dma_semaphore, #tpu.memory_space<semaphore_mem>>
        %dma_start3A = arith.constant 0 : i32
        %dma_start3A_71 = tpu.memref_slice %arg11[%add3A_68, %dma_start3A] : memref<10112x128xf32, #tpu.memory_space<vmem_shared>> -> memref<8x128xf32, #tpu.memory_space<vmem_shared>>
        %dma_start3A_72 = arith.constant 0 : i32
        %dma_start3A_73 = tpu.memref_slice %arg11[%add3A_68, %dma_start3A_72] : memref<10112x128xf32, #tpu.memory_space<vmem_shared>> -> memref<8x128xf32, #tpu.memory_space<vmem_shared>>
        tpu.enqueue_dma source(%arg21 : memref<8x128xf32, #tpu.memory_space<vmem>>) target(%dma_start3A_73 : memref<8x128xf32, #tpu.memory_space<vmem_shared>>) target_semaphore(%run_scoped3A_70 : memref<!tpu.dma_semaphore, #tpu.memory_space<semaphore_mem>>)
        %dma_wait3A = arith.constant 0 : i32
        %dma_wait3A_74 = tpu.memref_slice %arg11[%add3A_68, %dma_wait3A] : memref<10112x128xf32, #tpu.memory_space<vmem_shared>> -> memref<8x128xf32, #tpu.memory_space<vmem_shared>>
        %dma_wait3A_75 = arith.constant 0 : i32
        %dma_wait3A_76 = tpu.memref_slice %arg11[%add3A_68, %dma_wait3A_75] : memref<10112x128xf32, #tpu.memory_space<vmem_shared>> -> memref<8x128xf32, #tpu.memory_space<vmem_shared>>
        tpu.wait_dma2 semaphore(%run_scoped3A_70 : memref<!tpu.dma_semaphore, #tpu.memory_space<semaphore_mem>>) src(%arg21 : memref<8x128xf32, #tpu.memory_space<vmem>>) dst(%dma_wait3A_76 : memref<8x128xf32, #tpu.memory_space<vmem_shared>>)
        tpu.yield
      }) : () -> ()
      %scan3A_69 = arith.constant 0 : i32
      scf.yield %scan3A_69 : i32
    }
    %scan3A_13 = arith.constant 79 : i32
    %mul3A = arith.constant 640 : i32
    %mul3A_14 = arith.muli %arg1, %mul3A : i32
    %add3A = arith.constant 0 : i32
    %add3A_15 = arith.addi %mul3A_14, %add3A : i32
    %run_scoped3A = arith.constant 0 : i32
    "tpu.region"() ({
      %run_scoped3A_62 = tpu.sem_alloc : memref<!tpu.dma_semaphore, #tpu.memory_space<semaphore_mem>>
      %dma_start3A = arith.constant 0 : i32
      %dma_start3A_63 = tpu.memref_slice %arg21[%run_scoped3A, %dma_start3A] : memref<8x128xf32, #tpu.memory_space<vmem>> -> memref<1x128xf32, #tpu.memory_space<vmem>>
      %dma_start3A_64 = tpu.memref_squeeze %dma_start3A_63 : memref<1x128xf32, #tpu.memory_space<vmem>> -> memref<128xf32, #tpu.memory_space<vmem>>
      %dma_start3A_65 = tpu.memref_slice %arg12[%add3A_15] : memref<10240xf32, #tpu.memory_space<vmem_shared>> -> memref<128xf32, #tpu.memory_space<vmem_shared>>
      %dma_start3A_66 = tpu.memref_slice %arg12[%add3A_15] : memref<10240xf32, #tpu.memory_space<vmem_shared>> -> memref<128xf32, #tpu.memory_space<vmem_shared>>
      %dma_start3A_67 = arith.constant 0 : i32
      %dma_start3A_68 = tpu.memref_slice %arg21[%run_scoped3A, %dma_start3A_67] : memref<8x128xf32, #tpu.memory_space<vmem>> -> memref<1x128xf32, #tpu.memory_space<vmem>>
      %dma_start3A_69 = tpu.memref_squeeze %dma_start3A_68 : memref<1x128xf32, #tpu.memory_space<vmem>> -> memref<128xf32, #tpu.memory_space<vmem>>
      tpu.enqueue_dma source(%dma_start3A_69 : memref<128xf32, #tpu.memory_space<vmem>>) target(%dma_start3A_66 : memref<128xf32, #tpu.memory_space<vmem_shared>>) target_semaphore(%run_scoped3A_62 : memref<!tpu.dma_semaphore, #tpu.memory_space<semaphore_mem>>)
      %dma_wait3A = arith.constant 0 : i32
      %dma_wait3A_70 = tpu.memref_slice %arg21[%run_scoped3A, %dma_wait3A] : memref<8x128xf32, #tpu.memory_space<vmem>> -> memref<1x128xf32, #tpu.memory_space<vmem>>
      %dma_wait3A_71 = tpu.memref_squeeze %dma_wait3A_70 : memref<1x128xf32, #tpu.memory_space<vmem>> -> memref<128xf32, #tpu.memory_space<vmem>>
      %dma_wait3A_72 = tpu.memref_slice %arg12[%add3A_15] : memref<10240xf32, #tpu.memory_space<vmem_shared>> -> memref<128xf32, #tpu.memory_space<vmem_shared>>
      %dma_wait3A_73 = tpu.memref_slice %arg12[%add3A_15] : memref<10240xf32, #tpu.memory_space<vmem_shared>> -> memref<128xf32, #tpu.memory_space<vmem_shared>>
      %dma_wait3A_74 = arith.constant 0 : i32
      %dma_wait3A_75 = tpu.memref_slice %arg21[%run_scoped3A, %dma_wait3A_74] : memref<8x128xf32, #tpu.memory_space<vmem>> -> memref<1x128xf32, #tpu.memory_space<vmem>>
      %dma_wait3A_76 = tpu.memref_squeeze %dma_wait3A_75 : memref<1x128xf32, #tpu.memory_space<vmem>> -> memref<128xf32, #tpu.memory_space<vmem>>
      tpu.wait_dma2 semaphore(%run_scoped3A_62 : memref<!tpu.dma_semaphore, #tpu.memory_space<semaphore_mem>>) src(%dma_wait3A_76 : memref<128xf32, #tpu.memory_space<vmem>>) dst(%dma_wait3A_73 : memref<128xf32, #tpu.memory_space<vmem_shared>>)
      tpu.yield
    }) : () -> ()
    %mul3A_16 = arith.constant 640 : i32
    %mul3A_17 = arith.muli %arg1, %mul3A_16 : i32
    %add3A_18 = arith.constant 128 : i32
    %add3A_19 = arith.addi %mul3A_17, %add3A_18 : i32
    %run_scoped3A_20 = arith.constant 0 : i32
    "tpu.region"() ({
      %run_scoped3A_62 = tpu.sem_alloc : memref<!tpu.dma_semaphore, #tpu.memory_space<semaphore_mem>>
      %dma_start3A = arith.constant 0 : i32
      %dma_start3A_63 = tpu.memref_slice %arg21[%run_scoped3A_20, %dma_start3A] : memref<8x128xf32, #tpu.memory_space<vmem>> -> memref<1x128xf32, #tpu.memory_space<vmem>>
      %dma_start3A_64 = tpu.memref_squeeze %dma_start3A_63 : memref<1x128xf32, #tpu.memory_space<vmem>> -> memref<128xf32, #tpu.memory_space<vmem>>
      %dma_start3A_65 = tpu.memref_slice %arg12[%add3A_19] : memref<10240xf32, #tpu.memory_space<vmem_shared>> -> memref<128xf32, #tpu.memory_space<vmem_shared>>
      %dma_start3A_66 = tpu.memref_slice %arg12[%add3A_19] : memref<10240xf32, #tpu.memory_space<vmem_shared>> -> memref<128xf32, #tpu.memory_space<vmem_shared>>
      %dma_start3A_67 = arith.constant 0 : i32
      %dma_start3A_68 = tpu.memref_slice %arg21[%run_scoped3A_20, %dma_start3A_67] : memref<8x128xf32, #tpu.memory_space<vmem>> -> memref<1x128xf32, #tpu.memory_space<vmem>>
      %dma_start3A_69 = tpu.memref_squeeze %dma_start3A_68 : memref<1x128xf32, #tpu.memory_space<vmem>> -> memref<128xf32, #tpu.memory_space<vmem>>
      tpu.enqueue_dma source(%dma_start3A_69 : memref<128xf32, #tpu.memory_space<vmem>>) target(%dma_start3A_66 : memref<128xf32, #tpu.memory_space<vmem_shared>>) target_semaphore(%run_scoped3A_62 : memref<!tpu.dma_semaphore, #tpu.memory_space<semaphore_mem>>)
      %dma_wait3A = arith.constant 0 : i32
      %dma_wait3A_70 = tpu.memref_slice %arg21[%run_scoped3A_20, %dma_wait3A] : memref<8x128xf32, #tpu.memory_space<vmem>> -> memref<1x128xf32, #tpu.memory_space<vmem>>
      %dma_wait3A_71 = tpu.memref_squeeze %dma_wait3A_70 : memref<1x128xf32, #tpu.memory_space<vmem>> -> memref<128xf32, #tpu.memory_space<vmem>>
      %dma_wait3A_72 = tpu.memref_slice %arg12[%add3A_19] : memref<10240xf32, #tpu.memory_space<vmem_shared>> -> memref<128xf32, #tpu.memory_space<vmem_shared>>
      %dma_wait3A_73 = tpu.memref_slice %arg12[%add3A_19] : memref<10240xf32, #tpu.memory_space<vmem_shared>> -> memref<128xf32, #tpu.memory_space<vmem_shared>>
      %dma_wait3A_74 = arith.constant 0 : i32
      %dma_wait3A_75 = tpu.memref_slice %arg21[%run_scoped3A_20, %dma_wait3A_74] : memref<8x128xf32, #tpu.memory_space<vmem>> -> memref<1x128xf32, #tpu.memory_space<vmem>>
      %dma_wait3A_76 = tpu.memref_squeeze %dma_wait3A_75 : memref<1x128xf32, #tpu.memory_space<vmem>> -> memref<128xf32, #tpu.memory_space<vmem>>
      tpu.wait_dma2 semaphore(%run_scoped3A_62 : memref<!tpu.dma_semaphore, #tpu.memory_space<semaphore_mem>>) src(%dma_wait3A_76 : memref<128xf32, #tpu.memory_space<vmem>>) dst(%dma_wait3A_73 : memref<128xf32, #tpu.memory_space<vmem_shared>>)
      tpu.yield
    }) : () -> ()
    %mul3A_21 = arith.constant 640 : i32
    %mul3A_22 = arith.muli %arg1, %mul3A_21 : i32
    %add3A_23 = arith.constant 256 : i32
    %add3A_24 = arith.addi %mul3A_22, %add3A_23 : i32
    %run_scoped3A_25 = arith.constant 0 : i32
    "tpu.region"() ({
      %run_scoped3A_62 = tpu.sem_alloc : memref<!tpu.dma_semaphore, #tpu.memory_space<semaphore_mem>>
      %dma_start3A = arith.constant 0 : i32
      %dma_start3A_63 = tpu.memref_slice %arg21[%run_scoped3A_25, %dma_start3A] : memref<8x128xf32, #tpu.memory_space<vmem>> -> memref<1x128xf32, #tpu.memory_space<vmem>>
      %dma_start3A_64 = tpu.memref_squeeze %dma_start3A_63 : memref<1x128xf32, #tpu.memory_space<vmem>> -> memref<128xf32, #tpu.memory_space<vmem>>
      %dma_start3A_65 = tpu.memref_slice %arg12[%add3A_24] : memref<10240xf32, #tpu.memory_space<vmem_shared>> -> memref<128xf32, #tpu.memory_space<vmem_shared>>
      %dma_start3A_66 = tpu.memref_slice %arg12[%add3A_24] : memref<10240xf32, #tpu.memory_space<vmem_shared>> -> memref<128xf32, #tpu.memory_space<vmem_shared>>
      %dma_start3A_67 = arith.constant 0 : i32
      %dma_start3A_68 = tpu.memref_slice %arg21[%run_scoped3A_25, %dma_start3A_67] : memref<8x128xf32, #tpu.memory_space<vmem>> -> memref<1x128xf32, #tpu.memory_space<vmem>>
      %dma_start3A_69 = tpu.memref_squeeze %dma_start3A_68 : memref<1x128xf32, #tpu.memory_space<vmem>> -> memref<128xf32, #tpu.memory_space<vmem>>
      tpu.enqueue_dma source(%dma_start3A_69 : memref<128xf32, #tpu.memory_space<vmem>>) target(%dma_start3A_66 : memref<128xf32, #tpu.memory_space<vmem_shared>>) target_semaphore(%run_scoped3A_62 : memref<!tpu.dma_semaphore, #tpu.memory_space<semaphore_mem>>)
      %dma_wait3A = arith.constant 0 : i32
      %dma_wait3A_70 = tpu.memref_slice %arg21[%run_scoped3A_25, %dma_wait3A] : memref<8x128xf32, #tpu.memory_space<vmem>> -> memref<1x128xf32, #tpu.memory_space<vmem>>
      %dma_wait3A_71 = tpu.memref_squeeze %dma_wait3A_70 : memref<1x128xf32, #tpu.memory_space<vmem>> -> memref<128xf32, #tpu.memory_space<vmem>>
      %dma_wait3A_72 = tpu.memref_slice %arg12[%add3A_24] : memref<10240xf32, #tpu.memory_space<vmem_shared>> -> memref<128xf32, #tpu.memory_space<vmem_shared>>
      %dma_wait3A_73 = tpu.memref_slice %arg12[%add3A_24] : memref<10240xf32, #tpu.memory_space<vmem_shared>> -> memref<128xf32, #tpu.memory_space<vmem_shared>>
      %dma_wait3A_74 = arith.constant 0 : i32
      %dma_wait3A_75 = tpu.memref_slice %arg21[%run_scoped3A_25, %dma_wait3A_74] : memref<8x128xf32, #tpu.memory_space<vmem>> -> memref<1x128xf32, #tpu.memory_space<vmem>>
      %dma_wait3A_76 = tpu.memref_squeeze %dma_wait3A_75 : memref<1x128xf32, #tpu.memory_space<vmem>> -> memref<128xf32, #tpu.memory_space<vmem>>
      tpu.wait_dma2 semaphore(%run_scoped3A_62 : memref<!tpu.dma_semaphore, #tpu.memory_space<semaphore_mem>>) src(%dma_wait3A_76 : memref<128xf32, #tpu.memory_space<vmem>>) dst(%dma_wait3A_73 : memref<128xf32, #tpu.memory_space<vmem_shared>>)
      tpu.yield
    }) : () -> ()
    %mul3A_26 = arith.constant 640 : i32
    %mul3A_27 = arith.muli %arg1, %mul3A_26 : i32
    %add3A_28 = arith.constant 384 : i32
    %add3A_29 = arith.addi %mul3A_27, %add3A_28 : i32
    %run_scoped3A_30 = arith.constant 0 : i32
    "tpu.region"() ({
      %run_scoped3A_62 = tpu.sem_alloc : memref<!tpu.dma_semaphore, #tpu.memory_space<semaphore_mem>>
      %dma_start3A = arith.constant 0 : i32
      %dma_start3A_63 = tpu.memref_slice %arg21[%run_scoped3A_30, %dma_start3A] : memref<8x128xf32, #tpu.memory_space<vmem>> -> memref<1x128xf32, #tpu.memory_space<vmem>>
      %dma_start3A_64 = tpu.memref_squeeze %dma_start3A_63 : memref<1x128xf32, #tpu.memory_space<vmem>> -> memref<128xf32, #tpu.memory_space<vmem>>
      %dma_start3A_65 = tpu.memref_slice %arg12[%add3A_29] : memref<10240xf32, #tpu.memory_space<vmem_shared>> -> memref<128xf32, #tpu.memory_space<vmem_shared>>
      %dma_start3A_66 = tpu.memref_slice %arg12[%add3A_29] : memref<10240xf32, #tpu.memory_space<vmem_shared>> -> memref<128xf32, #tpu.memory_space<vmem_shared>>
      %dma_start3A_67 = arith.constant 0 : i32
      %dma_start3A_68 = tpu.memref_slice %arg21[%run_scoped3A_30, %dma_start3A_67] : memref<8x128xf32, #tpu.memory_space<vmem>> -> memref<1x128xf32, #tpu.memory_space<vmem>>
      %dma_start3A_69 = tpu.memref_squeeze %dma_start3A_68 : memref<1x128xf32, #tpu.memory_space<vmem>> -> memref<128xf32, #tpu.memory_space<vmem>>
      tpu.enqueue_dma source(%dma_start3A_69 : memref<128xf32, #tpu.memory_space<vmem>>) target(%dma_start3A_66 : memref<128xf32, #tpu.memory_space<vmem_shared>>) target_semaphore(%run_scoped3A_62 : memref<!tpu.dma_semaphore, #tpu.memory_space<semaphore_mem>>)
      %dma_wait3A = arith.constant 0 : i32
      %dma_wait3A_70 = tpu.memref_slice %arg21[%run_scoped3A_30, %dma_wait3A] : memref<8x128xf32, #tpu.memory_space<vmem>> -> memref<1x128xf32, #tpu.memory_space<vmem>>
      %dma_wait3A_71 = tpu.memref_squeeze %dma_wait3A_70 : memref<1x128xf32, #tpu.memory_space<vmem>> -> memref<128xf32, #tpu.memory_space<vmem>>
      %dma_wait3A_72 = tpu.memref_slice %arg12[%add3A_29] : memref<10240xf32, #tpu.memory_space<vmem_shared>> -> memref<128xf32, #tpu.memory_space<vmem_shared>>
      %dma_wait3A_73 = tpu.memref_slice %arg12[%add3A_29] : memref<10240xf32, #tpu.memory_space<vmem_shared>> -> memref<128xf32, #tpu.memory_space<vmem_shared>>
      %dma_wait3A_74 = arith.constant 0 : i32
      %dma_wait3A_75 = tpu.memref_slice %arg21[%run_scoped3A_30, %dma_wait3A_74] : memref<8x128xf32, #tpu.memory_space<vmem>> -> memref<1x128xf32, #tpu.memory_space<vmem>>
      %dma_wait3A_76 = tpu.memref_squeeze %dma_wait3A_75 : memref<1x128xf32, #tpu.memory_space<vmem>> -> memref<128xf32, #tpu.memory_space<vmem>>
      tpu.wait_dma2 semaphore(%run_scoped3A_62 : memref<!tpu.dma_semaphore, #tpu.memory_space<semaphore_mem>>) src(%dma_wait3A_76 : memref<128xf32, #tpu.memory_space<vmem>>) dst(%dma_wait3A_73 : memref<128xf32, #tpu.memory_space<vmem_shared>>)
      tpu.yield
    }) : () -> ()
    %mul3A_31 = arith.constant 640 : i32
    %mul3A_32 = arith.muli %arg1, %mul3A_31 : i32
    %add3A_33 = arith.constant 512 : i32
    %add3A_34 = arith.addi %mul3A_32, %add3A_33 : i32
    %run_scoped3A_35 = arith.constant 0 : i32
    "tpu.region"() ({
      %run_scoped3A_62 = tpu.sem_alloc : memref<!tpu.dma_semaphore, #tpu.memory_space<semaphore_mem>>
      %dma_start3A = arith.constant 0 : i32
      %dma_start3A_63 = tpu.memref_slice %arg21[%run_scoped3A_35, %dma_start3A] : memref<8x128xf32, #tpu.memory_space<vmem>> -> memref<1x128xf32, #tpu.memory_space<vmem>>
      %dma_start3A_64 = tpu.memref_squeeze %dma_start3A_63 : memref<1x128xf32, #tpu.memory_space<vmem>> -> memref<128xf32, #tpu.memory_space<vmem>>
      %dma_start3A_65 = tpu.memref_slice %arg12[%add3A_34] : memref<10240xf32, #tpu.memory_space<vmem_shared>> -> memref<128xf32, #tpu.memory_space<vmem_shared>>
      %dma_start3A_66 = tpu.memref_slice %arg12[%add3A_34] : memref<10240xf32, #tpu.memory_space<vmem_shared>> -> memref<128xf32, #tpu.memory_space<vmem_shared>>
      %dma_start3A_67 = arith.constant 0 : i32
      %dma_start3A_68 = tpu.memref_slice %arg21[%run_scoped3A_35, %dma_start3A_67] : memref<8x128xf32, #tpu.memory_space<vmem>> -> memref<1x128xf32, #tpu.memory_space<vmem>>
      %dma_start3A_69 = tpu.memref_squeeze %dma_start3A_68 : memref<1x128xf32, #tpu.memory_space<vmem>> -> memref<128xf32, #tpu.memory_space<vmem>>
      tpu.enqueue_dma source(%dma_start3A_69 : memref<128xf32, #tpu.memory_space<vmem>>) target(%dma_start3A_66 : memref<128xf32, #tpu.memory_space<vmem_shared>>) target_semaphore(%run_scoped3A_62 : memref<!tpu.dma_semaphore, #tpu.memory_space<semaphore_mem>>)
      %dma_wait3A = arith.constant 0 : i32
      %dma_wait3A_70 = tpu.memref_slice %arg21[%run_scoped3A_35, %dma_wait3A] : memref<8x128xf32, #tpu.memory_space<vmem>> -> memref<1x128xf32, #tpu.memory_space<vmem>>
      %dma_wait3A_71 = tpu.memref_squeeze %dma_wait3A_70 : memref<1x128xf32, #tpu.memory_space<vmem>> -> memref<128xf32, #tpu.memory_space<vmem>>
      %dma_wait3A_72 = tpu.memref_slice %arg12[%add3A_34] : memref<10240xf32, #tpu.memory_space<vmem_shared>> -> memref<128xf32, #tpu.memory_space<vmem_shared>>
      %dma_wait3A_73 = tpu.memref_slice %arg12[%add3A_34] : memref<10240xf32, #tpu.memory_space<vmem_shared>> -> memref<128xf32, #tpu.memory_space<vmem_shared>>
      %dma_wait3A_74 = arith.constant 0 : i32
      %dma_wait3A_75 = tpu.memref_slice %arg21[%run_scoped3A_35, %dma_wait3A_74] : memref<8x128xf32, #tpu.memory_space<vmem>> -> memref<1x128xf32, #tpu.memory_space<vmem>>
      %dma_wait3A_76 = tpu.memref_squeeze %dma_wait3A_75 : memref<1x128xf32, #tpu.memory_space<vmem>> -> memref<128xf32, #tpu.memory_space<vmem>>
      tpu.wait_dma2 semaphore(%run_scoped3A_62 : memref<!tpu.dma_semaphore, #tpu.memory_space<semaphore_mem>>) src(%dma_wait3A_76 : memref<128xf32, #tpu.memory_space<vmem>>) dst(%dma_wait3A_73 : memref<128xf32, #tpu.memory_space<vmem_shared>>)
      tpu.yield
    }) : () -> ()
    %barrier3A = arith.constant 0 : index
    tpu.barrier barrier_id(%barrier3A)
    %mul3A_36 = arith.constant 2 : i32
    %mul3A_37 = arith.muli %arg1, %mul3A_36 : i32
    %add3A_38 = arith.addi %mul3A_37, %arg0 : i32
    %mul3A_39 = arith.constant 80 : i32
    %mul3A_40 = arith.muli %add3A_38, %mul3A_39 : i32
    %iota3A = tpu.iota {dimensions = array<i32: 0>} : vector<16xi32>
    %broadcast_in_dim3A_41 = arith.constant 0 : i32
    %broadcast_in_dim3A_42 = vector.broadcast %broadcast_in_dim3A_41 : i32 to vector<16xi32>
    %scan3A_43 = arith.constant 0 : i32
    %scan3A_44 = arith.constant 0 : i32
    %scan3A_45 = arith.constant 10 : i32
    %scan3A_46 = arith.addi %scan3A_44, %scan3A_45 : i32
    %scan3A_47 = arith.constant 1 : i32
    %scan3A_48 = scf.for %scan3A_62 = %scan3A_44 to %scan3A_46 step %scan3A_47 iter_args(%scan3A_63 = %scan3A_43) -> (i32)  : i32 {
      %mul3A_64 = arith.constant 8 : i32
      %mul3A_65 = arith.muli %scan3A_62, %mul3A_64 : i32
      %add3A_66 = arith.addi %mul3A_40, %mul3A_65 : i32
      %mul3A_67 = arith.constant 2 : i32
      %mul3A_68 = arith.muli %add3A_66, %mul3A_67 : i32
      "tpu.region"() ({
        %run_scoped3A_118 = tpu.sem_alloc : memref<!tpu.dma_semaphore, #tpu.memory_space<semaphore_mem>>
        %dma_start3A_119 = arith.constant 0 : i32
        %dma_start3A_120 = tpu.memref_slice %arg4[%mul3A_68, %dma_start3A_119] : memref<5120x64xi32, #tpu.memory_space<hbm>> -> memref<16x64xi32, #tpu.memory_space<hbm>>
        %dma_start3A_121 = arith.constant 0 : i32
        %dma_start3A_122 = tpu.memref_slice %arg4[%mul3A_68, %dma_start3A_121] : memref<5120x64xi32, #tpu.memory_space<hbm>> -> memref<16x64xi32, #tpu.memory_space<hbm>>
        tpu.enqueue_dma source(%dma_start3A_122 : memref<16x64xi32, #tpu.memory_space<hbm>>) target(%arg13 : memref<16x64xi32, #tpu.memory_space<vmem>>) target_semaphore(%run_scoped3A_118 : memref<!tpu.dma_semaphore, #tpu.memory_space<semaphore_mem>>)
        %dma_wait3A = arith.constant 0 : i32
        %dma_wait3A_123 = tpu.memref_slice %arg4[%mul3A_68, %dma_wait3A] : memref<5120x64xi32, #tpu.memory_space<hbm>> -> memref<16x64xi32, #tpu.memory_space<hbm>>
        %dma_wait3A_124 = arith.constant 0 : i32
        %dma_wait3A_125 = tpu.memref_slice %arg4[%mul3A_68, %dma_wait3A_124] : memref<5120x64xi32, #tpu.memory_space<hbm>> -> memref<16x64xi32, #tpu.memory_space<hbm>>
        tpu.wait_dma2 semaphore(%run_scoped3A_118 : memref<!tpu.dma_semaphore, #tpu.memory_space<semaphore_mem>>) src(%dma_wait3A_125 : memref<16x64xi32, #tpu.memory_space<hbm>>) dst(%arg13 : memref<16x64xi32, #tpu.memory_space<vmem>>)
        tpu.yield
      }) : () -> ()
      %mul3A_69 = arith.constant 2 : i32
      %mul3A_70 = arith.muli %add3A_66, %mul3A_69 : i32
      "tpu.region"() ({
        %run_scoped3A_118 = tpu.sem_alloc : memref<!tpu.dma_semaphore, #tpu.memory_space<semaphore_mem>>
        %dma_start3A_119 = arith.constant 0 : i32
        %dma_start3A_120 = tpu.memref_slice %arg5[%mul3A_70, %dma_start3A_119] : memref<5120x64xi32, #tpu.memory_space<hbm>> -> memref<16x64xi32, #tpu.memory_space<hbm>>
        %dma_start3A_121 = arith.constant 0 : i32
        %dma_start3A_122 = tpu.memref_slice %arg5[%mul3A_70, %dma_start3A_121] : memref<5120x64xi32, #tpu.memory_space<hbm>> -> memref<16x64xi32, #tpu.memory_space<hbm>>
        tpu.enqueue_dma source(%dma_start3A_122 : memref<16x64xi32, #tpu.memory_space<hbm>>) target(%arg14 : memref<16x64xi32, #tpu.memory_space<vmem>>) target_semaphore(%run_scoped3A_118 : memref<!tpu.dma_semaphore, #tpu.memory_space<semaphore_mem>>)
        %dma_wait3A = arith.constant 0 : i32
        %dma_wait3A_123 = tpu.memref_slice %arg5[%mul3A_70, %dma_wait3A] : memref<5120x64xi32, #tpu.memory_space<hbm>> -> memref<16x64xi32, #tpu.memory_space<hbm>>
        %dma_wait3A_124 = arith.constant 0 : i32
        %dma_wait3A_125 = tpu.memref_slice %arg5[%mul3A_70, %dma_wait3A_124] : memref<5120x64xi32, #tpu.memory_space<hbm>> -> memref<16x64xi32, #tpu.memory_space<hbm>>
        tpu.wait_dma2 semaphore(%run_scoped3A_118 : memref<!tpu.dma_semaphore, #tpu.memory_space<semaphore_mem>>) src(%dma_wait3A_125 : memref<16x64xi32, #tpu.memory_space<hbm>>) dst(%arg14 : memref<16x64xi32, #tpu.memory_space<vmem>>)
        tpu.yield
      }) : () -> ()
      "tpu.region"() ({
        %run_scoped3A_118 = tpu.sem_alloc : memref<!tpu.dma_semaphore, #tpu.memory_space<semaphore_mem>>
        %dma_start3A_119 = arith.constant 0 : i32
        %dma_start3A_120 = tpu.memref_slice %arg6[%add3A_66, %dma_start3A_119] : memref<2560x128xf32, #tpu.memory_space<hbm>> -> memref<8x128xf32, #tpu.memory_space<hbm>>
        %dma_start3A_121 = arith.constant 0 : i32
        %dma_start3A_122 = tpu.memref_slice %arg6[%add3A_66, %dma_start3A_121] : memref<2560x128xf32, #tpu.memory_space<hbm>> -> memref<8x128xf32, #tpu.memory_space<hbm>>
        tpu.enqueue_dma source(%dma_start3A_122 : memref<8x128xf32, #tpu.memory_space<hbm>>) target(%arg15 : memref<8x128xf32, #tpu.memory_space<vmem>>) target_semaphore(%run_scoped3A_118 : memref<!tpu.dma_semaphore, #tpu.memory_space<semaphore_mem>>)
        %dma_wait3A = arith.constant 0 : i32
        %dma_wait3A_123 = tpu.memref_slice %arg6[%add3A_66, %dma_wait3A] : memref<2560x128xf32, #tpu.memory_space<hbm>> -> memref<8x128xf32, #tpu.memory_space<hbm>>
        %dma_wait3A_124 = arith.constant 0 : i32
        %dma_wait3A_125 = tpu.memref_slice %arg6[%add3A_66, %dma_wait3A_124] : memref<2560x128xf32, #tpu.memory_space<hbm>> -> memref<8x128xf32, #tpu.memory_space<hbm>>
        tpu.wait_dma2 semaphore(%run_scoped3A_118 : memref<!tpu.dma_semaphore, #tpu.memory_space<semaphore_mem>>) src(%dma_wait3A_125 : memref<8x128xf32, #tpu.memory_space<hbm>>) dst(%arg15 : memref<8x128xf32, #tpu.memory_space<vmem>>)
        tpu.yield
      }) : () -> ()
      %dma_start3A = arith.constant 0 : i32
      %dma_start3A_71 = arith.constant 0 : i32
      %dma_start3A_72 = arith.constant 0 : i32
      %dma_start3A_73 = tpu.memref_slice %arg18[%dma_start3A_71, %dma_start3A_72] : memref<128x128xf32, #tpu.memory_space<vmem>> -> memref<32x128xf32, #tpu.memory_space<vmem>>
      %dma_start3A_74 = arith.constant 0 : i32
      %dma_start3A_75 = tpu.memref_slice %arg13[%dma_start3A, %dma_start3A_74] : memref<16x64xi32, #tpu.memory_space<vmem>> -> memref<1x32xi32, #tpu.memory_space<vmem>>
      %dma_start3A_76 = tpu.memref_squeeze %dma_start3A_75 : memref<1x32xi32, #tpu.memory_space<vmem>> -> memref<32xi32, #tpu.memory_space<vmem>>
      %dma_start3A_77 = arith.constant 0 : i32
      %dma_start3A_78 = arith.constant 0 : i32
      %dma_start3A_79 = tpu.memref_slice %arg2[%dma_start3A_77, %dma_start3A_78] : memref<10000x128xf32, #tpu.memory_space<hbm>> -> memref<10000x128xf32, #tpu.memory_space<hbm>>
      tpu.enqueue_indirect_dma source(%dma_start3A_79 : memref<10000x128xf32, #tpu.memory_space<hbm>>) target(%dma_start3A_73 : memref<32x128xf32, #tpu.memory_space<vmem>>) offsets(%dma_start3A_76 : memref<32xi32, #tpu.memory_space<vmem>>) semaphore(%arg22 : memref<!tpu.dma_semaphore, #tpu.memory_space<semaphore_mem>>)
      %dma_start3A_80 = arith.constant 0 : i32
      %dma_start3A_81 = arith.constant 0 : i32
      %dma_start3A_82 = arith.constant 0 : i32
      %dma_start3A_83 = tpu.memref_slice %arg19[%dma_start3A_81, %dma_start3A_82] : memref<128x128xf32, #tpu.memory_space<vmem>> -> memref<32x128xf32, #tpu.memory_space<vmem>>
      %dma_start3A_84 = arith.constant 0 : i32
      %dma_start3A_85 = tpu.memref_slice %arg14[%dma_start3A_80, %dma_start3A_84] : memref<16x64xi32, #tpu.memory_space<vmem>> -> memref<1x32xi32, #tpu.memory_space<vmem>>
      %dma_start3A_86 = tpu.memref_squeeze %dma_start3A_85 : memref<1x32xi32, #tpu.memory_space<vmem>> -> memref<32xi32, #tpu.memory_space<vmem>>
      %dma_start3A_87 = arith.constant 0 : i32
      %dma_start3A_88 = arith.constant 0 : i32
      %dma_start3A_89 = tpu.memref_slice %arg3[%dma_start3A_87, %dma_start3A_88] : memref<10000x128xf32, #tpu.memory_space<hbm>> -> memref<10000x128xf32, #tpu.memory_space<hbm>>
      tpu.enqueue_indirect_dma source(%dma_start3A_89 : memref<10000x128xf32, #tpu.memory_space<hbm>>) target(%dma_start3A_83 : memref<32x128xf32, #tpu.memory_space<vmem>>) offsets(%dma_start3A_86 : memref<32xi32, #tpu.memory_space<vmem>>) semaphore(%arg22 : memref<!tpu.dma_semaphore, #tpu.memory_space<semaphore_mem>>)
      %dma_start3A_90 = arith.constant 0 : i32
      %dma_start3A_91 = arith.constant 32 : i32
      %dma_start3A_92 = arith.constant 0 : i32
      %dma_start3A_93 = tpu.memref_slice %arg18[%dma_start3A_91, %dma_start3A_92] : memref<128x128xf32, #tpu.memory_space<vmem>> -> memref<32x128xf32, #tpu.memory_space<vmem>>
      %dma_start3A_94 = arith.constant 32 : i32
      %dma_start3A_95 = tpu.memref_slice %arg13[%dma_start3A_90, %dma_start3A_94] : memref<16x64xi32, #tpu.memory_space<vmem>> -> memref<1x32xi32, #tpu.memory_space<vmem>>
      %dma_start3A_96 = tpu.memref_squeeze %dma_start3A_95 : memref<1x32xi32, #tpu.memory_space<vmem>> -> memref<32xi32, #tpu.memory_space<vmem>>
      %dma_start3A_97 = arith.constant 0 : i32
      %dma_start3A_98 = arith.constant 0 : i32
      %dma_start3A_99 = tpu.memref_slice %arg2[%dma_start3A_97, %dma_start3A_98] : memref<10000x128xf32, #tpu.memory_space<hbm>> -> memref<10000x128xf32, #tpu.memory_space<hbm>>
      tpu.enqueue_indirect_dma source(%dma_start3A_99 : memref<10000x128xf32, #tpu.memory_space<hbm>>) target(%dma_start3A_93 : memref<32x128xf32, #tpu.memory_space<vmem>>) offsets(%dma_start3A_96 : memref<32xi32, #tpu.memory_space<vmem>>) semaphore(%arg22 : memref<!tpu.dma_semaphore, #tpu.memory_space<semaphore_mem>>)
      %dma_start3A_100 = arith.constant 0 : i32
      %dma_start3A_101 = arith.constant 32 : i32
      %dma_start3A_102 = arith.constant 0 : i32
      %dma_start3A_103 = tpu.memref_slice %arg19[%dma_start3A_101, %dma_start3A_102] : memref<128x128xf32, #tpu.memory_space<vmem>> -> memref<32x128xf32, #tpu.memory_space<vmem>>
      %dma_start3A_104 = arith.constant 32 : i32
      %dma_start3A_105 = tpu.memref_slice %arg14[%dma_start3A_100, %dma_start3A_104] : memref<16x64xi32, #tpu.memory_space<vmem>> -> memref<1x32xi32, #tpu.memory_space<vmem>>
      %dma_start3A_106 = tpu.memref_squeeze %dma_start3A_105 : memref<1x32xi32, #tpu.memory_space<vmem>> -> memref<32xi32, #tpu.memory_space<vmem>>
      %dma_start3A_107 = arith.constant 0 : i32
      %dma_start3A_108 = arith.constant 0 : i32
      %dma_start3A_109 = tpu.memref_slice %arg3[%dma_start3A_107, %dma_start3A_108] : memref<10000x128xf32, #tpu.memory_space<hbm>> -> memref<10000x128xf32, #tpu.memory_space<hbm>>
      tpu.enqueue_indirect_dma source(%dma_start3A_109 : memref<10000x128xf32, #tpu.memory_space<hbm>>) target(%dma_start3A_103 : memref<32x128xf32, #tpu.memory_space<vmem>>) offsets(%dma_start3A_106 : memref<32xi32, #tpu.memory_space<vmem>>) semaphore(%arg22 : memref<!tpu.dma_semaphore, #tpu.memory_space<semaphore_mem>>)
      %scan3A_110 = arith.constant 0 : i32
      %scan3A_111 = arith.constant 0 : i32
      %scan3A_112 = arith.constant 16 : i32
      %scan3A_113 = arith.addi %scan3A_111, %scan3A_112 : i32
      %scan3A_114 = arith.constant 1 : i32
      %scan3A_115 = scf.for %scan3A_118 = %scan3A_111 to %scan3A_113 step %scan3A_114 iter_args(%scan3A_119 = %scan3A_110) -> (i32)  : i32 {
        %jit3A = arith.constant 2 : i32
        %eq3A = arith.constant 0 : i32
        %eq3A_120 = arith.cmpi eq, %jit3A, %eq3A : i32
        %jit3A_121 = arith.constant 1 : i32
        %select_n3A = arith.select %eq3A_120, %jit3A_121, %jit3A : i32
        %rem3A = arith.remsi %scan3A_118, %select_n3A : i32
        %ne3A = arith.constant 0 : i32
        %ne3A_122 = arith.cmpi ne, %rem3A, %ne3A : i32
        %lt3A = arith.constant 0 : i32
        %lt3A_123 = arith.cmpi slt, %rem3A, %lt3A : i32
        %lt3A_124 = arith.constant 0 : i32
        %lt3A_125 = arith.cmpi slt, %select_n3A, %lt3A_124 : i32
        %ne3A_126 = arith.xori %lt3A_123, %lt3A_125 : i1
        %and3A = arith.andi %ne3A_126, %ne3A_122 : i1
        %add3A_127 = arith.addi %rem3A, %select_n3A : i32
        %select_n3A_128 = arith.select %and3A, %add3A_127, %rem3A : i32
        %lt3A_129 = arith.constant 15 : i32
        %lt3A_130 = arith.cmpi slt, %scan3A_118, %lt3A_129 : i32
        %convert_element_type3A = arith.extui %lt3A_130 : i1 to i32
        %cond3A = arith.constant 0 : i32
        %cond3A_131 = arith.cmpi ne, %convert_element_type3A, %cond3A : i32
        scf.if %cond3A_131 {
          %add3A_312 = arith.constant 1 : i32
          %add3A_313 = arith.addi %scan3A_118, %add3A_312 : i32
          %sub3A_314 = arith.constant 1 : i32
          %sub3A_315 = arith.subi %sub3A_314, %select_n3A_128 : i32
          %mul3A_316 = arith.constant 64 : i32
          %mul3A_317 = arith.muli %sub3A_315, %mul3A_316 : i32
          %add3A_318 = arith.constant 0 : i32
          %add3A_319 = arith.addi %mul3A_317, %add3A_318 : i32
          %dma_start3A_320 = arith.constant 0 : i32
          %dma_start3A_321 = tpu.memref_slice %arg18[%add3A_319, %dma_start3A_320] : memref<128x128xf32, #tpu.memory_space<vmem>> -> memref<32x128xf32, #tpu.memory_space<vmem>>
          %dma_start3A_322 = arith.constant 0 : i32
          %dma_start3A_323 = tpu.memref_slice %arg13[%add3A_313, %dma_start3A_322] : memref<16x64xi32, #tpu.memory_space<vmem>> -> memref<1x32xi32, #tpu.memory_space<vmem>>
          %dma_start3A_324 = tpu.memref_squeeze %dma_start3A_323 : memref<1x32xi32, #tpu.memory_space<vmem>> -> memref<32xi32, #tpu.memory_space<vmem>>
          %dma_start3A_325 = arith.constant 0 : i32
          %dma_start3A_326 = arith.constant 0 : i32
          %dma_start3A_327 = tpu.memref_slice %arg2[%dma_start3A_325, %dma_start3A_326] : memref<10000x128xf32, #tpu.memory_space<hbm>> -> memref<10000x128xf32, #tpu.memory_space<hbm>>
          tpu.enqueue_indirect_dma source(%dma_start3A_327 : memref<10000x128xf32, #tpu.memory_space<hbm>>) target(%dma_start3A_321 : memref<32x128xf32, #tpu.memory_space<vmem>>) offsets(%dma_start3A_324 : memref<32xi32, #tpu.memory_space<vmem>>) semaphore(%arg22 : memref<!tpu.dma_semaphore, #tpu.memory_space<semaphore_mem>>)
          %mul3A_328 = arith.constant 64 : i32
          %mul3A_329 = arith.muli %sub3A_315, %mul3A_328 : i32
          %add3A_330 = arith.constant 0 : i32
          %add3A_331 = arith.addi %mul3A_329, %add3A_330 : i32
          %dma_start3A_332 = arith.constant 0 : i32
          %dma_start3A_333 = tpu.memref_slice %arg19[%add3A_331, %dma_start3A_332] : memref<128x128xf32, #tpu.memory_space<vmem>> -> memref<32x128xf32, #tpu.memory_space<vmem>>
          %dma_start3A_334 = arith.constant 0 : i32
          %dma_start3A_335 = tpu.memref_slice %arg14[%add3A_313, %dma_start3A_334] : memref<16x64xi32, #tpu.memory_space<vmem>> -> memref<1x32xi32, #tpu.memory_space<vmem>>
          %dma_start3A_336 = tpu.memref_squeeze %dma_start3A_335 : memref<1x32xi32, #tpu.memory_space<vmem>> -> memref<32xi32, #tpu.memory_space<vmem>>
          %dma_start3A_337 = arith.constant 0 : i32
          %dma_start3A_338 = arith.constant 0 : i32
          %dma_start3A_339 = tpu.memref_slice %arg3[%dma_start3A_337, %dma_start3A_338] : memref<10000x128xf32, #tpu.memory_space<hbm>> -> memref<10000x128xf32, #tpu.memory_space<hbm>>
          tpu.enqueue_indirect_dma source(%dma_start3A_339 : memref<10000x128xf32, #tpu.memory_space<hbm>>) target(%dma_start3A_333 : memref<32x128xf32, #tpu.memory_space<vmem>>) offsets(%dma_start3A_336 : memref<32xi32, #tpu.memory_space<vmem>>) semaphore(%arg22 : memref<!tpu.dma_semaphore, #tpu.memory_space<semaphore_mem>>)
          %mul3A_340 = arith.constant 64 : i32
          %mul3A_341 = arith.muli %sub3A_315, %mul3A_340 : i32
          %add3A_342 = arith.constant 32 : i32
          %add3A_343 = arith.addi %mul3A_341, %add3A_342 : i32
          %dma_start3A_344 = arith.constant 0 : i32
          %dma_start3A_345 = tpu.memref_slice %arg18[%add3A_343, %dma_start3A_344] : memref<128x128xf32, #tpu.memory_space<vmem>> -> memref<32x128xf32, #tpu.memory_space<vmem>>
          %dma_start3A_346 = arith.constant 32 : i32
          %dma_start3A_347 = tpu.memref_slice %arg13[%add3A_313, %dma_start3A_346] : memref<16x64xi32, #tpu.memory_space<vmem>> -> memref<1x32xi32, #tpu.memory_space<vmem>>
          %dma_start3A_348 = tpu.memref_squeeze %dma_start3A_347 : memref<1x32xi32, #tpu.memory_space<vmem>> -> memref<32xi32, #tpu.memory_space<vmem>>
          %dma_start3A_349 = arith.constant 0 : i32
          %dma_start3A_350 = arith.constant 0 : i32
          %dma_start3A_351 = tpu.memref_slice %arg2[%dma_start3A_349, %dma_start3A_350] : memref<10000x128xf32, #tpu.memory_space<hbm>> -> memref<10000x128xf32, #tpu.memory_space<hbm>>
          tpu.enqueue_indirect_dma source(%dma_start3A_351 : memref<10000x128xf32, #tpu.memory_space<hbm>>) target(%dma_start3A_345 : memref<32x128xf32, #tpu.memory_space<vmem>>) offsets(%dma_start3A_348 : memref<32xi32, #tpu.memory_space<vmem>>) semaphore(%arg22 : memref<!tpu.dma_semaphore, #tpu.memory_space<semaphore_mem>>)
          %mul3A_352 = arith.constant 64 : i32
          %mul3A_353 = arith.muli %sub3A_315, %mul3A_352 : i32
          %add3A_354 = arith.constant 32 : i32
          %add3A_355 = arith.addi %mul3A_353, %add3A_354 : i32
          %dma_start3A_356 = arith.constant 0 : i32
          %dma_start3A_357 = tpu.memref_slice %arg19[%add3A_355, %dma_start3A_356] : memref<128x128xf32, #tpu.memory_space<vmem>> -> memref<32x128xf32, #tpu.memory_space<vmem>>
          %dma_start3A_358 = arith.constant 32 : i32
          %dma_start3A_359 = tpu.memref_slice %arg14[%add3A_313, %dma_start3A_358] : memref<16x64xi32, #tpu.memory_space<vmem>> -> memref<1x32xi32, #tpu.memory_space<vmem>>
          %dma_start3A_360 = tpu.memref_squeeze %dma_start3A_359 : memref<1x32xi32, #tpu.memory_space<vmem>> -> memref<32xi32, #tpu.memory_space<vmem>>
          %dma_start3A_361 = arith.constant 0 : i32
          %dma_start3A_362 = arith.constant 0 : i32
          %dma_start3A_363 = tpu.memref_slice %arg3[%dma_start3A_361, %dma_start3A_362] : memref<10000x128xf32, #tpu.memory_space<hbm>> -> memref<10000x128xf32, #tpu.memory_space<hbm>>
          tpu.enqueue_indirect_dma source(%dma_start3A_363 : memref<10000x128xf32, #tpu.memory_space<hbm>>) target(%dma_start3A_357 : memref<32x128xf32, #tpu.memory_space<vmem>>) offsets(%dma_start3A_360 : memref<32xi32, #tpu.memory_space<vmem>>) semaphore(%arg22 : memref<!tpu.dma_semaphore, #tpu.memory_space<semaphore_mem>>)
        } else {
        }
        %mul3A_132 = arith.constant 64 : i32
        %mul3A_133 = arith.muli %select_n3A_128, %mul3A_132 : i32
        %add3A_134 = arith.constant 0 : i32
        %add3A_135 = arith.addi %mul3A_133, %add3A_134 : i32
        %dma_wait3A = arith.constant 0 : i32
        %dma_wait3A_136 = tpu.memref_slice %arg18[%add3A_135, %dma_wait3A] : memref<128x128xf32, #tpu.memory_space<vmem>> -> memref<32x128xf32, #tpu.memory_space<vmem>>
        %dma_wait3A_137 = arith.constant 0 : i32
        %dma_wait3A_138 = tpu.memref_slice %arg13[%scan3A_118, %dma_wait3A_137] : memref<16x64xi32, #tpu.memory_space<vmem>> -> memref<1x32xi32, #tpu.memory_space<vmem>>
        %dma_wait3A_139 = tpu.memref_squeeze %dma_wait3A_138 : memref<1x32xi32, #tpu.memory_space<vmem>> -> memref<32xi32, #tpu.memory_space<vmem>>
        %dma_wait3A_140 = arith.constant 0 : i32
        %dma_wait3A_141 = arith.constant 0 : i32
        %dma_wait3A_142 = tpu.memref_slice %arg2[%dma_wait3A_140, %dma_wait3A_141] : memref<10000x128xf32, #tpu.memory_space<hbm>> -> memref<10000x128xf32, #tpu.memory_space<hbm>>
        tpu.wait_indirect_dma semaphore(%arg22 : memref<!tpu.dma_semaphore, #tpu.memory_space<semaphore_mem>>) src(%dma_wait3A_142 : memref<10000x128xf32, #tpu.memory_space<hbm>>) dst(%dma_wait3A_136 : memref<32x128xf32, #tpu.memory_space<vmem>>)
        %mul3A_143 = arith.constant 64 : i32
        %mul3A_144 = arith.muli %select_n3A_128, %mul3A_143 : i32
        %add3A_145 = arith.constant 0 : i32
        %add3A_146 = arith.addi %mul3A_144, %add3A_145 : i32
        %dma_wait3A_147 = arith.constant 0 : i32
        %dma_wait3A_148 = tpu.memref_slice %arg19[%add3A_146, %dma_wait3A_147] : memref<128x128xf32, #tpu.memory_space<vmem>> -> memref<32x128xf32, #tpu.memory_space<vmem>>
        %dma_wait3A_149 = arith.constant 0 : i32
        %dma_wait3A_150 = tpu.memref_slice %arg14[%scan3A_118, %dma_wait3A_149] : memref<16x64xi32, #tpu.memory_space<vmem>> -> memref<1x32xi32, #tpu.memory_space<vmem>>
        %dma_wait3A_151 = tpu.memref_squeeze %dma_wait3A_150 : memref<1x32xi32, #tpu.memory_space<vmem>> -> memref<32xi32, #tpu.memory_space<vmem>>
        %dma_wait3A_152 = arith.constant 0 : i32
        %dma_wait3A_153 = arith.constant 0 : i32
        %dma_wait3A_154 = tpu.memref_slice %arg3[%dma_wait3A_152, %dma_wait3A_153] : memref<10000x128xf32, #tpu.memory_space<hbm>> -> memref<10000x128xf32, #tpu.memory_space<hbm>>
        tpu.wait_indirect_dma semaphore(%arg22 : memref<!tpu.dma_semaphore, #tpu.memory_space<semaphore_mem>>) src(%dma_wait3A_154 : memref<10000x128xf32, #tpu.memory_space<hbm>>) dst(%dma_wait3A_148 : memref<32x128xf32, #tpu.memory_space<vmem>>)
        %mul3A_155 = arith.constant 64 : i32
        %mul3A_156 = arith.muli %select_n3A_128, %mul3A_155 : i32
        %add3A_157 = arith.constant 32 : i32
        %add3A_158 = arith.addi %mul3A_156, %add3A_157 : i32
        %dma_wait3A_159 = arith.constant 0 : i32
        %dma_wait3A_160 = tpu.memref_slice %arg18[%add3A_158, %dma_wait3A_159] : memref<128x128xf32, #tpu.memory_space<vmem>> -> memref<32x128xf32, #tpu.memory_space<vmem>>
        %dma_wait3A_161 = arith.constant 32 : i32
        %dma_wait3A_162 = tpu.memref_slice %arg13[%scan3A_118, %dma_wait3A_161] : memref<16x64xi32, #tpu.memory_space<vmem>> -> memref<1x32xi32, #tpu.memory_space<vmem>>
        %dma_wait3A_163 = tpu.memref_squeeze %dma_wait3A_162 : memref<1x32xi32, #tpu.memory_space<vmem>> -> memref<32xi32, #tpu.memory_space<vmem>>
        %dma_wait3A_164 = arith.constant 0 : i32
        %dma_wait3A_165 = arith.constant 0 : i32
        %dma_wait3A_166 = tpu.memref_slice %arg2[%dma_wait3A_164, %dma_wait3A_165] : memref<10000x128xf32, #tpu.memory_space<hbm>> -> memref<10000x128xf32, #tpu.memory_space<hbm>>
        tpu.wait_indirect_dma semaphore(%arg22 : memref<!tpu.dma_semaphore, #tpu.memory_space<semaphore_mem>>) src(%dma_wait3A_166 : memref<10000x128xf32, #tpu.memory_space<hbm>>) dst(%dma_wait3A_160 : memref<32x128xf32, #tpu.memory_space<vmem>>)
        %mul3A_167 = arith.constant 64 : i32
        %mul3A_168 = arith.muli %select_n3A_128, %mul3A_167 : i32
        %add3A_169 = arith.constant 32 : i32
        %add3A_170 = arith.addi %mul3A_168, %add3A_169 : i32
        %dma_wait3A_171 = arith.constant 0 : i32
        %dma_wait3A_172 = tpu.memref_slice %arg19[%add3A_170, %dma_wait3A_171] : memref<128x128xf32, #tpu.memory_space<vmem>> -> memref<32x128xf32, #tpu.memory_space<vmem>>
        %dma_wait3A_173 = arith.constant 32 : i32
        %dma_wait3A_174 = tpu.memref_slice %arg14[%scan3A_118, %dma_wait3A_173] : memref<16x64xi32, #tpu.memory_space<vmem>> -> memref<1x32xi32, #tpu.memory_space<vmem>>
        %dma_wait3A_175 = tpu.memref_squeeze %dma_wait3A_174 : memref<1x32xi32, #tpu.memory_space<vmem>> -> memref<32xi32, #tpu.memory_space<vmem>>
        %dma_wait3A_176 = arith.constant 0 : i32
        %dma_wait3A_177 = arith.constant 0 : i32
        %dma_wait3A_178 = tpu.memref_slice %arg3[%dma_wait3A_176, %dma_wait3A_177] : memref<10000x128xf32, #tpu.memory_space<hbm>> -> memref<10000x128xf32, #tpu.memory_space<hbm>>
        tpu.wait_indirect_dma semaphore(%arg22 : memref<!tpu.dma_semaphore, #tpu.memory_space<semaphore_mem>>) src(%dma_wait3A_178 : memref<10000x128xf32, #tpu.memory_space<hbm>>) dst(%dma_wait3A_172 : memref<32x128xf32, #tpu.memory_space<vmem>>)
        %jit3A_179 = arith.constant 2 : i32
        %div3A = arith.divsi %scan3A_118, %jit3A_179 : i32
        %sign3A = arith.constant 0 : i32
        %sign3A_180 = arith.cmpi sgt, %scan3A_118, %sign3A : i32
        %sign3A_181 = arith.extui %sign3A_180 : i1 to i32
        %sign3A_182 = arith.constant 0 : i32
        %sign3A_183 = arith.cmpi slt, %scan3A_118, %sign3A_182 : i32
        %sign3A_184 = arith.extui %sign3A_183 : i1 to i32
        %sign3A_185 = arith.subi %sign3A_181, %sign3A_184 : i32
        %sign3A_186 = arith.constant 0 : i32
        %sign3A_187 = arith.cmpi sgt, %jit3A_179, %sign3A_186 : i32
        %sign3A_188 = arith.extui %sign3A_187 : i1 to i32
        %sign3A_189 = arith.constant 0 : i32
        %sign3A_190 = arith.cmpi slt, %jit3A_179, %sign3A_189 : i32
        %sign3A_191 = arith.extui %sign3A_190 : i1 to i32
        %sign3A_192 = arith.subi %sign3A_188, %sign3A_191 : i32
        %ne3A_193 = arith.cmpi ne, %sign3A_185, %sign3A_192 : i32
        %rem3A_194 = arith.remsi %scan3A_118, %jit3A_179 : i32
        %ne3A_195 = arith.constant 0 : i32
        %ne3A_196 = arith.cmpi ne, %rem3A_194, %ne3A_195 : i32
        %and3A_197 = arith.andi %ne3A_193, %ne3A_196 : i1
        %sub3A = arith.constant 1 : i32
        %sub3A_198 = arith.subi %div3A, %sub3A : i32
        %select_n3A_199 = arith.select %and3A_197, %sub3A_198, %div3A : i32
        %mul3A_200 = arith.constant 64 : i32
        %mul3A_201 = arith.muli %select_n3A_128, %mul3A_200 : i32
        %add3A_202 = arith.constant 0 : i32
        %add3A_203 = arith.addi %mul3A_201, %add3A_202 : i32
        %get3A = arith.index_cast %select_n3A_199 : i32 to index
        %get3A_204 = arith.index_cast %add3A_203 : i32 to index
        %get3A_205 = tpu.vector_load %arg15[%get3A, %get3A_204] {strides = array<i32>} : memref<8x128xf32, #tpu.memory_space<vmem>>, vector<16xf32>,
        %mul3A_206 = arith.constant 64 : i32
        %mul3A_207 = arith.muli %select_n3A_128, %mul3A_206 : i32
        %add3A_208 = arith.constant 16 : i32
        %add3A_209 = arith.addi %mul3A_207, %add3A_208 : i32
        %get3A_210 = arith.index_cast %select_n3A_199 : i32 to index
        %get3A_211 = arith.index_cast %add3A_209 : i32 to index
        %get3A_212 = tpu.vector_load %arg15[%get3A_210, %get3A_211] {strides = array<i32>} : memref<8x128xf32, #tpu.memory_space<vmem>>, vector<16xf32>,
        %mul3A_213 = arith.constant 64 : i32
        %mul3A_214 = arith.muli %select_n3A_128, %mul3A_213 : i32
        %add3A_215 = arith.constant 32 : i32
        %add3A_216 = arith.addi %mul3A_214, %add3A_215 : i32
        %get3A_217 = arith.index_cast %select_n3A_199 : i32 to index
        %get3A_218 = arith.index_cast %add3A_216 : i32 to index
        %get3A_219 = tpu.vector_load %arg15[%get3A_217, %get3A_218] {strides = array<i32>} : memref<8x128xf32, #tpu.memory_space<vmem>>, vector<16xf32>,
        %mul3A_220 = arith.constant 64 : i32
        %mul3A_221 = arith.muli %select_n3A_128, %mul3A_220 : i32
        %add3A_222 = arith.constant 48 : i32
        %add3A_223 = arith.addi %mul3A_221, %add3A_222 : i32
        %get3A_224 = arith.index_cast %select_n3A_199 : i32 to index
        %get3A_225 = arith.index_cast %add3A_223 : i32 to index
        %get3A_226 = tpu.vector_load %arg15[%get3A_224, %get3A_225] {strides = array<i32>} : memref<8x128xf32, #tpu.memory_space<vmem>>, vector<16xf32>,
        %mul3A_227 = arith.constant 64 : i32
        %mul3A_228 = arith.muli %select_n3A_128, %mul3A_227 : i32
        %broadcast_in_dim3A_229 = arith.constant 0.000000e+00 : f32
        %broadcast_in_dim3A_230 = vector.broadcast %broadcast_in_dim3A_229 : f32 to vector<16xf32>
        %scan3A_231 = arith.constant 0 : i32
        %scan3A_232 = arith.constant 128 : i32
        %scan3A_233 = arith.addi %scan3A_231, %scan3A_232 : i32
        %scan3A_234 = arith.constant 1 : i32
        %scan3A_235:4 = scf.for %scan3A_312 = %scan3A_231 to %scan3A_233 step %scan3A_234 iter_args(%scan3A_313 = %broadcast_in_dim3A_230, %scan3A_314 = %broadcast_in_dim3A_230, %scan3A_315 = %broadcast_in_dim3A_230, %scan3A_316 = %broadcast_in_dim3A_230) -> (vector<16xf32>, vector<16xf32>, vector<16xf32>, vector<16xf32>)  : i32 {
          %broadcast_in_dim3A_317 = vector.broadcast %scan3A_312 : i32 to vector<16xi32>
          %add3A_318 = arith.addi %broadcast_in_dim3A_317, %iota3A : vector<16xi32>
          %and3A_319 = arith.constant 127 : i32
          %and3A_320 = vector.broadcast %and3A_319 : i32 to vector<16xi32>
          %and3A_321 = arith.andi %add3A_318, %and3A_320 : vector<16xi32>
          %gather3A = tpu.vector_load_idx %arg16[%broadcast_in_dim3A_42, %and3A_321] : memref<1x128xf32, #tpu.memory_space<vmem>>[vector<16xi32>, vector<16xi32>], vector<16xf32>,
          %gather3A_322 = tpu.vector_load_idx %arg17[%broadcast_in_dim3A_42, %and3A_321] : memref<1x128xf32, #tpu.memory_space<vmem>>[vector<16xi32>, vector<16xi32>], vector<16xf32>,
          %add3A_323 = arith.constant 0 : i32
          %add3A_324 = arith.addi %mul3A_228, %add3A_323 : i32
          %add3A_325 = vector.broadcast %add3A_324 : i32 to vector<16xi32>
          %add3A_326 = arith.addi %iota3A, %add3A_325 : vector<16xi32>
          %gather3A_327 = tpu.vector_load_idx %arg18[%add3A_326, %and3A_321] : memref<128x128xf32, #tpu.memory_space<vmem>>[vector<16xi32>, vector<16xi32>], vector<16xf32>,
          %gather3A_328 = tpu.vector_load_idx %arg19[%add3A_326, %and3A_321] : memref<128x128xf32, #tpu.memory_space<vmem>>[vector<16xi32>, vector<16xi32>], vector<16xf32>,
          %add3A_329 = arith.addf %gather3A_327, %gather3A_328 : vector<16xf32>
          %mul3A_330 = arith.mulf %get3A_205, %gather3A : vector<16xf32>
          %add3A_331 = arith.addf %add3A_329, %mul3A_330 : vector<16xf32>
          %mul3A_332 = arith.constant 2.000000e-01 : f32
          %mul3A_333 = vector.broadcast %mul3A_332 : f32 to vector<16xf32>
          %mul3A_334 = arith.mulf %add3A_331, %mul3A_333 : vector<16xf32>
          %max3A = arith.maximumf %add3A_331, %mul3A_334 : vector<16xf32>
          %mul3A_335 = arith.mulf %max3A, %gather3A_322 : vector<16xf32>
          %add3A_336 = arith.addf %scan3A_313, %mul3A_335 : vector<16xf32>
          %add3A_337 = arith.constant 16 : i32
          %add3A_338 = arith.addi %mul3A_228, %add3A_337 : i32
          %add3A_339 = vector.broadcast %add3A_338 : i32 to vector<16xi32>
          %add3A_340 = arith.addi %iota3A, %add3A_339 : vector<16xi32>
          %gather3A_341 = tpu.vector_load_idx %arg18[%add3A_340, %and3A_321] : memref<128x128xf32, #tpu.memory_space<vmem>>[vector<16xi32>, vector<16xi32>], vector<16xf32>,
          %gather3A_342 = tpu.vector_load_idx %arg19[%add3A_340, %and3A_321] : memref<128x128xf32, #tpu.memory_space<vmem>>[vector<16xi32>, vector<16xi32>], vector<16xf32>,
          %add3A_343 = arith.addf %gather3A_341, %gather3A_342 : vector<16xf32>
          %mul3A_344 = arith.mulf %get3A_212, %gather3A : vector<16xf32>
          %add3A_345 = arith.addf %add3A_343, %mul3A_344 : vector<16xf32>
          %mul3A_346 = arith.constant 2.000000e-01 : f32
          %mul3A_347 = vector.broadcast %mul3A_346 : f32 to vector<16xf32>
          %mul3A_348 = arith.mulf %add3A_345, %mul3A_347 : vector<16xf32>
          %max3A_349 = arith.maximumf %add3A_345, %mul3A_348 : vector<16xf32>
          %mul3A_350 = arith.mulf %max3A_349, %gather3A_322 : vector<16xf32>
          %add3A_351 = arith.addf %scan3A_314, %mul3A_350 : vector<16xf32>
          %add3A_352 = arith.constant 32 : i32
          %add3A_353 = arith.addi %mul3A_228, %add3A_352 : i32
          %add3A_354 = vector.broadcast %add3A_353 : i32 to vector<16xi32>
          %add3A_355 = arith.addi %iota3A, %add3A_354 : vector<16xi32>
          %gather3A_356 = tpu.vector_load_idx %arg18[%add3A_355, %and3A_321] : memref<128x128xf32, #tpu.memory_space<vmem>>[vector<16xi32>, vector<16xi32>], vector<16xf32>,
          %gather3A_357 = tpu.vector_load_idx %arg19[%add3A_355, %and3A_321] : memref<128x128xf32, #tpu.memory_space<vmem>>[vector<16xi32>, vector<16xi32>], vector<16xf32>,
          %add3A_358 = arith.addf %gather3A_356, %gather3A_357 : vector<16xf32>
          %mul3A_359 = arith.mulf %get3A_219, %gather3A : vector<16xf32>
          %add3A_360 = arith.addf %add3A_358, %mul3A_359 : vector<16xf32>
          %mul3A_361 = arith.constant 2.000000e-01 : f32
          %mul3A_362 = vector.broadcast %mul3A_361 : f32 to vector<16xf32>
          %mul3A_363 = arith.mulf %add3A_360, %mul3A_362 : vector<16xf32>
          %max3A_364 = arith.maximumf %add3A_360, %mul3A_363 : vector<16xf32>
          %mul3A_365 = arith.mulf %max3A_364, %gather3A_322 : vector<16xf32>
          %add3A_366 = arith.addf %scan3A_315, %mul3A_365 : vector<16xf32>
          %add3A_367 = arith.constant 48 : i32
          %add3A_368 = arith.addi %mul3A_228, %add3A_367 : i32
          %add3A_369 = vector.broadcast %add3A_368 : i32 to vector<16xi32>
          %add3A_370 = arith.addi %iota3A, %add3A_369 : vector<16xi32>
          %gather3A_371 = tpu.vector_load_idx %arg18[%add3A_370, %and3A_321] : memref<128x128xf32, #tpu.memory_space<vmem>>[vector<16xi32>, vector<16xi32>], vector<16xf32>,
          %gather3A_372 = tpu.vector_load_idx %arg19[%add3A_370, %and3A_321] : memref<128x128xf32, #tpu.memory_space<vmem>>[vector<16xi32>, vector<16xi32>], vector<16xf32>,
          %add3A_373 = arith.addf %gather3A_371, %gather3A_372 : vector<16xf32>
          %mul3A_374 = arith.mulf %get3A_226, %gather3A : vector<16xf32>
          %add3A_375 = arith.addf %add3A_373, %mul3A_374 : vector<16xf32>
          %mul3A_376 = arith.constant 2.000000e-01 : f32
          %mul3A_377 = vector.broadcast %mul3A_376 : f32 to vector<16xf32>
          %mul3A_378 = arith.mulf %add3A_375, %mul3A_377 : vector<16xf32>
          %max3A_379 = arith.maximumf %add3A_375, %mul3A_378 : vector<16xf32>
          %mul3A_380 = arith.mulf %max3A_379, %gather3A_322 : vector<16xf32>
          %add3A_381 = arith.addf %scan3A_316, %mul3A_380 : vector<16xf32>
          scf.yield %add3A_336, %add3A_351, %add3A_366, %add3A_381 : vector<16xf32>, vector<16xf32>, vector<16xf32>, vector<16xf32>
        }
        %scan3A_236 = arith.constant 128 : i32
        %add3A_237 = arith.addi %add3A_66, %select_n3A_199 : i32
        %mul3A_238 = arith.constant 128 : i32
        %mul3A_239 = arith.muli %add3A_237, %mul3A_238 : i32
        %mul3A_240 = arith.constant 64 : i32
        %mul3A_241 = arith.muli %select_n3A_128, %mul3A_240 : i32
        %add3A_242 = arith.addi %mul3A_239, %mul3A_241 : i32
        %add3A_243 = arith.constant 0 : i32
        %add3A_244 = arith.addi %add3A_242, %add3A_243 : i32
        %add3A_245 = vector.broadcast %add3A_244 : i32 to vector<16xi32>
        %add3A_246 = arith.addi %add3A_245, %iota3A : vector<16xi32>
        %lt3A_247 = arith.constant 320000 : i32
        %lt3A_248 = vector.broadcast %lt3A_247 : i32 to vector<16xi32>
        %lt3A_249 = arith.cmpi slt, %add3A_246, %lt3A_248 : vector<16xi32>
        %exp3A = math.exp %scan3A_235#0 : vector<16xf32>
        %jit3A_250 = arith.constant 0.000000e+00 : f32
        %broadcast_in_dim3A_251 = vector.broadcast %jit3A_250 : f32 to vector<16xf32>
        %select_n3A_252 = arith.select %lt3A_249, %exp3A, %broadcast_in_dim3A_251 : vector<16xi1>, vector<16xf32>
        %add3A_253 = arith.constant 16 : i32
        %add3A_254 = arith.addi %add3A_242, %add3A_253 : i32
        %add3A_255 = vector.broadcast %add3A_254 : i32 to vector<16xi32>
        %add3A_256 = arith.addi %add3A_255, %iota3A : vector<16xi32>
        %lt3A_257 = arith.constant 320000 : i32
        %lt3A_258 = vector.broadcast %lt3A_257 : i32 to vector<16xi32>
        %lt3A_259 = arith.cmpi slt, %add3A_256, %lt3A_258 : vector<16xi32>
        %exp3A_260 = math.exp %scan3A_235#1 : vector<16xf32>
        %jit3A_261 = arith.constant 0.000000e+00 : f32
        %broadcast_in_dim3A_262 = vector.broadcast %jit3A_261 : f32 to vector<16xf32>
        %select_n3A_263 = arith.select %lt3A_259, %exp3A_260, %broadcast_in_dim3A_262 : vector<16xi1>, vector<16xf32>
        %add3A_264 = arith.constant 32 : i32
        %add3A_265 = arith.addi %add3A_242, %add3A_264 : i32
        %add3A_266 = vector.broadcast %add3A_265 : i32 to vector<16xi32>
        %add3A_267 = arith.addi %add3A_266, %iota3A : vector<16xi32>
        %lt3A_268 = arith.constant 320000 : i32
        %lt3A_269 = vector.broadcast %lt3A_268 : i32 to vector<16xi32>
        %lt3A_270 = arith.cmpi slt, %add3A_267, %lt3A_269 : vector<16xi32>
        %exp3A_271 = math.exp %scan3A_235#2 : vector<16xf32>
        %jit3A_272 = arith.constant 0.000000e+00 : f32
        %broadcast_in_dim3A_273 = vector.broadcast %jit3A_272 : f32 to vector<16xf32>
        %select_n3A_274 = arith.select %lt3A_270, %exp3A_271, %broadcast_in_dim3A_273 : vector<16xi1>, vector<16xf32>
        %add3A_275 = arith.constant 48 : i32
        %add3A_276 = arith.addi %add3A_242, %add3A_275 : i32
        %add3A_277 = vector.broadcast %add3A_276 : i32 to vector<16xi32>
        %add3A_278 = arith.addi %add3A_277, %iota3A : vector<16xi32>
        %lt3A_279 = arith.constant 320000 : i32
        %lt3A_280 = vector.broadcast %lt3A_279 : i32 to vector<16xi32>
        %lt3A_281 = arith.cmpi slt, %add3A_278, %lt3A_280 : vector<16xi32>
        %exp3A_282 = math.exp %scan3A_235#3 : vector<16xf32>
        %jit3A_283 = arith.constant 0.000000e+00 : f32
        %broadcast_in_dim3A_284 = vector.broadcast %jit3A_283 : f32 to vector<16xf32>
        %select_n3A_285 = arith.select %lt3A_281, %exp3A_282, %broadcast_in_dim3A_284 : vector<16xi1>, vector<16xf32>
        %swap3A = arith.constant 0 : i32
        %swap3A_286 = arith.index_cast %swap3A : i32 to index
        %swap3A_287 = arith.constant 0 : index
        %swap3A_288 = tpu.vector_load %arg20[%swap3A_286, %swap3A_287] {strides = array<i32>} : memref<1x64xf32, #tpu.memory_space<vmem>>, vector<16xf32>,
        tpu.vector_store %arg20[%swap3A_286, %swap3A_287], %select_n3A_252 {strides = array<i32>} : memref<1x64xf32, #tpu.memory_space<vmem>>, vector<16xf32>,
        %swap3A_289 = arith.constant 0 : i32
        %swap3A_290 = arith.index_cast %swap3A_289 : i32 to index
        %swap3A_291 = arith.constant 16 : index
        %swap3A_292 = tpu.vector_load %arg20[%swap3A_290, %swap3A_291] {strides = array<i32>} : memref<1x64xf32, #tpu.memory_space<vmem>>, vector<16xf32>,
        tpu.vector_store %arg20[%swap3A_290, %swap3A_291], %select_n3A_263 {strides = array<i32>} : memref<1x64xf32, #tpu.memory_space<vmem>>, vector<16xf32>,
        %swap3A_293 = arith.constant 0 : i32
        %swap3A_294 = arith.index_cast %swap3A_293 : i32 to index
        %swap3A_295 = arith.constant 32 : index
        %swap3A_296 = tpu.vector_load %arg20[%swap3A_294, %swap3A_295] {strides = array<i32>} : memref<1x64xf32, #tpu.memory_space<vmem>>, vector<16xf32>,
        tpu.vector_store %arg20[%swap3A_294, %swap3A_295], %select_n3A_274 {strides = array<i32>} : memref<1x64xf32, #tpu.memory_space<vmem>>, vector<16xf32>,
        %swap3A_297 = arith.constant 0 : i32
        %swap3A_298 = arith.index_cast %swap3A_297 : i32 to index
        %swap3A_299 = arith.constant 48 : index
        %swap3A_300 = tpu.vector_load %arg20[%swap3A_298, %swap3A_299] {strides = array<i32>} : memref<1x64xf32, #tpu.memory_space<vmem>>, vector<16xf32>,
        tpu.vector_store %arg20[%swap3A_298, %swap3A_299], %select_n3A_285 {strides = array<i32>} : memref<1x64xf32, #tpu.memory_space<vmem>>, vector<16xf32>,
        %scan3A_301 = arith.constant 0 : i32
        %scan3A_302 = arith.constant 0 : i32
        %scan3A_303 = arith.constant 128 : i32
        %scan3A_304 = arith.addi %scan3A_302, %scan3A_303 : i32
        %scan3A_305 = arith.constant 1 : i32
        %scan3A_306 = scf.for %scan3A_312 = %scan3A_302 to %scan3A_304 step %scan3A_305 iter_args(%scan3A_313 = %scan3A_301) -> (i32)  : i32 {
          %broadcast_in_dim3A_314 = vector.broadcast %scan3A_312 : i32 to vector<16xi32>
          %add3A_315 = arith.addi %broadcast_in_dim3A_314, %iota3A : vector<16xi32>
          %and3A_316 = arith.constant 127 : i32
          %and3A_317 = vector.broadcast %and3A_316 : i32 to vector<16xi32>
          %and3A_318 = arith.andi %add3A_315, %and3A_317 : vector<16xi32>
          %add3A_319 = arith.constant 0 : i32
          %add3A_320 = arith.addi %mul3A_228, %add3A_319 : i32
          %add3A_321 = vector.broadcast %add3A_320 : i32 to vector<16xi32>
          %add3A_322 = arith.addi %iota3A, %add3A_321 : vector<16xi32>
          %gather3A = tpu.vector_load_idx %arg18[%add3A_322, %and3A_318] : memref<128x128xf32, #tpu.memory_space<vmem>>[vector<16xi32>, vector<16xi32>], vector<16xf32>,
          %mul3A_323 = arith.mulf %gather3A, %select_n3A_252 : vector<16xf32>
          tpu.vector_store_idx %arg18[%add3A_322, %and3A_318], %mul3A_323 : memref<128x128xf32, #tpu.memory_space<vmem>>[vector<16xi32>, vector<16xi32>], vector<16xf32>,
          %add3A_324 = arith.constant 16 : i32
          %add3A_325 = arith.addi %mul3A_228, %add3A_324 : i32
          %add3A_326 = vector.broadcast %add3A_325 : i32 to vector<16xi32>
          %add3A_327 = arith.addi %iota3A, %add3A_326 : vector<16xi32>
          %gather3A_328 = tpu.vector_load_idx %arg18[%add3A_327, %and3A_318] : memref<128x128xf32, #tpu.memory_space<vmem>>[vector<16xi32>, vector<16xi32>], vector<16xf32>,
          %mul3A_329 = arith.mulf %gather3A_328, %select_n3A_263 : vector<16xf32>
          tpu.vector_store_idx %arg18[%add3A_327, %and3A_318], %mul3A_329 : memref<128x128xf32, #tpu.memory_space<vmem>>[vector<16xi32>, vector<16xi32>], vector<16xf32>,
          %add3A_330 = arith.constant 32 : i32
          %add3A_331 = arith.addi %mul3A_228, %add3A_330 : i32
          %add3A_332 = vector.broadcast %add3A_331 : i32 to vector<16xi32>
          %add3A_333 = arith.addi %iota3A, %add3A_332 : vector<16xi32>
          %gather3A_334 = tpu.vector_load_idx %arg18[%add3A_333, %and3A_318] : memref<128x128xf32, #tpu.memory_space<vmem>>[vector<16xi32>, vector<16xi32>], vector<16xf32>,
          %mul3A_335 = arith.mulf %gather3A_334, %select_n3A_274 : vector<16xf32>
          tpu.vector_store_idx %arg18[%add3A_333, %and3A_318], %mul3A_335 : memref<128x128xf32, #tpu.memory_space<vmem>>[vector<16xi32>, vector<16xi32>], vector<16xf32>,
          %add3A_336 = arith.constant 48 : i32
          %add3A_337 = arith.addi %mul3A_228, %add3A_336 : i32
          %add3A_338 = vector.broadcast %add3A_337 : i32 to vector<16xi32>
          %add3A_339 = arith.addi %iota3A, %add3A_338 : vector<16xi32>
          %gather3A_340 = tpu.vector_load_idx %arg18[%add3A_339, %and3A_318] : memref<128x128xf32, #tpu.memory_space<vmem>>[vector<16xi32>, vector<16xi32>], vector<16xf32>,
          %mul3A_341 = arith.mulf %gather3A_340, %select_n3A_285 : vector<16xf32>
          tpu.vector_store_idx %arg18[%add3A_339, %and3A_318], %mul3A_341 : memref<128x128xf32, #tpu.memory_space<vmem>>[vector<16xi32>, vector<16xi32>], vector<16xf32>,
          %scan3A_342 = arith.constant 0 : i32
          scf.yield %scan3A_342 : i32
        }
        %scan3A_307 = arith.constant 128 : i32
        %mul3A_308 = arith.constant 64 : i32
        %mul3A_309 = arith.muli %select_n3A_128, %mul3A_308 : i32
        "tpu.region"() ({
          %run_scoped3A_312 = tpu.sem_alloc : memref<!tpu.dma_semaphore, #tpu.memory_space<semaphore_mem>>
          %dma_start3A_313 = arith.constant 0 : i32
          %dma_start3A_314 = tpu.memref_slice %arg18[%mul3A_309, %dma_start3A_313] : memref<128x128xf32, #tpu.memory_space<vmem>> -> memref<64x128xf32, #tpu.memory_space<vmem>>
          %dma_start3A_315 = arith.constant 0 : i32
          %dma_start3A_316 = tpu.memref_slice %arg14[%scan3A_118, %dma_start3A_315] : memref<16x64xi32, #tpu.memory_space<vmem>> -> memref<1x64xi32, #tpu.memory_space<vmem>>
          %dma_start3A_317 = tpu.memref_squeeze %dma_start3A_316 : memref<1x64xi32, #tpu.memory_space<vmem>> -> memref<64xi32, #tpu.memory_space<vmem>>
          %dma_start3A_318 = arith.constant 0 : i32
          %dma_start3A_319 = arith.constant 0 : i32
          %dma_start3A_320 = tpu.memref_slice %arg11[%dma_start3A_318, %dma_start3A_319] : memref<10112x128xf32, #tpu.memory_space<vmem_shared>> -> memref<10112x128xf32, #tpu.memory_space<vmem_shared>>
          tpu.enqueue_indirect_dma source(%dma_start3A_314 : memref<64x128xf32, #tpu.memory_space<vmem>>) target(%dma_start3A_320 : memref<10112x128xf32, #tpu.memory_space<vmem_shared>>) offsets(%dma_start3A_317 : memref<64xi32, #tpu.memory_space<vmem>>) semaphore(%run_scoped3A_312 : memref<!tpu.dma_semaphore, #tpu.memory_space<semaphore_mem>>) {add = true}
          %dma_wait3A_321 = arith.constant 0 : i32
          %dma_wait3A_322 = tpu.memref_slice %arg18[%mul3A_309, %dma_wait3A_321] : memref<128x128xf32, #tpu.memory_space<vmem>> -> memref<64x128xf32, #tpu.memory_space<vmem>>
          %dma_wait3A_323 = arith.constant 0 : i32
          %dma_wait3A_324 = tpu.memref_slice %arg14[%scan3A_118, %dma_wait3A_323] : memref<16x64xi32, #tpu.memory_space<vmem>> -> memref<1x64xi32, #tpu.memory_space<vmem>>
          %dma_wait3A_325 = tpu.memref_squeeze %dma_wait3A_324 : memref<1x64xi32, #tpu.memory_space<vmem>> -> memref<64xi32, #tpu.memory_space<vmem>>
          %dma_wait3A_326 = arith.constant 0 : i32
          %dma_wait3A_327 = arith.constant 0 : i32
          %dma_wait3A_328 = tpu.memref_slice %arg11[%dma_wait3A_326, %dma_wait3A_327] : memref<10112x128xf32, #tpu.memory_space<vmem_shared>> -> memref<10112x128xf32, #tpu.memory_space<vmem_shared>>
          tpu.wait_indirect_dma semaphore(%run_scoped3A_312 : memref<!tpu.dma_semaphore, #tpu.memory_space<semaphore_mem>>) src(%dma_wait3A_322 : memref<64x128xf32, #tpu.memory_space<vmem>>) dst(%dma_wait3A_328 : memref<10112x128xf32, #tpu.memory_space<vmem_shared>>)
          tpu.yield
        }) : () -> ()
        %run_scoped3A_310 = arith.constant 0 : i32
        "tpu.region"() ({
          %run_scoped3A_312 = tpu.sem_alloc : memref<!tpu.dma_semaphore, #tpu.memory_space<semaphore_mem>>
          %dma_start3A_313 = arith.constant 0 : i32
          %dma_start3A_314 = tpu.memref_slice %arg20[%run_scoped3A_310, %dma_start3A_313] : memref<1x64xf32, #tpu.memory_space<vmem>> -> memref<1x64xf32, #tpu.memory_space<vmem>>
          %dma_start3A_315 = tpu.memref_squeeze %dma_start3A_314 : memref<1x64xf32, #tpu.memory_space<vmem>> -> memref<64xf32, #tpu.memory_space<vmem>>
          %dma_start3A_316 = arith.constant 0 : i32
          %dma_start3A_317 = tpu.memref_slice %arg14[%scan3A_118, %dma_start3A_316] : memref<16x64xi32, #tpu.memory_space<vmem>> -> memref<1x64xi32, #tpu.memory_space<vmem>>
          %dma_start3A_318 = tpu.memref_squeeze %dma_start3A_317 : memref<1x64xi32, #tpu.memory_space<vmem>> -> memref<64xi32, #tpu.memory_space<vmem>>
          %dma_start3A_319 = arith.constant 0 : i32
          %dma_start3A_320 = tpu.memref_slice %arg12[%dma_start3A_319] : memref<10240xf32, #tpu.memory_space<vmem_shared>> -> memref<10240xf32, #tpu.memory_space<vmem_shared>>
          tpu.enqueue_indirect_dma source(%dma_start3A_315 : memref<64xf32, #tpu.memory_space<vmem>>) target(%dma_start3A_320 : memref<10240xf32, #tpu.memory_space<vmem_shared>>) offsets(%dma_start3A_318 : memref<64xi32, #tpu.memory_space<vmem>>) semaphore(%run_scoped3A_312 : memref<!tpu.dma_semaphore, #tpu.memory_space<semaphore_mem>>) {add = true}
          %dma_wait3A_321 = arith.constant 0 : i32
          %dma_wait3A_322 = tpu.memref_slice %arg20[%run_scoped3A_310, %dma_wait3A_321] : memref<1x64xf32, #tpu.memory_space<vmem>> -> memref<1x64xf32, #tpu.memory_space<vmem>>
          %dma_wait3A_323 = tpu.memref_squeeze %dma_wait3A_322 : memref<1x64xf32, #tpu.memory_space<vmem>> -> memref<64xf32, #tpu.memory_space<vmem>>
          %dma_wait3A_324 = arith.constant 0 : i32
          %dma_wait3A_325 = tpu.memref_slice %arg14[%scan3A_118, %dma_wait3A_324] : memref<16x64xi32, #tpu.memory_space<vmem>> -> memref<1x64xi32, #tpu.memory_space<vmem>>
          %dma_wait3A_326 = tpu.memref_squeeze %dma_wait3A_325 : memref<1x64xi32, #tpu.memory_space<vmem>> -> memref<64xi32, #tpu.memory_space<vmem>>
          %dma_wait3A_327 = arith.constant 0 : i32
          %dma_wait3A_328 = tpu.memref_slice %arg12[%dma_wait3A_327] : memref<10240xf32, #tpu.memory_space<vmem_shared>> -> memref<10240xf32, #tpu.memory_space<vmem_shared>>
          tpu.wait_indirect_dma semaphore(%run_scoped3A_312 : memref<!tpu.dma_semaphore, #tpu.memory_space<semaphore_mem>>) src(%dma_wait3A_323 : memref<64xf32, #tpu.memory_space<vmem>>) dst(%dma_wait3A_328 : memref<10240xf32, #tpu.memory_space<vmem_shared>>)
          tpu.yield
        }) : () -> ()
        %scan3A_311 = arith.constant 0 : i32
        scf.yield %scan3A_311 : i32
      }
      %scan3A_116 = arith.constant 16 : i32
      %scan3A_117 = arith.constant 0 : i32
      scf.yield %scan3A_117 : i32
    }
    %scan3A_49 = arith.constant 10 : i32
    %barrier3A_50 = arith.constant 0 : index
    tpu.barrier barrier_id(%barrier3A_50)
    %mul3A_51 = arith.constant 632 : i32
    %mul3A_52 = arith.muli %arg1, %mul3A_51 : i32
    %mul3A_53 = arith.constant 632 : i32
    %mul3A_54 = arith.muli %arg1, %mul3A_53 : i32
    "tpu.region"() ({
      %run_scoped3A_62 = tpu.sem_alloc : memref<!tpu.dma_semaphore, #tpu.memory_space<semaphore_mem>>
      %dma_start3A = arith.constant 0 : i32
      %dma_start3A_63 = tpu.memref_slice %arg9[%arg0, %mul3A_54, %dma_start3A] : memref<2x10112x128xf32, #tpu.memory_space<hbm>> -> memref<1x632x128xf32, #tpu.memory_space<hbm>>
      %dma_start3A_64 = tpu.memref_squeeze %dma_start3A_63 : memref<1x632x128xf32, #tpu.memory_space<hbm>> -> memref<632x128xf32, #tpu.memory_space<hbm>>
      %dma_start3A_65 = arith.constant 0 : i32
      %dma_start3A_66 = tpu.memref_slice %arg11[%mul3A_52, %dma_start3A_65] : memref<10112x128xf32, #tpu.memory_space<vmem_shared>> -> memref<632x128xf32, #tpu.memory_space<vmem_shared>>
      tpu.enqueue_dma source(%dma_start3A_66 : memref<632x128xf32, #tpu.memory_space<vmem_shared>>) target(%dma_start3A_64 : memref<632x128xf32, #tpu.memory_space<hbm>>) target_semaphore(%run_scoped3A_62 : memref<!tpu.dma_semaphore, #tpu.memory_space<semaphore_mem>>)
      %dma_wait3A = arith.constant 0 : i32
      %dma_wait3A_67 = tpu.memref_slice %arg9[%arg0, %mul3A_54, %dma_wait3A] : memref<2x10112x128xf32, #tpu.memory_space<hbm>> -> memref<1x632x128xf32, #tpu.memory_space<hbm>>
      %dma_wait3A_68 = tpu.memref_squeeze %dma_wait3A_67 : memref<1x632x128xf32, #tpu.memory_space<hbm>> -> memref<632x128xf32, #tpu.memory_space<hbm>>
      %dma_wait3A_69 = arith.constant 0 : i32
      %dma_wait3A_70 = tpu.memref_slice %arg11[%mul3A_52, %dma_wait3A_69] : memref<10112x128xf32, #tpu.memory_space<vmem_shared>> -> memref<632x128xf32, #tpu.memory_space<vmem_shared>>
      tpu.wait_dma2 semaphore(%run_scoped3A_62 : memref<!tpu.dma_semaphore, #tpu.memory_space<semaphore_mem>>) src(%dma_wait3A_70 : memref<632x128xf32, #tpu.memory_space<vmem_shared>>) dst(%dma_wait3A_68 : memref<632x128xf32, #tpu.memory_space<hbm>>)
      tpu.yield
    }) : () -> ()
    %mul3A_55 = arith.constant 640 : i32
    %mul3A_56 = arith.muli %arg1, %mul3A_55 : i32
    %mul3A_57 = arith.constant 10240 : i32
    %mul3A_58 = arith.muli %arg0, %mul3A_57 : i32
    %mul3A_59 = arith.constant 640 : i32
    %mul3A_60 = arith.muli %arg1, %mul3A_59 : i32
    %add3A_61 = arith.addi %mul3A_58, %mul3A_60 : i32
    "tpu.region"() ({
      %run_scoped3A_62 = tpu.sem_alloc : memref<!tpu.dma_semaphore, #tpu.memory_space<semaphore_mem>>
      %dma_start3A = tpu.memref_slice %arg10[%add3A_61] : memref<20480xf32, #tpu.memory_space<hbm>> -> memref<640xf32, #tpu.memory_space<hbm>>
      %dma_start3A_63 = tpu.memref_slice %arg12[%mul3A_56] : memref<10240xf32, #tpu.memory_space<vmem_shared>> -> memref<640xf32, #tpu.memory_space<vmem_shared>>
      tpu.enqueue_dma source(%dma_start3A_63 : memref<640xf32, #tpu.memory_space<vmem_shared>>) target(%dma_start3A : memref<640xf32, #tpu.memory_space<hbm>>) target_semaphore(%run_scoped3A_62 : memref<!tpu.dma_semaphore, #tpu.memory_space<semaphore_mem>>)
      %dma_wait3A = tpu.memref_slice %arg10[%add3A_61] : memref<20480xf32, #tpu.memory_space<hbm>> -> memref<640xf32, #tpu.memory_space<hbm>>
      %dma_wait3A_64 = tpu.memref_slice %arg12[%mul3A_56] : memref<10240xf32, #tpu.memory_space<vmem_shared>> -> memref<640xf32, #tpu.memory_space<vmem_shared>>
      tpu.wait_dma2 semaphore(%run_scoped3A_62 : memref<!tpu.dma_semaphore, #tpu.memory_space<semaphore_mem>>) src(%dma_wait3A_64 : memref<640xf32, #tpu.memory_space<vmem_shared>>) dst(%dma_wait3A : memref<640xf32, #tpu.memory_space<hbm>>)
      tpu.yield
    }) : () -> ()
    return
  }
}

module attributes {stable_mosaic.version = 14 : i64} {
  func.func @body(%arg0: memref<10000x128xf32, #tpu.memory_space<vmem>>, %arg1: memref<128x128xf32, #tpu.memory_space<vmem>>, %arg2: memref<128x128xf32, #tpu.memory_space<vmem>>, %arg3: memref<10000x128xf32, #tpu.memory_space<vmem>>, %arg4: memref<10000x128xf32, #tpu.memory_space<vmem>>) attributes {dimension_semantics = [], scalar_prefetch = 0 : i64, scratch_operands = 0 : i64, tpu.core_type = #tpu.core_type<tc>} {
    %get3A = arith.constant 0 : index
    %get3A_0 = arith.constant 0 : index
    %get3A_1 = vector.load %arg0[%get3A, %get3A_0] : memref<10000x128xf32, #tpu.memory_space<vmem>>, vector<10000x128xf32>
    %get3A_2 = arith.constant 0 : index
    %get3A_3 = arith.constant 0 : index
    %get3A_4 = vector.load %arg1[%get3A_2, %get3A_3] : memref<128x128xf32, #tpu.memory_space<vmem>>, vector<128x128xf32>
    %dot_general3A = arith.constant dense<0.000000e+00> : vector<10000x128xf32>
    %dot_general3A_5 = tpu.matmul %get3A_1, %get3A_4, %dot_general3A {dimension_numbers = #tpu.dot_dimension_numbers<[1], [0], [0], [1], [0, 0, 1, 1], [], []>, transpose_lhs_hint = false} : vector<10000x128xf32>, vector<128x128xf32>, vector<10000x128xf32> -> vector<10000x128xf32>
    %swap3A = arith.constant 0 : index
    %swap3A_6 = arith.constant 0 : index
    %swap3A_7 = vector.load %arg3[%swap3A, %swap3A_6] : memref<10000x128xf32, #tpu.memory_space<vmem>>, vector<10000x128xf32>
    tpu.vector_store %arg3[%swap3A, %swap3A_6], %dot_general3A_5 {strides = array<i32>} : memref<10000x128xf32, #tpu.memory_space<vmem>>, vector<10000x128xf32>,
    %get3A_8 = arith.constant 0 : index
    %get3A_9 = arith.constant 0 : index
    %get3A_10 = vector.load %arg2[%get3A_8, %get3A_9] : memref<128x128xf32, #tpu.memory_space<vmem>>, vector<128x128xf32>
    %dot_general3A_11 = arith.constant dense<0.000000e+00> : vector<10000x128xf32>
    %dot_general3A_12 = tpu.matmul %get3A_1, %get3A_10, %dot_general3A_11 {dimension_numbers = #tpu.dot_dimension_numbers<[1], [0], [0], [1], [0, 0, 1, 1], [], []>, transpose_lhs_hint = false} : vector<10000x128xf32>, vector<128x128xf32>, vector<10000x128xf32> -> vector<10000x128xf32>
    %swap3A_13 = arith.constant 0 : index
    %swap3A_14 = arith.constant 0 : index
    %swap3A_15 = vector.load %arg4[%swap3A_13, %swap3A_14] : memref<10000x128xf32, #tpu.memory_space<vmem>>, vector<10000x128xf32>
    tpu.vector_store %arg4[%swap3A_13, %swap3A_14], %dot_general3A_12 {strides = array<i32>} : memref<10000x128xf32, #tpu.memory_space<vmem>>, vector<10000x128xf32>,
    return
  }
}

module attributes {stable_mosaic.version = 14 : i64} {
  func.func @body(%arg0: memref<2x10000x128xf32, #tpu.memory_space<vmem>>, %arg1: memref<2x10000x1xf32, #tpu.memory_space<vmem>>, %arg2: memref<1x128xf32, #tpu.memory_space<vmem>>, %arg3: memref<128x128xf32, #tpu.memory_space<vmem>>, %arg4: memref<128x128xf32, #tpu.memory_space<vmem>>, %arg5: memref<10000x128xf32, #tpu.memory_space<vmem>>, %arg6: memref<10000x128xf32, #tpu.memory_space<vmem>>) attributes {dimension_semantics = [], scalar_prefetch = 0 : i64, scratch_operands = 0 : i64, tpu.core_type = #tpu.core_type<tc>} {
    %get3A = arith.constant 0 : index
    %get3A_0 = arith.constant 0 : index
    %get3A_1 = arith.constant 0 : index
    %get3A_2 = vector.load %arg0[%get3A, %get3A_0, %get3A_1] : memref<2x10000x128xf32, #tpu.memory_space<vmem>>, vector<1x10000x128xf32>
    %get3A_3 = vector.shape_cast %get3A_2 : vector<1x10000x128xf32> to vector<10000x128xf32>
    %get3A_4 = arith.constant 1 : index
    %get3A_5 = arith.constant 0 : index
    %get3A_6 = arith.constant 0 : index
    %get3A_7 = vector.load %arg0[%get3A_4, %get3A_5, %get3A_6] : memref<2x10000x128xf32, #tpu.memory_space<vmem>>, vector<1x10000x128xf32>
    %get3A_8 = vector.shape_cast %get3A_7 : vector<1x10000x128xf32> to vector<10000x128xf32>
    %add3A = arith.addf %get3A_3, %get3A_8 : vector<10000x128xf32>
    %get3A_9 = arith.constant 0 : index
    %get3A_10 = arith.constant 0 : index
    %get3A_11 = arith.constant 0 : index
    %get3A_12 = vector.load %arg1[%get3A_9, %get3A_10, %get3A_11] : memref<2x10000x1xf32, #tpu.memory_space<vmem>>, vector<1x10000x1xf32>
    %get3A_13 = vector.shape_cast %get3A_12 : vector<1x10000x1xf32> to vector<10000x1xf32>
    %get3A_14 = arith.constant 1 : index
    %get3A_15 = arith.constant 0 : index
    %get3A_16 = arith.constant 0 : index
    %get3A_17 = vector.load %arg1[%get3A_14, %get3A_15, %get3A_16] : memref<2x10000x1xf32, #tpu.memory_space<vmem>>, vector<1x10000x1xf32>
    %get3A_18 = vector.shape_cast %get3A_17 : vector<1x10000x1xf32> to vector<10000x1xf32>
    %add3A_19 = arith.addf %get3A_13, %get3A_18 : vector<10000x1xf32>
    %add3A_20 = arith.constant 1.000000e-16 : f32
    %add3A_21 = vector.broadcast %add3A_20 : f32 to vector<10000x1xf32>
    %add3A_22 = arith.addf %add3A_19, %add3A_21 : vector<10000x1xf32>
    %div3A = vector.broadcast %add3A_22 : vector<10000x1xf32> to vector<10000x128xf32>
    %div3A_23 = arith.divf %add3A, %div3A : vector<10000x128xf32>
    %get3A_24 = arith.constant 0 : index
    %get3A_25 = arith.constant 0 : index
    %get3A_26 = vector.load %arg2[%get3A_24, %get3A_25] : memref<1x128xf32, #tpu.memory_space<vmem>>, vector<1x128xf32>
    %add3A_27 = vector.broadcast %get3A_26 : vector<1x128xf32> to vector<10000x128xf32>
    %add3A_28 = arith.addf %div3A_23, %add3A_27 : vector<10000x128xf32>
    %max3A = arith.constant 0.000000e+00 : f32
    %max3A_29 = vector.broadcast %max3A : f32 to vector<10000x128xf32>
    %max3A_30 = arith.maximumf %add3A_28, %max3A_29 : vector<10000x128xf32>
    %get3A_31 = arith.constant 0 : index
    %get3A_32 = arith.constant 0 : index
    %get3A_33 = vector.load %arg3[%get3A_31, %get3A_32] : memref<128x128xf32, #tpu.memory_space<vmem>>, vector<128x128xf32>
    %dot_general3A = arith.constant dense<0.000000e+00> : vector<10000x128xf32>
    %dot_general3A_34 = tpu.matmul %max3A_30, %get3A_33, %dot_general3A {dimension_numbers = #tpu.dot_dimension_numbers<[1], [0], [0], [1], [0, 0, 1, 1], [], []>, transpose_lhs_hint = false} : vector<10000x128xf32>, vector<128x128xf32>, vector<10000x128xf32> -> vector<10000x128xf32>
    %swap3A = arith.constant 0 : index
    %swap3A_35 = arith.constant 0 : index
    %swap3A_36 = vector.load %arg5[%swap3A, %swap3A_35] : memref<10000x128xf32, #tpu.memory_space<vmem>>, vector<10000x128xf32>
    tpu.vector_store %arg5[%swap3A, %swap3A_35], %dot_general3A_34 {strides = array<i32>} : memref<10000x128xf32, #tpu.memory_space<vmem>>, vector<10000x128xf32>,
    %get3A_37 = arith.constant 0 : index
    %get3A_38 = arith.constant 0 : index
    %get3A_39 = vector.load %arg4[%get3A_37, %get3A_38] : memref<128x128xf32, #tpu.memory_space<vmem>>, vector<128x128xf32>
    %dot_general3A_40 = arith.constant dense<0.000000e+00> : vector<10000x128xf32>
    %dot_general3A_41 = tpu.matmul %max3A_30, %get3A_39, %dot_general3A_40 {dimension_numbers = #tpu.dot_dimension_numbers<[1], [0], [0], [1], [0, 0, 1, 1], [], []>, transpose_lhs_hint = false} : vector<10000x128xf32>, vector<128x128xf32>, vector<10000x128xf32> -> vector<10000x128xf32>
    %swap3A_42 = arith.constant 0 : index
    %swap3A_43 = arith.constant 0 : index
    %swap3A_44 = vector.load %arg6[%swap3A_42, %swap3A_43] : memref<10000x128xf32, #tpu.memory_space<vmem>>, vector<10000x128xf32>
    tpu.vector_store %arg6[%swap3A_42, %swap3A_43], %dot_general3A_41 {strides = array<i32>} : memref<10000x128xf32, #tpu.memory_space<vmem>>, vector<10000x128xf32>,
    return
  }
}

module attributes {stable_mosaic.version = 14 : i64} {
  func.func @body(%arg0: memref<2x10000x128xf32, #tpu.memory_space<vmem>>, %arg1: memref<2x10000x1xf32, #tpu.memory_space<vmem>>, %arg2: memref<1x128xf32, #tpu.memory_space<vmem>>, %arg3: memref<1x10000xi32, #tpu.memory_space<vmem>>, %arg4: memref<128x64xf32, #tpu.memory_space<vmem>>, %arg5: memref<1x64xf32, #tpu.memory_space<vmem>>, %arg6: memref<64x64xf32, #tpu.memory_space<vmem>>) attributes {dimension_semantics = [], scalar_prefetch = 0 : i64, scratch_operands = 0 : i64, tpu.core_type = #tpu.core_type<tc>} {
    %get3A = arith.constant 0 : index
    %get3A_0 = arith.constant 0 : index
    %get3A_1 = arith.constant 0 : index
    %get3A_2 = vector.load %arg0[%get3A, %get3A_0, %get3A_1] : memref<2x10000x128xf32, #tpu.memory_space<vmem>>, vector<1x10000x128xf32>
    %get3A_3 = vector.shape_cast %get3A_2 : vector<1x10000x128xf32> to vector<10000x128xf32>
    %get3A_4 = arith.constant 1 : index
    %get3A_5 = arith.constant 0 : index
    %get3A_6 = arith.constant 0 : index
    %get3A_7 = vector.load %arg0[%get3A_4, %get3A_5, %get3A_6] : memref<2x10000x128xf32, #tpu.memory_space<vmem>>, vector<1x10000x128xf32>
    %get3A_8 = vector.shape_cast %get3A_7 : vector<1x10000x128xf32> to vector<10000x128xf32>
    %add3A = arith.addf %get3A_3, %get3A_8 : vector<10000x128xf32>
    %get3A_9 = arith.constant 0 : index
    %get3A_10 = arith.constant 0 : index
    %get3A_11 = arith.constant 0 : index
    %get3A_12 = vector.load %arg1[%get3A_9, %get3A_10, %get3A_11] : memref<2x10000x1xf32, #tpu.memory_space<vmem>>, vector<1x10000x1xf32>
    %get3A_13 = vector.shape_cast %get3A_12 : vector<1x10000x1xf32> to vector<10000x1xf32>
    %get3A_14 = arith.constant 1 : index
    %get3A_15 = arith.constant 0 : index
    %get3A_16 = arith.constant 0 : index
    %get3A_17 = vector.load %arg1[%get3A_14, %get3A_15, %get3A_16] : memref<2x10000x1xf32, #tpu.memory_space<vmem>>, vector<1x10000x1xf32>
    %get3A_18 = vector.shape_cast %get3A_17 : vector<1x10000x1xf32> to vector<10000x1xf32>
    %add3A_19 = arith.addf %get3A_13, %get3A_18 : vector<10000x1xf32>
    %add3A_20 = arith.constant 1.000000e-16 : f32
    %add3A_21 = vector.broadcast %add3A_20 : f32 to vector<10000x1xf32>
    %add3A_22 = arith.addf %add3A_19, %add3A_21 : vector<10000x1xf32>
    %div3A = vector.broadcast %add3A_22 : vector<10000x1xf32> to vector<10000x128xf32>
    %div3A_23 = arith.divf %add3A, %div3A : vector<10000x128xf32>
    %get3A_24 = arith.constant 0 : index
    %get3A_25 = arith.constant 0 : index
    %get3A_26 = vector.load %arg2[%get3A_24, %get3A_25] : memref<1x128xf32, #tpu.memory_space<vmem>>, vector<1x128xf32>
    %add3A_27 = vector.broadcast %get3A_26 : vector<1x128xf32> to vector<10000x128xf32>
    %add3A_28 = arith.addf %div3A_23, %add3A_27 : vector<10000x128xf32>
    %max3A = arith.constant 0.000000e+00 : f32
    %max3A_29 = vector.broadcast %max3A : f32 to vector<10000x128xf32>
    %max3A_30 = arith.maximumf %add3A_28, %max3A_29 : vector<10000x128xf32>
    %get3A_31 = arith.constant 0 : index
    %get3A_32 = arith.constant 0 : index
    %get3A_33 = vector.load %arg3[%get3A_31, %get3A_32] : memref<1x10000xi32, #tpu.memory_space<vmem>>, vector<1x10000xi32>
    %iota3A = tpu.iota {dimensions = array<i32: 0>} : vector<64x10000xi32>
    %eq3A = vector.broadcast %get3A_33 : vector<1x10000xi32> to vector<64x10000xi32>
    %eq3A_34 = arith.cmpi eq, %iota3A, %eq3A : vector<64x10000xi32>
    %convert_element_type3A = arith.extui %eq3A_34 : vector<64x10000xi1> to vector<64x10000xi32>
    %convert_element_type3A_35 = arith.sitofp %convert_element_type3A : vector<64x10000xi32> to vector<64x10000xf32>
    %dot_general3A = arith.constant dense<0.000000e+00> : vector<64x128xf32>
    %dot_general3A_36 = tpu.matmul %convert_element_type3A_35, %max3A_30, %dot_general3A {dimension_numbers = #tpu.dot_dimension_numbers<[1], [0], [0], [1], [0, 0, 1, 1], [], []>, transpose_lhs_hint = false} : vector<64x10000xf32>, vector<10000x128xf32>, vector<64x128xf32> -> vector<64x128xf32>
    %reduce_sum3A = arith.constant dense<0.000000e+00> : vector<64xf32>
    %reduce_sum3A_37 = vector.multi_reduction <add>, %convert_element_type3A_35, %reduce_sum3A [1] : vector<64x10000xf32> to vector<64xf32>
    %broadcast_in_dim3A = vector.shape_cast %reduce_sum3A_37 : vector<64xf32> to vector<64x1xf32>
    %max3A_38 = arith.constant 1.000000e+00 : f32
    %max3A_39 = vector.broadcast %max3A_38 : f32 to vector<64x1xf32>
    %max3A_40 = arith.maximumf %broadcast_in_dim3A, %max3A_39 : vector<64x1xf32>
    %div3A_41 = vector.broadcast %max3A_40 : vector<64x1xf32> to vector<64x128xf32>
    %div3A_42 = arith.divf %dot_general3A_36, %div3A_41 : vector<64x128xf32>
    %get3A_43 = arith.constant 0 : index
    %get3A_44 = arith.constant 0 : index
    %get3A_45 = vector.load %arg4[%get3A_43, %get3A_44] : memref<128x64xf32, #tpu.memory_space<vmem>>, vector<128x64xf32>
    %dot_general3A_46 = arith.constant dense<0.000000e+00> : vector<64x64xf32>
    %dot_general3A_47 = tpu.matmul %div3A_42, %get3A_45, %dot_general3A_46 {dimension_numbers = #tpu.dot_dimension_numbers<[1], [0], [0], [1], [0, 0, 1, 1], [], []>, transpose_lhs_hint = false} : vector<64x128xf32>, vector<128x64xf32>, vector<64x64xf32> -> vector<64x64xf32>
    %get3A_48 = arith.constant 0 : index
    %get3A_49 = arith.constant 0 : index
    %get3A_50 = vector.load %arg5[%get3A_48, %get3A_49] : memref<1x64xf32, #tpu.memory_space<vmem>>, vector<1x64xf32>
    %add3A_51 = vector.broadcast %get3A_50 : vector<1x64xf32> to vector<64x64xf32>
    %add3A_52 = arith.addf %dot_general3A_47, %add3A_51 : vector<64x64xf32>
    %swap3A = arith.constant 0 : index
    %swap3A_53 = arith.constant 0 : index
    %swap3A_54 = vector.load %arg6[%swap3A, %swap3A_53] : memref<64x64xf32, #tpu.memory_space<vmem>>, vector<64x64xf32>
    tpu.vector_store %arg6[%swap3A, %swap3A_53], %add3A_52 {strides = array<i32>} : memref<64x64xf32, #tpu.memory_space<vmem>>, vector<64x64xf32>,
    return
  }
}

</mosaic_0001>

<sc_bundles>
// kernel: kernel.10.cloned.1.call-start
scs
__scs_entry_jumppad:
0x0: {  	(pc) =	sbr.rel $0x88, $3  }
0x1: {  	(tag) =	ssettag $0x0;
	lr =	simm.s32 $0x1  }
0x2: {  	[smem:$0x3F91] =	sst lr;
	_ =	strace $0xD0000000  }
0x3: {  	_ = 	snop  }
0x4: {  	_ = 	snop  }
0x5: {  	_ = 	snop  }
0x6: {  	_ = 	snop  }
0x7: {  	_ = 	snop  }
__scs_overlays_trampoline_lowered:
0x8: {  	[smem:$0x3FA0] =	sst s0  }
0x9: {  	[smem:$0x3FA1] =	sst s1  }
0xa: {  	[smem:$0x3FA2] =	sst s2  }
0xb: {  	[smem:$0x3FA3] =	sst s3  }
0xc: {  	[smem:$0x3FA4] =	sst s4  }
0xd: {  	[smem:$0x3FA5] =	sst s5  }
0xe: {  	[smem:$0x3FA6] =	sst s6  }
0xf: {  	[smem:$0x3FA7] =	sst s7  }
0x10: {  	[smem:$0x3FA8] =	sst s8  }
0x11: {  	[smem:$0x3FA9] =	sst s9;
	s0 =	simm.s32 @!p0 $0x0  }
0x12: {  	s1 =	sld [smem:$0x3F8F];
	s0 =	simm.s32 @p0 $0x1  }
0x13: {  	[smem:$0x3FAA] =	sst s0;
	s0 =	simm.s32 @!p1 $0x0  }
0x14: {  	s2 =	sld [smem:$0x3F8E];
	s0 =	simm.s32 @p1 $0x1  }
0x15: {  	[smem:$0x3FAB] =	sst s0;
	s0 =	simm.s32 @!p2 $0x0  }
0x16: {  	s3 =	sld [smem:$0x3FDB];
	s0 =	simm.s32 @p2 $0x1  }
0x17: {  	s4 =	simm.s32 $0x1BF5;
	[smem:$0x3FAD] =	sst s0  }
0x18: {  	s0 =	sld [smem:$0x3F90];
	_ =	swait.ge [sflag:s4], $0x0  }
0x19: {  	s7 =	sld [smem:$0x3F91]  }
0x1a: {  	s8 =	sadd.s32 $0xFFFFE003, lr  }
0x1b: {  	s9 =	sadd.s32 $0xFFFFFEF7, lr;
	s5 =	simm.s32 $0xFFFFFFFF;
	p2 =	slt.u32 s8, $0xFFFFF086  }
0x1c: {  	p1 =	slt.u32 s9, $0xF7A;
	s5 =	simm.s32 @!p2 $0x0  }
0x1d: {  	s5 =	simm.s32 @p1 $0x1;
	p0 =	seq.s32 s7, s2  }
0x1e: {  	s7 =	smul.u32 @!p0 $0xF7A, s2;
	p2 =	seq.s32 @!p0 s5, $0x0  }
0x1f: {  	s9 =	smul.u32 $0xF7A, s1;
	s8 =	simm.s32 @!p0 $0x1BF5;
	p2 =	por !p2, p0  }
0x20: {  	[sflag:s8] =	ssyncset.s32 @!p0 $0xFFFFF086;
	s6 =	sadd.s32 @!p0 s3, s7;
	s7 =	simm.s32 @!p0 $0x108  }
0x21: {  	s3 =	sadd.s32 s3, s9;
	s6 =	sadd.s32 @!p0 $0x88, s6;
	s7 =	simm.s32 @p2 $0x1082  }
0x22: {  	[simem:s7], [sflag:s8] =	dma.local @!p0 [hbm:s6], $0xF7A  }
0x23: {  	s9 =	sor.u32 $0xD0000000, s2;
	s6 =	simm.s32 $0x108;
	_ =	swait.ge @!p0 [sflag:s8], $0x0  }
0x24: {  	s3 =	sadd.s32 $0x88, s3;
	s6 =	simm.s32 @!p1 $0x1082;
	[sflag:s4] =	ssyncset.s32 $0xFFFFF086  }
0x25: {  	[simem:s6], [sflag:s4] =	dma.local [hbm:s3], $0xF7A  }
0x26: {  	[smem:$0x3F91] =	sst s1;
	(tag) =	ssettag s2;
	_ =	strace s9  }
0x27: {  	s1 =	sld [smem:$0x3FA1]  }
0x28: {  	s2 =	sld [smem:$0x3FA2]  }
0x29: {  	s4 =	sld [smem:$0x3FA4]  }
0x2a: {  	p0 =	seq.s32 s5, $0x0;
	s5 =	sld [smem:$0x3FA5]  }
0x2b: {  	s6 =	sld [smem:$0x3FA6]  }
0x2c: {  	s7 =	sld [smem:$0x3FA7]  }
0x2d: {  	s3 =	simm.s32 $0x108;
	s8 =	sld [smem:$0x3FA8]  }
0x2e: {  	s3 =	simm.s32 @!p0 $0x1082;
	s9 =	sld [smem:$0x3FA9]  }
0x2f: {  	lr =	sadd.s32 s0, s3;
	s0 =	sld [smem:$0x3FA0]  }
0x30: {  	s3 =	sld [smem:$0x3FA3]  }
0x31: {  	[smem:$0x3FAC] =	sst s10  }
0x32: {  	s10 =	sld [smem:$0x3FAA];
	_ =	sdelay $0x3  }
0x33: {  	p0 =	seq.s32 s10, $0x1;
	s10 =	sld [smem:$0x3FAC];
	_ =	sdelay $0x3  }
0x34: {  	[smem:$0x3FAC] =	sst s10  }
0x35: {  	s10 =	sld [smem:$0x3FAB];
	_ =	sdelay $0x3  }
0x36: {  	p1 =	seq.s32 s10, $0x1;
	s10 =	sld [smem:$0x3FAC];
	_ =	sdelay $0x3  }
0x37: {  	[smem:$0x3FAC] =	sst s10  }
0x38: {  	s10 =	sld [smem:$0x3FAD]  }
0x39: {  	_ = 	snop;
	(pc) =	sbr.ind lr, $3  }
0x3a: {  	_ = 	snop  }
0x3b: {  	_ = 	snop  }
0x3c: {  	p2 =	seq.s32 s10, $0x1;
	s10 =	sld [smem:$0x3FAC]  }
0x3d: {  	_ =	shalt  }
0x3e: {  	_ =	shalt  }
0x3f: {  	_ =	shalt  }
0x40: {  	_ =	shalt  }
0x41: {  	_ =	shalt  }
0x42: {  	_ =	shalt  }
0x43: {  	_ =	shalt  }
0x44: {  	_ =	shalt  }
0x45: {  	_ =	shalt  }
0x46: {  	_ =	shalt  }
0x47: {  	_ =	shalt  }
0x48: {  	_ =	shalt  }
0x49: {  	_ =	shalt  }
0x4a: {  	_ =	shalt  }
0x4b: {  	_ =	shalt  }
0x4c: {  	_ =	shalt  }
0x4d: {  	_ =	shalt  }
0x4e: {  	_ =	shalt  }
0x4f: {  	_ =	shalt  }
0x50: {  	_ =	shalt  }
0x51: {  	_ =	shalt  }
0x52: {  	_ =	shalt  }
0x53: {  	_ =	shalt  }
0x54: {  	_ =	shalt  }
0x55: {  	_ =	shalt  }
0x56: {  	_ =	shalt  }
0x57: {  	_ =	shalt  }
0x58: {  	_ =	shalt  }
0x59: {  	_ =	shalt  }
0x5a: {  	_ =	shalt  }
0x5b: {  	_ =	shalt  }
0x5c: {  	_ =	shalt  }
0x5d: {  	_ =	shalt  }
0x5e: {  	_ =	shalt  }
0x5f: {  	_ =	shalt  }
0x60: {  	_ =	shalt  }
0x61: {  	_ =	shalt  }
0x62: {  	_ =	shalt  }
0x63: {  	_ =	shalt  }
0x64: {  	_ =	shalt  }
0x65: {  	_ =	shalt  }
0x66: {  	_ =	shalt  }
0x67: {  	_ =	shalt  }
0x68: {  	_ =	shalt  }
0x69: {  	_ =	shalt  }
0x6a: {  	_ =	shalt  }
0x6b: {  	_ =	shalt  }
0x6c: {  	_ =	shalt  }
0x6d: {  	_ =	shalt  }
0x6e: {  	_ =	shalt  }
0x6f: {  	_ =	shalt  }
0x70: {  	_ =	shalt  }
0x71: {  	_ =	shalt  }
0x72: {  	_ =	shalt  }
0x73: {  	_ =	shalt  }
0x74: {  	_ =	shalt  }
0x75: {  	_ =	shalt  }
0x76: {  	_ =	shalt  }
0x77: {  	_ =	shalt  }
0x78: {  	_ =	shalt  }
0x79: {  	_ =	shalt  }
0x7a: {  	_ =	shalt  }
0x7b: {  	_ =	shalt  }
0x7c: {  	_ =	shalt  }
0x7d: {  	_ =	shalt  }
0x7e: {  	_ =	shalt  }
0x7f: {  	_ =	shalt  }
0x80: {  	_ =	shalt  }
0x81: {  	_ =	shalt  }
0x82: {  	_ =	shalt  }
0x83: {  	_ =	shalt  }
0x84: {  	_ =	shalt  }
0x85: {  	_ =	shalt  }
0x86: {  	_ =	shalt  }
0x87: {  	_ =	shalt  }
.Lfunc_end0:
.L_simem_size_0:
called_computation.1_lowered:
.L_overlay_start_0:
0x88: {  	s2 =	sld [smem:$0x3FD9]  }
0x89: {  	s3 =	sld [smem:$0x3FFE];
	_ =	sdelay $0x1  }
0x8a: {  	s1 =	srdreg.scid  }
0x8b: {  	s0 =	sand.u32 $0x1, s1  }
0x8c: {  	s17 =	sshll.u32 s0, $0xA;
	s2 =	sadd.s32 s3, s2  }
0x8d: {  	s2 =	sadd.s32 s2, s17  }
0x8e: {  	[smem:$0x3FB8] =	sst s2  }
0x8f: {  	_ = 	snop  }
0x90: {  	s2 =	sld [smem:$0x3FBE]  }
0x91: {  	s18 =	sld [smem:$0x3FBD];
	(tm) =	ssettm $0x1  }
0x92: {  	s4 =	sld [smem:$0x3FFB];
	_ =	sdelay $0x3  }
0x93: {  	_ =	strace s4  }
0x94: {  	s4 =	sld [smem:$0x3FFC];
	_ =	sdelay $0x3  }
0x95: {  	_ =	strace s4  }
0x96: {  	s4 =	sld [smem:$0x3FFD];
	_ =	sdelay $0x3  }
0x97: {  	_ =	strace s4  }
0x98: {  	_ =	strace $0x8FFFFFFF  }
0x99: {  	s19 =	sld [smem:$0x3FDB];
	_ =	sdelay $0x1  }
0x9a: {  	s5 =	simm.s32 $_scs_section_size  }
0x9b: {  	s6 =	simm.s32 $_size__tile_overlayer_lowered;
	s7 =	simm.s32 $_tile_overlayer_lowered  }
0x9c: {  	s22 =	simm.s32 $0x1BFF;
	s21 =	sshll.u32 s7, $0x1;
	s4 =	sadd.s32 s5, s19  }
0x9d: {  	s8 =	simm.s32 $0x0;
	s20 =	sshll.u32 s6, $0x1;
	s6 =	sadd.s32 s21, s4  }
0x9e: {  	[timem:s8], [sflag:s22] =	dma.local [hbm:s6], s20  }
0x9f: {  	_ =	swait.ge [sflag:s22], s20  }
0xa0: {  	s5 =	ssub.s32 $0x0, s20;
	[sflag:s22] =	ssyncset.done $0x0  }
0xa1: {  	[sflag:s22] =	ssyncadd.s32 s5;
	_ =	sdelay $0x1  }
0xa2: {  	s23 =	simm.s32 $0x1B8B  }
0xa3: {  	_ =	swait.ge [sflag:s23], $0x1  }
0xa4: {  	[sflag:s23] =	ssyncset.done $0x0  }
0xa5: {  	s25 =	simm.s32 $0x1B8E;
	s24 =	sld [smem:$0x3FFE];
	[sflag:s23] =	ssyncadd.s32 $0xFFFFFFFF  }
0xa6: {  	s26 =	simm.s32 $execute0_lowered;
	[smem:$0x3FD2] =	sst s25  }
0xa7: {  	s6 =	sshll.u32 s26, $0x1;
	_ =	strace $0x80000049;
	[dreg:$0x1] =	wrdreg $0xFFFFFFFF  }
0xa8: {  	s28 =	simm.s32 $_size_execute0_lowered;
	s4 =	sadd.s32 s4, s6;
	[dreg:$0x0] =	wrdreg $0x0  }
0xa9: {  	s6 =	sshll.u32 s28, $0x1;
	[dreg:$0x2] =	wrdreg s4  }
0xaa: {  	[dreg:$0x3] =	wrdreg s6  }
0xab: {  	[dreg:$0x4] =	wrdreg $0xC0  }
0xac: {  	_ =	task [dreg:s8], $0x5FFFF  }
0xad: {  	[dreg:$0x1] =	wrdreg $0xFFFFFFFF  }
0xae: {  	[dreg:$0x0] =	wrdreg $0x60  }
0xaf: {  	[dreg:$0x2] =	wrdreg s24  }
0xb0: {  	[dreg:$0x3] =	wrdreg s2  }
0xb1: {  	[dreg:$0x4] =	wrdreg s18  }
0xb2: {  	[dreg:$0x5] =	wrdreg $0x0  }
0xb3: {  	[dreg:$0x6] =	wrdreg $0x13C000  }
0xb4: {  	[dreg:$0x7] =	wrdreg $0x9  }
0xb5: {  	_ =	task.clear_ibuf [dreg:s8], $0x8FFFF;
	_ =	strace $0x90000049  }
0xb6: {  	s29 =	simm.s32 $0x9;
	_ =	strace $0x8000004B  }
0xb7: {  	_ =	swait.ge [sflag:s29], $0x1  }
0xb8: {  	[sflag:s29] =	ssyncadd.s32 $0xFFFFFFFF  }
0xb9: {  	_ =	strace $0x9000004B  }
0xba: {  	_ =	sfence  }
0xbb: {  	s30 =	sld [smem:$0x0];
	_ =	sdelay $0x2  }
0xbc: {  	s31 =	sshll.u32 s1, $0xD;
	s1 =	sshrl.u32 s1, $0x2  }
0xbd: {  	s3 =	sand.u32 $0x4000, s31;
	s1 =	sadd.s32 s1, s30  }
0xbe: {  	s0 =	sor.u32 s3, s0;
	s1 =	sshll.u32 s1, $0x11  }
0xbf: {  	s0 =	sor.u32 s1, s0  }
0xc0: {  	s0 =	sadd.s32 $0x8F2B, s0  }
0xc1: {  	[sflag:s0] =	ssyncadd.remote.s32 $0x1  }
0xc2: {  	_ =	sfence.sel $0xFFFF  }
0xc3: {  	[dreg:$0x0] =	wrdreg $0xFFFFFFFF;
	(pc) =	sbr.abs _section_cstart, $3  }
0xc4: {  	[dreg:$0x1] =	wrdreg $0xFFFFFFFF  }
0xc5: {  	_ =	task.clear_ibuf [dreg:s8], $0x2FFFF;
	_ =	strace $0x9FFFFFFF  }
0xc6: {  	(tm) =	ssettm $0x7FFFFFFF  }
0xc7: {  	_ =	shalt  }
tec
execute0_lowered:
.L_overlay_start_1:
0x0: {  	(tag) =	ssettag $0x1  }
0x1: {  	s0 =	rddreg [dreg:$0x0]  }
0x2: {  	s3 =	rddreg [dreg:$0x3]  }
0x3: {  	s4 =	rddreg [dreg:$0x4]  }
0x4: {  	s2 =	simm.s32 $0x0;
	s1 =	srdreg.scid;
	s9 =	stileid.u32  }
0x5: {  	s28 =	simm.s32 $0x14680;
	s30 =	simm.s32 $0x20;
	s31 =	simm.s32 $0x15380  }
0x6: {  	[smem:$0x7FF] =	sst s2;
	s1 =	sand.u32 $0x1, s1;
	s5 =	smul.u32 $0x13C00, s9  }
0x7: {  	s7 =	sadd.s32 $0x35400, s0;
	s8 =	sadd.s32 $0x5C600, s0;
	s6 =	smul.u32 $0x280, s9  }
0x8: {  	s10 =	sadd.s32 $0x3400, s0;
	s11 =	sadd.s32 $0x2B400, s0;
	s13 =	smul.u32 $0x4F000, s9  }
0x9: {  	s21 =	sshll.u32 s9, $0x1;
	s15 =	smul.u32 $0x13C000, s1;
	_ =	strace $0x8000004A  }
0xa: {  	[dreg:$0x6] =	wrdreg s10;
	s16 =	smul.u32 $0x2800, s1;
	s12 =	ssub.s32 $0x2, s1  }
0xb: {  	s10 =	sadd.s32 $0x17400, s0;
	s1 =	sor.u32 s1, s21;
	s14 =	sshrl.u32 s12, $0x1  }
0xc: {  	s20 =	sshrl.u32 s13, $0x2;
	s19 =	sadd.s32 s6, s4;
	s18 =	smul.u32 $0x50, s1  }
0xd: {  	s2 =	sadd.s32 s5, s15;
	s5 =	sadd.s32 s6, s16;
	s17 =	ssub.s32 s12, s14  }
0xe: {  	s12 =	sadd.s32 s20, s3;
	s22 =	sadd.s32 $0x80, s19;
	[dreg:$0x7] =	wrdreg s19  }
0xf: {  	s23 =	sadd.s32 $0x100, s19;
	s24 =	sadd.s32 $0x180, s19;
	[dreg:$0x8] =	wrdreg s22  }
0x10: {  	s25 =	sadd.s32 $0x200, s19;
	s14 =	simm.s32 $0x1;
	[dreg:$0x9] =	wrdreg s23  }
0x11: {  	s15 =	simm.s32 $0x40;
	s16 =	simm.s32 $0x1D380;
	[dreg:$0xa] =	wrdreg s24  }
0x12: {  	s2 =	sshrl.u32 s2, $0x3;
	s5 =	sshrl.u32 s5, $0x3;
	[dreg:$0xb] =	wrdreg s25  }
0x13: {  	s29 =	smax.u32 s17, $0x1;
	s22 =	simm.s32 $0x15280;
	s23 =	simm.s32 $0x2  }
0x14: {  	s24 =	simm.s32 $0x15300;
	s25 =	simm.s32 $0x1D400;
	s2 =	sadd.s32 s2, s0  }
0x15: {  	s0 =	sadd.s32 s5, s0;
	[dreg:$0xe] =	wrdreg s29;
	s26 =	sadd.s32 $0x83800, s2  }
0x16: {  	v0 =	vlaneseq.u32;
	s0 =	sadd.s32 $0xD2800, s0;
	s2 =	simm.s32 $0x0;
	[dreg:$0xc] =	wrdreg s26  }
0x17: {  	v1 =	vimm.f32 $0.0e+00;
	v2 =	vmul.u32 $0x80, v0;
	[dreg:$0xd] =	wrdreg s0;
	s26 =	simm.s32 $0x13E80;
	s0 =	simm.s32 $0x19380  }
.LBB2_1:
0x18: {  	[dreg:$0xf] =	wrdreg s2  }
0x19: {  	s1 =	rddreg [dreg:$0x1];
	s21 =	simm.s32 $0x0  }
0x1a: {  	[tilespmem:s22], [sflag:$0x2] =	stream.linear.gather [hbm4b:s1+s21], $0x80, $0x38;
	[tilespmem:$0x1D800] =	vst v63  }
0x1b: {  	_ =	swait.ge [sflag:s23], $0x80  }
0x1c: {  	[sflag:s23] =	ssyncset.done $0x0  }
0x1d: {  	[sflag:s23] =	ssyncadd.s32 $0xFFFFFF80  }
0x1e: {  	s29 =	rddreg [dreg:$0x2]  }
0x1f: {  	[tilespmem:s24], [sflag:$0x2] =	stream.linear.gather [hbm4b:s29+s21], $0x80, $0x38;
	[tilespmem:$0x1D800] =	vst v63  }
0x20: {  	_ =	swait.ge [sflag:s23], $0x80  }
0x21: {  	[sflag:s23] =	ssyncset.done $0x0  }
0x22: {  	s2 =	simm.s32 $0x0;
	s1 =	simm.s32 $0x0;
	[sflag:s23] =	ssyncadd.s32 $0xFFFFFF80  }
.LBB2_2:
0x23: {  	p0 =	sne.s32 s2, $0xFC0  }
.Ltmp0:
0x24: {  	_ = 	snop;
	(pc) =	sbr.rel @p0 .LBB2_2-.Ltmp0, $4  }
0x25: {  	s13 =	sand.u32 $0xE00, s2  }
0x26: {  	s17 =	sand.u32 $0x70, s1;
	s13 =	sshrl.u32 s13, $0x2  }
0x27: {  	s13 =	sor.u32 s17, s13  }
0x28: {  	s1 =	sadd.s32 $0x10, s1;
	s2 =	sadd.s32 $0x40, s2;
	[tilespmem:s13+$0x1D400] =	vst v1  }
0x29: {  	s1 =	sadd.s32 $0x0, s12  }
0x2a: {  	[spmem:s1] =	stream.linear.scatter [tilespmem:s25], [sflag:$0x2], $0x400, $0x38;
	[tilespmem:$0x1D800] =	vst v63  }
0x2b: {  	s1 =	simm.s32 $0x1000;
	_ =	swait.ge [sflag:s23], $0x400  }
.LBB2_4:
0x2c: {  	s2 =	sshra.s32 s1, $0x2;
	[sflag:s23] =	ssyncset.done $0x0;
	p0 =	sne.s32 s1, $0x4E000  }
.Ltmp1:
0x2d: {  	s2 =	sadd.s32 s2, s12;
	[sflag:s23] =	ssyncadd.s32 $0xFFFFFC00;
	(pc) =	sbr.rel @p0 .LBB2_4-.Ltmp1, $3  }
0x2e: {  	[spmem:s2] =	stream.linear.scatter [tilespmem:s25], [sflag:$0x2], $0x400, $0x38;
	[tilespmem:$0x1D800] =	vst v63  }
0x2f: {  	s1 =	sadd.s32 $0x1000, s1;
	_ =	sdelay $0x1  }
0x30: {  	_ =	swait.ge [sflag:s23], $0x400  }
0x31: {  	[sflag:s23] =	ssyncset.done $0x0  }
0x32: {  	[sflag:s23] =	ssyncadd.s32 $0xFFFFFC00  }
0x33: {  	[spmem:s19] =	stream.linear.scatter [tilespmem:s25], [sflag:$0x2], $0x80, $0x38;
	[tilespmem:$0x1D800] =	vst v63  }
0x34: {  	_ =	swait.ge [sflag:s23], $0x80  }
0x35: {  	[sflag:s23] =	ssyncset.done $0x0  }
0x36: {  	s1 =	rddreg [dreg:$0x8];
	[sflag:s23] =	ssyncadd.s32 $0xFFFFFF80  }
0x37: {  	[spmem:s1] =	stream.linear.scatter [tilespmem:s25], [sflag:$0x2], $0x80, $0x38;
	[tilespmem:$0x1D800] =	vst v63  }
0x38: {  	_ =	swait.ge [sflag:s23], $0x80  }
0x39: {  	[sflag:s23] =	ssyncset.done $0x0  }
0x3a: {  	s20 =	rddreg [dreg:$0x9];
	[sflag:s23] =	ssyncadd.s32 $0xFFFFFF80  }
0x3b: {  	[spmem:s20] =	stream.linear.scatter [tilespmem:s25], [sflag:$0x2], $0x80, $0x38;
	[tilespmem:$0x1D800] =	vst v63  }
0x3c: {  	_ =	swait.ge [sflag:s23], $0x80  }
0x3d: {  	[sflag:s23] =	ssyncset.done $0x0  }
0x3e: {  	s21 =	rddreg [dreg:$0xa];
	[sflag:s23] =	ssyncadd.s32 $0xFFFFFF80  }
0x3f: {  	[spmem:s21] =	stream.linear.scatter [tilespmem:s25], [sflag:$0x2], $0x80, $0x38;
	[tilespmem:$0x1D800] =	vst v63  }
0x40: {  	_ =	swait.ge [sflag:s23], $0x80  }
0x41: {  	[sflag:s23] =	ssyncset.done $0x0  }
0x42: {  	s29 =	rddreg [dreg:$0xb];
	[sflag:s23] =	ssyncadd.s32 $0xFFFFFF80  }
0x43: {  	[spmem:s29] =	stream.linear.scatter [tilespmem:s25], [sflag:$0x2], $0x80, $0x38;
	[tilespmem:$0x1D800] =	vst v63  }
0x44: {  	_ =	swait.ge [sflag:s23], $0x80  }
0x45: {  	[sflag:s23] =	ssyncset.done $0x0  }
0x46: {  	[sflag:s23] =	ssyncadd.s32 $0xFFFFFF80  }
0x47: {  	s19 =	simm.s32 $0x0;
	s20 =	simm.s32 $0x0;
	[bflag:$0x0] =	sbarrier.arrive $0xFFFF  }
.LBB2_6:
0x48: {  	s1 =	sshll.u32 s20, $0x3  }
0x49: {  	s21 =	sadd.s32 s18, s1  }
0x4a: {  	s2 =	rddreg [dreg:$0x6];
	s1 =	sshll.u32 s21, $0x5  }
0x4b: {  	s2 =	sadd.s32 s2, s1  }
0x4c: {  	[tilespmem:s26], [sflag:$0x2] =	stream.linear.gather [hbm4b:s2+s19], $0x800, $0x38;
	[tilespmem:$0x1D800] =	vst v63  }
0x4d: {  	_ =	swait.ge [sflag:s23], $0x800  }
0x4e: {  	[sflag:s23] =	ssyncset.done $0x0  }
0x4f: {  	s1 =	sadd.s32 s10, s1;
	[sflag:s23] =	ssyncadd.s32 $0xFFFFF800  }
0x50: {  	[tilespmem:s28], [sflag:$0x2] =	stream.linear.gather [hbm4b:s1+s19], $0x800, $0x38;
	[tilespmem:$0x1D800] =	vst v63  }
0x51: {  	_ =	swait.ge [sflag:s23], $0x800  }
0x52: {  	s5 =	sshll.u32 s21, $0x4;
	[sflag:s23] =	ssyncset.done $0x0  }
0x53: {  	s6 =	simm.s32 $0x14E80;
	s1 =	sadd.s32 s11, s5;
	[sflag:s23] =	ssyncadd.s32 $0xFFFFF800  }
0x54: {  	[tilespmem:s6], [sflag:$0x2] =	stream.linear.gather [hbm4b:s1+s19], $0x400, $0x38;
	[tilespmem:$0x1D800] =	vst v63  }
0x55: {  	_ =	swait.ge [sflag:s23], $0x400  }
0x56: {  	[sflag:s23] =	ssyncset.done $0x0  }
0x57: {  	[sflag:s23] =	ssyncadd.s32 $0xFFFFFC00  }
0x58: {  	[tilespmem:s31], [sflag:$0x1] =	stream.indirect.gather [hbm4b:s7+s30], $0x80, s26, s30, $0xb8;
	[tilespmem:$0x1D800] =	vst v63  }
0x59: {  	_ = 	snop  }
0x5a: {  	[tilespmem:s0], [sflag:$0x1] =	stream.indirect.gather [hbm4b:s8+s30], $0x80, s28, s30, $0xb8;
	[tilespmem:$0x1D800] =	vst v63  }
0x5b: {  	s9 =	simm.s32 $0x13EA0;
	s13 =	simm.s32 $0x16380  }
0x5c: {  	[tilespmem:s13], [sflag:$0x1] =	stream.indirect.gather [hbm4b:s7+s30], $0x80, s9, s30, $0xb8;
	[tilespmem:$0x1D800] =	vst v63  }
0x5d: {  	s17 =	simm.s32 $0x146A0;
	s29 =	simm.s32 $0x1A380;
	s13 =	simm.s32 $0x0  }
0x5e: {  	[tilespmem:s29], [sflag:$0x1] =	stream.indirect.gather [hbm4b:s8+s30], $0x80, s17, s30, $0xb8;
	[tilespmem:$0x1D800] =	vst v63  }
.LBB2_7:
0x5f: {  	s17 =	sand.u32 $0x1, s13;
	p0 =	seq.s32 s13, $0xF  }
0x60: {  	s1 =	sshll.u32 @!p0 s17, $0xD  }
0x61: {  	s29 =	sshll.u32 @!p0 s13, $0x7;
	s2 =	sxor.u32 @!p0 $0x2000, s1  }
0x62: {  	s9 =	simm.s32 @!p0 $0x20;
	s6 =	sadd.s32 @!p0 $0x13F00, s29;
	s5 =	sor.u32 @!p0 $0x15380, s2  }
0x63: {  	[tilespmem:s5], [sflag:$0x1] =	stream.indirect.gather @!p0 [hbm4b:s7+s9], $0x80, s6, s9, $0xb8;
	[tilespmem:$0x1D800] =	vst v63  }
0x64: {  	s2 =	sor.u32 @!p0 $0x19380, s2;
	s5 =	sadd.s32 @!p0 $0x14700, s29  }
0x65: {  	[tilespmem:s2], [sflag:$0x1] =	stream.indirect.gather @!p0 [hbm4b:s8+s9], $0x80, s5, s9, $0xb8;
	[tilespmem:$0x1D800] =	vst v63  }
0x66: {  	s2 =	ssub.s32 @!p0 $0x18380, s1;
	s5 =	sadd.s32 @!p0 $0x13F20, s29  }
0x67: {  	[tilespmem:s2], [sflag:$0x1] =	stream.indirect.gather @!p0 [hbm4b:s7+s9], $0x80, s5, s9, $0xb8;
	[tilespmem:$0x1D800] =	vst v63  }
0x68: {  	s1 =	ssub.s32 @!p0 $0x1C380, s1;
	s2 =	sadd.s32 @!p0 $0x14720, s29  }
0x69: {  	[tilespmem:s1], [sflag:$0x1] =	stream.indirect.gather @!p0 [hbm4b:s8+s9], $0x80, s2, s9, $0xb8;
	[tilespmem:$0x1D800] =	vst v63  }
0x6a: {  	_ =	swait.ge [sflag:s14], $0x1000  }
0x6b: {  	[sflag:s14] =	ssyncset.done $0x0  }
0x6c: {  	[sflag:s14] =	ssyncadd.s32 $0xFFFFF000  }
0x6d: {  	_ =	swait.ge [sflag:s14], $0x1000  }
0x6e: {  	[sflag:s14] =	ssyncset.done $0x0  }
0x6f: {  	s29 =	sshll.u32 s17, $0x6;
	[sflag:s14] =	ssyncadd.s32 $0xFFFFF000  }
0x70: {  	s1 =	sor.u32 $0x30, s29;
	_ =	swait.ge [sflag:s14], $0x1000  }
0x71: {  	s6 =	simm.s32 $0x0;
	v3 =	vmov s1;
	[sflag:s14] =	ssyncset.done $0x0  }
0x72: {  	v4 =	vadd.s32 s6, v0;
	s5 =	sshll.u32 s13, $0x6;
	v3 =	vshll.u32 v3, $0x7;
	[sflag:s14] =	ssyncadd.s32 $0xFFFFF000  }
0x73: {  	v11 =	vand.u32 $0x7F, v4;
	s2 =	sand.u32 $0x3FFFFF80, s5;
	v3 =	vor.u32 v2, v3;
	_ =	swait.ge [sflag:s14], $0x1000  }
0x74: {  	v5 =	vmov s29;
	s2 =	sadd.s32 $0x14E80, s2;
	v10 =	vor.u32 v3, v11;
	[sflag:s14] =	ssyncset.done $0x0  }
0x75: {  	s6 =	sor.u32 $0x10, s29;
	v4 =	vshll.u32 v5, $0x7;
	s9 =	sor.u32 s29, s2;
	[sflag:s14] =	ssyncadd.s32 $0xFFFFF000  }
0x76: {  	v5 =	vmov s6;
	v4 =	vor.u32 v2, v4;
	s1 =	sor.u32 s1, s2;
	v7 =	vld [tilespmem:s9+$0x0]  }
0x77: {  	v5 =	vshll.u32 v5, $0x7;
	v12 =	vor.u32 v4, v11;
	v9 =	vld [tilespmem:s1+$0x0]  }
0x78: {  	v5 =	vor.u32 v2, v5;
	v14 =	vld.idx.msk [tilespmem:v11+s22+$0x0], $0xffff  }
0x79: {  	v13 =	vor.u32 v5, v11;
	s9 =	sor.u32 s6, s2;
	v15 =	vld.idx.msk [tilespmem:v10+s31+$0x0], $0xffff  }
0x7a: {  	v8 =	vld [tilespmem:s9+$0x0];
	s9 =	sor.u32 $0x20, s29  }
0x7b: {  	v16 =	vld.idx.msk [tilespmem:v10+s0+$0x0], $0xffff;
	v6 =	vmov s9  }
0x7c: {  	v18 =	vld.idx.msk [tilespmem:v12+s31+$0x0], $0xffff;
	v6 =	vshll.u32 v6, $0x7  }
0x7d: {  	v19 =	vld.idx.msk [tilespmem:v12+s0+$0x0], $0xffff;
	v6 =	vor.u32 v2, v6  }
0x7e: {  	s6 =	simm.s32 $0x1;
	v20 =	vld.idx.msk [tilespmem:v13+s31+$0x0], $0xffff;
	v17 =	vor.u32 v6, v11  }
0x7f: {  	v21 =	vld.idx.msk [tilespmem:v13+s0+$0x0], $0xffff;
	v12 =	vadd.s32 s6, v0  }
0x80: {  	v13 =	vand.u32 $0x7F, v12  }
0x81: {  	s2 =	sor.u32 s9, s2;
	v12 =	vld.idx.msk [tilespmem:v11+s24+$0x0], $0xffff  }
0x82: {  	v10 =	vld [tilespmem:s2+$0x0];
	v24 =	vor.u32 v3, v13;
	v15 =	vadd.f32 v16, v15;
	v16 =	vmul.f32 v14, v9  }
0x83: {  	v26 =	vor.u32 v4, v13;
	v22 =	vld.idx.msk [tilespmem:v17+s31+$0x0], $0xffff  }
0x84: {  	v20 =	vadd.f32 v21, v20;
	v15 =	vadd.f32 v15, v16;
	v16 =	vmul.f32 v14, v8;
	v17 =	vld.idx.msk [tilespmem:v17+s0+$0x0], $0xffff  }
0x85: {  	v23 =	vmul.f32 v14, v7;
	v11 =	vadd.f32 v19, v18;
	v21 =	vor.u32 v5, v13;
	v19 =	vld.idx.msk [tilespmem:v13+s22+$0x0], $0xffff  }
0x86: {  	v25 =	vmul.f32 $2.000000030e-01, v15;
	v20 =	vadd.f32 v20, v16  }
0x87: {  	v18 =	vor.u32 v6, v13;
	v11 =	vadd.f32 v11, v23;
	v23 =	vld.idx.msk [tilespmem:v24+s31+$0x0], $0xffff  }
0x88: {  	v27 =	vmul.f32 v14, v10;
	v28 =	vld.idx.msk [tilespmem:v24+s0+$0x0], $0xffff;
	v15 =	vmax.f32 v15, v25;
	v30 =	vmul.f32 $2.000000030e-01, v20  }
0x89: {  	v32 =	vld.idx.msk [tilespmem:v26+s0+$0x0], $0xffff;
	v15 =	vmul.f32 v15, v12;
	v16 =	vadd.f32 v17, v22;
	v17 =	vmul.f32 $2.000000030e-01, v11  }
0x8a: {  	v14 =	vimm.f32 $0.0e+00;
	v33 =	vld.idx.msk [tilespmem:v21+s0+$0x0], $0xffff;
	v29 =	vmul.f32 v19, v7;
	v22 =	vmul.f32 v19, v8  }
0x8b: {  	s9 =	simm.s32 $0x2;
	v25 =	vld.idx.msk [tilespmem:v26+s31+$0x0], $0xffff;
	v24 =	vadd.f32 v16, v27;
	v31 =	vmax.f32 v11, v17;
	v11 =	vadd.f32 v15, v14  }
0x8c: {  	v26 =	vld.idx.msk [tilespmem:v21+s31+$0x0], $0xffff;
	v15 =	vadd.s32 s9, v0;
	v17 =	vmul.f32 v19, v10;
	v16 =	vimm.f32 $0.0e+00  }
0x8d: {  	s1 =	sshrl.u32 s13, $0x1;
	s2 =	simm.s32 $0x3;
	v27 =	vld.idx.msk [tilespmem:v18+s31+$0x0], $0xffff;
	v21 =	vand.u32 $0x7F, v15;
	v15 =	vimm.f32 $0.0e+00;
	v34 =	vmul.f32 $2.000000030e-01, v24  }
.LBB2_8:
0x8e: {  	p0 =	sne.s32 s2, $0x7F;
	v35 =	vor.u32 v3, v21;
	v36 =	vld.idx.msk [tilespmem:v18+s0+$0x0], $0xffff;
	v23 =	vadd.f32 v28, v23;
	v19 =	vmul.f32 v19, v9  }
0x8f: {  	v37 =	vor.u32 v4, v21;
	v38 =	vor.u32 v5, v21;
	v18 =	vor.u32 v6, v21;
	v39 =	vld.idx.msk [tilespmem:v13+s24+$0x0], $0xffff  }
0x90: {  	v25 =	vadd.f32 v32, v25;
	v13 =	vmovc v21;
	v32 =	vadd.f32 v23, v19;
	v19 =	vmax.f32 v20, v30  }
0x91: {  	v24 =	vmax.f32 v24, v34;
	v20 =	vmul.f32 v31, v12;
	v28 =	vmul.f32 v19, v12  }
0x92: {  	v19 =	vld.idx.msk [tilespmem:v21+s22+$0x0], $0xffff;
	v21 =	vadd.f32 v25, v29;
	v25 =	vadd.f32 v33, v26;
	v26 =	vmul.f32 $2.000000030e-01, v32  }
0x93: {  	v30 =	vmul.f32 v24, v12;
	v14 =	vadd.f32 v20, v14;
	v23 =	vld.idx.msk [tilespmem:v35+s31+$0x0], $0xffff;
	v16 =	vadd.f32 v28, v16  }
0x94: {  	v28 =	vld.idx.msk [tilespmem:v35+s0+$0x0], $0xffff;
	v20 =	vadd.f32 v25, v22;
	v22 =	vadd.f32 v36, v27;
	v24 =	vmax.f32 v32, v26  }
.Ltmp2:
0x95: {  	v15 =	vadd.f32 v30, v15;
	v27 =	vmul.f32 $2.000000030e-01, v21;
	v12 =	vmovc v39;
	v25 =	vld.idx.msk [tilespmem:v37+s31+$0x0], $0xffff;
	v29 =	vmul.f32 v24, v39;
	(pc) =	sbr.rel @p0 .LBB2_8-.Ltmp2, $4  }
0x96: {  	v32 =	vld.idx.msk [tilespmem:v37+s0+$0x0], $0xffff;
	v30 =	vmul.f32 $2.000000030e-01, v20;
	v24 =	vadd.f32 v22, v17  }
0x97: {  	v31 =	vmax.f32 v21, v27;
	v26 =	vld.idx.msk [tilespmem:v38+s31+$0x0], $0xffff;
	v11 =	vadd.f32 v29, v11  }
0x98: {  	v17 =	vadd.s32 s2, v0;
	v29 =	vmul.f32 v19, v7;
	v22 =	vmul.f32 v19, v8;
	v33 =	vld.idx.msk [tilespmem:v38+s0+$0x0], $0xffff  }
0x99: {  	s2 =	sadd.s32 $0x1, s2;
	v21 =	vand.u32 $0x7F, v17;
	v17 =	vmul.f32 v19, v10;
	v34 =	vmul.f32 $2.000000030e-01, v24;
	v27 =	vld.idx.msk [tilespmem:v18+s31+$0x0], $0xffff  }
0x9a: {  	_ =	sdelay $0x1  }
0x9b: {  	v35 =	vor.u32 v3, v21;
	_ =	sdelay $0x1  }
0x9c: {  	v18 =	vld.idx.msk [tilespmem:v18+s0+$0x0], $0xffff;
	v36 =	vor.u32 v4, v21  }
0x9d: {  	v13 =	vld.idx.msk [tilespmem:v13+s24+$0x0], $0xffff  }
0x9e: {  	v37 =	vor.u32 v5, v21;
	v38 =	vld.idx.msk [tilespmem:v21+s22+$0x0], $0xffff  }
0x9f: {  	v47 =	vld.idx.msk [tilespmem:v35+s31+$0x0], $0xffff  }
0xa0: {  	v23 =	vadd.f32 v28, v23;
	v19 =	vmul.f32 v19, v9;
	v39 =	vor.u32 v6, v21;
	v35 =	vld.idx.msk [tilespmem:v35+s0+$0x0], $0xffff  }
0xa1: {  	v20 =	vmax.f32 v20, v30;
	v49 =	vmul.f32 v31, v12;
	v25 =	vadd.f32 v32, v25;
	v48 =	vld.idx.msk [tilespmem:v36+s31+$0x0], $0xffff  }
0xa2: {  	v20 =	vmul.f32 v20, v12;
	v24 =	vmax.f32 v24, v34;
	v19 =	vadd.f32 v23, v19;
	v50 =	vld.idx.msk [tilespmem:v36+s0+$0x0], $0xffff  }
0xa3: {  	v12 =	vmul.f32 v24, v12;
	v26 =	vadd.f32 v33, v26;
	v25 =	vadd.f32 v25, v29;
	v52 =	vld.idx.msk [tilespmem:v37+s31+$0x0], $0xffff  }
0xa4: {  	v14 =	vadd.f32 v49, v14;
	v16 =	vadd.f32 v20, v16;
	v51 =	vmul.f32 $2.000000030e-01, v19;
	v53 =	vld.idx.msk [tilespmem:v37+s0+$0x0], $0xffff  }
0xa5: {  	v12 =	vadd.f32 v12, v15;
	v22 =	vadd.f32 v26, v22;
	v54 =	vmul.f32 $2.000000030e-01, v25;
	v55 =	vld.idx.msk [tilespmem:v39+s31+$0x0], $0xffff  }
0xa6: {  	v18 =	vadd.f32 v18, v27;
	v15 =	vld.idx.msk [tilespmem:v39+s0+$0x0], $0xffff;
	v7 =	vmul.f32 v38, v7;
	v9 =	vmul.f32 v38, v9  }
0xa7: {  	v8 =	vmul.f32 v38, v8;
	v10 =	vmul.f32 v38, v10;
	v19 =	vmax.f32 v19, v51  }
0xa8: {  	v19 =	vmul.f32 v19, v13;
	v17 =	vadd.f32 v18, v17;
	v57 =	vmax.f32 v25, v54  }
0xa9: {  	v56 =	vmul.f32 $2.000000030e-01, v22;
	v18 =	vmul.f32 v57, v13;
	v23 =	vadd.f32 v50, v48  }
0xaa: {  	v59 =	vmul.f32 $2.000000030e-01, v17;
	v58 =	vadd.f32 v35, v47;
	v24 =	vadd.f32 v53, v52  }
0xab: {  	v60 =	vld.idx.msk [tilespmem:v21+s24+$0x0], $0xffff;
	v20 =	vmax.f32 v22, v56;
	v15 =	vadd.f32 v15, v55;
	v7 =	vadd.f32 v23, v7  }
0xac: {  	v20 =	vmul.f32 v20, v13;
	v14 =	vadd.f32 v18, v14;
	v8 =	vadd.f32 v24, v8  }
0xad: {  	v17 =	vmax.f32 v17, v59;
	v10 =	vadd.f32 v15, v10;
	v61 =	vmul.f32 $2.000000030e-01, v7  }
0xae: {  	v9 =	vadd.f32 v58, v9;
	v16 =	vadd.f32 v20, v16;
	v62 =	vmul.f32 $2.000000030e-01, v8  }
0xaf: {  	v13 =	vmul.f32 v17, v13;
	v63 =	vmul.f32 $2.000000030e-01, v10;
	v7 =	vmax.f32 v7, v61  }
0xb0: {  	v15 =	vmul.f32 $2.000000030e-01, v9;
	v8 =	vmax.f32 v8, v62;
	v7 =	vmul.f32 v7, v60  }
0xb1: {  	v12 =	vadd.f32 v13, v12;
	v10 =	vmax.f32 v10, v63;
	v8 =	vmul.f32 v8, v60  }
0xb2: {  	v9 =	vmax.f32 v9, v15;
	v10 =	vmul.f32 v10, v60;
	v7 =	vadd.f32 v7, v14  }
0xb3: {  	v11 =	vadd.f32 v19, v11;
	v9 =	vmul.f32 v9, v60;
	v8 =	vadd.f32 v8, v16  }
0xb4: {  	v10 =	vadd.f32 v10, v12;
	v7 =	vmul.f32 $1.442695020e+00, v7  }
0xb5: {  	v9 =	vadd.f32 v9, v11;
	v8 =	vmul.f32 $1.442695020e+00, v8  }
0xb6: {  	(erf) = vpow2.f32 v7;
	v7 =	vmul.f32 $1.442695020e+00, v10  }
0xb7: {  	(erf) = vpow2.f32 v8;
	v8 =	vmul.f32 $1.442695020e+00, v9  }
0xb8: {  	(erf) = vpow2.f32 v7  }
0xb9: {  	(erf) = vpow2.f32 v8;
	_ =	sdelay $0x2  }
0xba: {  	s1 =	sadd.s32 s21, s1  }
0xbb: {  	s2 =	simm.s32 $0x0;
	s1 =	sshll.u32 s1, $0x7  }
0xbc: {  	s1 =	sor.u32 s29, s1;
	v7 =	vadd.s32 s2, v0  }
0xbd: {  	p0 =	slt.u32 s1, $0x4E200;
	s6 =	sor.u32 $0x10, s1;
	v11 =	vand.u32 $0x7F, v7;
	v8 =	vpop (erf)  }
0xbe: {  	s9 =	sor.u32 $0x20, s1;
	p4 =	slt.u32 s6, $0x4E200;
	v12 =	vor.u32 v4, v11;
	v9 =	vpop (erf);
	v7 =	vpsel !p0, $0x0, v8  }
0xbf: {  	s1 =	sor.u32 $0x30, s1;
	p5 =	slt.u32 s9, $0x4E200;
	v10 =	vpop (erf);
	v8 =	vpsel !p4, $0x0, v9;
	[tilespmem:$0x1D380] =	vst v7  }
0xc0: {  	p6 =	slt.u32 s1, $0x4E200;
	v9 =	vpsel !p5, $0x0, v10;
	v10 =	vpop (erf);
	[tilespmem:$0x1D390] =	vst v8  }
0xc1: {  	v10 =	vpsel !p6, $0x0, v10;
	[tilespmem:$0x1D3A0] =	vst v9  }
0xc2: {  	[tilespmem:$0x1D3B0] =	vst v10  }
0xc3: {  	v13 =	vld.idx.msk [tilespmem:v12+s31+$0x0], $0xffff;
	_ =	sdelay $0x2  }
0xc4: {  	v14 =	vor.u32 v5, v11;
	_ =	sdelay $0x1  }
0xc5: {  	v13 =	vmul.f32 v13, v7;
	_ =	sdelay $0x1  }
0xc6: {  	[tilespmem:v12+s31+$0x0] =	vst.idx.msk $0xffff, v13  }
0xc7: {  	v12 =	vld.idx.msk [tilespmem:v14+s31+$0x0], $0xffff;
	_ =	sdelay $0x2  }
0xc8: {  	v13 =	vor.u32 v6, v11;
	_ =	sdelay $0x1  }
0xc9: {  	v12 =	vmul.f32 v12, v8;
	_ =	sdelay $0x1  }
0xca: {  	[tilespmem:v14+s31+$0x0] =	vst.idx.msk $0xffff, v12  }
0xcb: {  	v14 =	vld.idx.msk [tilespmem:v13+s31+$0x0], $0xffff;
	_ =	sdelay $0x2  }
0xcc: {  	v12 =	vor.u32 v3, v11;
	_ =	sdelay $0x1  }
0xcd: {  	v11 =	vmul.f32 v14, v9;
	_ =	sdelay $0x1  }
0xce: {  	[tilespmem:v13+s31+$0x0] =	vst.idx.msk $0xffff, v11  }
0xcf: {  	s29 =	simm.s32 $0x1;
	v14 =	vld.idx.msk [tilespmem:v12+s31+$0x0], $0xffff  }
0xd0: {  	v11 =	vadd.s32 s29, v0  }
0xd1: {  	v11 =	vand.u32 $0x7F, v11  }
0xd2: {  	v13 =	vor.u32 v4, v11;
	_ =	sdelay $0x1  }
0xd3: {  	s1 =	simm.s32 $0x2;
	v14 =	vmul.f32 v14, v10  }
.LBB2_10:
0xd4: {  	_ = 	snop  }
0xd5: {  	p0 =	sne.s32 s1, $0x7F;
	s2 =	smov.u32 s1;
	s1 =	sadd.s32 $0x1, s1;
	[tilespmem:v12+s31+$0x0] =	vst.idx.msk $0xffff, v14  }
0xd6: {  	v12 =	vld.idx.msk [tilespmem:v13+s31+$0x0], $0xffff;
	_ =	sdelay $0x3  }
0xd7: {  	v14 =	vor.u32 v5, v11;
	_ =	sdelay $0x1  }
0xd8: {  	v12 =	vmul.f32 v12, v7;
	_ =	sdelay $0x1  }
0xd9: {  	[tilespmem:v13+s31+$0x0] =	vst.idx.msk $0xffff, v12  }
0xda: {  	v12 =	vld.idx.msk [tilespmem:v14+s31+$0x0], $0xffff;
	_ =	sdelay $0x3  }
0xdb: {  	v13 =	vor.u32 v6, v11;
	_ =	sdelay $0x1  }
0xdc: {  	v12 =	vmul.f32 v12, v8;
	_ =	sdelay $0x1  }
0xdd: {  	[tilespmem:v14+s31+$0x0] =	vst.idx.msk $0xffff, v12  }
0xde: {  	v14 =	vld.idx.msk [tilespmem:v13+s31+$0x0], $0xffff;
	_ =	sdelay $0x3  }
0xdf: {  	v12 =	vor.u32 v3, v11;
	_ =	sdelay $0x1  }
0xe0: {  	v11 =	vmul.f32 v14, v9;
	_ =	sdelay $0x1  }
0xe1: {  	[tilespmem:v13+s31+$0x0] =	vst.idx.msk $0xffff, v11  }
0xe2: {  	v14 =	vld.idx.msk [tilespmem:v12+s31+$0x0], $0xffff;
	_ =	sdelay $0x1  }
.Ltmp3:
0xe3: {  	v11 =	vadd.s32 s2, v0;
	(pc) =	sbr.rel @p0 .LBB2_10-.Ltmp3, $3  }
0xe4: {  	v11 =	vand.u32 $0x7F, v11  }
0xe5: {  	v13 =	vor.u32 v4, v11;
	_ =	sdelay $0x1  }
0xe6: {  	v14 =	vmul.f32 v14, v10  }
0xe7: {  	_ =	sdelay $0x3  }
0xe8: {  	[tilespmem:v12+s31+$0x0] =	vst.idx.msk $0xffff, v14  }
0xe9: {  	v4 =	vld.idx.msk [tilespmem:v13+s31+$0x0], $0xffff;
	_ =	sdelay $0x2  }
0xea: {  	v5 =	vor.u32 v5, v11;
	_ =	sdelay $0x1  }
0xeb: {  	v4 =	vmul.f32 v4, v7;
	_ =	sdelay $0x1  }
0xec: {  	[tilespmem:v13+s31+$0x0] =	vst.idx.msk $0xffff, v4  }
0xed: {  	v4 =	vld.idx.msk [tilespmem:v5+s31+$0x0], $0xffff;
	_ =	sdelay $0x2  }
0xee: {  	v6 =	vor.u32 v6, v11;
	_ =	sdelay $0x1  }
0xef: {  	v4 =	vmul.f32 v4, v8;
	_ =	sdelay $0x1  }
0xf0: {  	[tilespmem:v5+s31+$0x0] =	vst.idx.msk $0xffff, v4  }
0xf1: {  	v4 =	vld.idx.msk [tilespmem:v6+s31+$0x0], $0xffff;
	_ =	sdelay $0x2  }
0xf2: {  	v3 =	vor.u32 v3, v11;
	_ =	sdelay $0x1  }
0xf3: {  	v4 =	vmul.f32 v4, v9;
	_ =	sdelay $0x1  }
0xf4: {  	[tilespmem:v6+s31+$0x0] =	vst.idx.msk $0xffff, v4  }
0xf5: {  	v4 =	vld.idx.msk [tilespmem:v3+s31+$0x0], $0xffff;
	_ =	sdelay $0x4  }
0xf6: {  	s1 =	sshll.u32 s13, $0x7;
	v4 =	vmul.f32 v4, v10  }
0xf7: {  	s2 =	sshll.u32 s17, $0xD;
	s1 =	sand.u32 $0x3FFFFF80, s1  }
0xf8: {  	s2 =	sor.u32 $0x15380, s2;
	s1 =	sadd.s32 $0x14680, s1;
	[tilespmem:v3+s31+$0x0] =	vst.idx.msk $0xffff, v4  }
0xf9: {  	[spmem:s3] =	stream.indirect.scatter.add.f32 [tilespmem:s2], [sflag:$0x2], $0x80, s1, s15, $0xb8;
	[tilespmem:$0x1D800] =	vst v63  }
0xfa: {  	s13 =	sadd.s32 $0x1, s13;
	_ =	swait.ge [sflag:s23], $0x2000  }
0xfb: {  	p0 =	sne.s32 s13, $0x10;
	[sflag:s23] =	ssyncset.done $0x0  }
.Ltmp4:
0xfc: {  	[sflag:s23] =	ssyncadd.s32 $0xFFFFE000;
	(pc) =	sbr.rel @p0 .LBB2_7-.Ltmp4, $4  }
0xfd: {  	[spmem:s4] =	stream.indirect.scatter.add.f32 [tilespmem:s16], [sflag:$0x2], $0x1, s1, s15, $0xb8;
	[tilespmem:$0x1D800] =	vst v63  }
0xfe: {  	_ =	swait.ge [sflag:s23], $0x40  }
0xff: {  	[sflag:s23] =	ssyncset.done $0x0  }
0x100: {  	[sflag:s23] =	ssyncadd.s32 $0xFFFFFFC0  }
0x101: {  	s20 =	sadd.s32 $0x1, s20  }
0x102: {  	p0 =	sne.s32 s20, $0xA  }
.Ltmp5:
0x103: {  	_ = 	snop;
	(pc) =	sbr.rel @p0 .LBB2_6-.Ltmp5, $1  }
0x104: {  	_ =	sdelay $0x3  }
0x105: {  	s1 =	stileid.u32  }
0x106: {  	[bflag:$0x0] =	sbarrier.arrive $0xFFFF;
	s1 =	sshll.u32 s1, $0x6  }
0x107: {  	s2 =	sshrl.u32 s12, $0x3;
	s5 =	rddreg [dreg:$0xc];
	s1 =	sor.u32 $0x1C02, s1  }
0x108: {  	[hbm:s5], [sflag:s1] =	dma.local [spmem:s2], $0x2780  }
0x109: {  	_ =	swait.ge [sflag:s23], $0x2780  }
0x10a: {  	[sflag:s23] =	ssyncset.done $0x0;
	s19 =	rddreg [dreg:$0x7]  }
0x10b: {  	s20 =	rddreg [dreg:$0xd];
	[sflag:s23] =	ssyncadd.s32 $0xFFFFD880;
	s17 =	sshrl.u32 s19, $0x3  }
0x10c: {  	[hbm:s20], [sflag:s1] =	dma.local [spmem:s17], $0x50  }
0x10d: {  	_ =	swait.ge [sflag:s23], $0x50  }
0x10e: {  	s21 =	rddreg [dreg:$0xf]  }
0x10f: {  	s29 =	rddreg [dreg:$0xe];
	s2 =	sadd.s32 $0x1, s21  }
0x110: {  	p0 =	sne.s32 s2, s29  }
.Ltmp6:
0x111: {  	_ = 	snop;
	(pc) =	sbr.rel @p0 .LBB2_1-.Ltmp6, $3  }
0x112: {  	_ =	sdelay $0x1  }
0x113: {  	[sflag:s23] =	ssyncset.done $0x0  }
0x114: {  	[sflag:s23] =	ssyncadd.s32 $0xFFFFFFB0  }
0x115: {  	_ =	sfence.sel $0x180000  }
0x116: {  	[bflag:$0x0] =	sbarrier.arrive $0xFFFF  }
0x117: {  	_ =	strace $0x9000004A  }
0x118: {  	s0 =	stileid.u32;
	[bflag:$0x2] =	sbarrier.arrive $0xFFFF  }
0x119: {  	p0 =	sne.s32 s0, $0x0;
	s0 =	rddreg [dreg:$0x5]  }
0x11a: {  	s0 =	sadd.s32 @!p0 $0x100000, s0  }
0x11b: {  	[sflag:s0] =	ssyncadd.tile.s32 @!p0 $0x1;
	_ =	shalt  }
.Lfunc_end2:
_tile_overlayer_lowered:
.L_overlay_start_2:
0x11c: {  	(tag) =	ssettag $0x2  }
0x11d: {  	s0 =	rddreg [dreg:$0x0];
	s2 =	stileid.u32  }
0x11e: {  	s1 =	rddreg [dreg:$0x1];
	p0 =	sne.s32 s2, $0x0  }
0x11f: {  	s3 =	rddreg [dreg:$0x2];
	[bflag:$0x3] =	sbarrier.arrive $0xFFFF;
	s2 =	simm.s32 @!p0 $0x1C02  }
0x120: {  	[timem:s3], [sflag:s2] =	dma.local @!p0 [hbm:s0], s1  }
0x121: {  	s0 =	simm.s32 @!p0 $0x2  }
0x122: {  	_ =	swait.ge @!p0 [sflag:s0], s1  }
0x123: {  	s1 =	ssub.s32 @!p0 $0x0, s1;
	[sflag:s0] =	ssyncset.done @!p0 $0x0  }
0x124: {  	[sflag:s0] =	ssyncadd.s32 @!p0 s1  }
0x125: {  	[bflag:$0x3] =	sbarrier.arrive $0xFFFF  }
0x126: {  	_ =	shalt  }

// kernel: kernel.7.cloned.1.call-start
scs
__scs_entry_jumppad:
0x0: {  	(pc) =	sbr.rel $0x88, $3  }
0x1: {  	(tag) =	ssettag $0x0;
	lr =	simm.s32 $0x1  }
0x2: {  	[smem:$0x3F91] =	sst lr;
	_ =	strace $0xD0000000  }
0x3: {  	_ = 	snop  }
0x4: {  	_ = 	snop  }
0x5: {  	_ = 	snop  }
0x6: {  	_ = 	snop  }
0x7: {  	_ = 	snop  }
__scs_overlays_trampoline_lowered:
0x8: {  	[smem:$0x3FA0] =	sst s0  }
0x9: {  	[smem:$0x3FA1] =	sst s1  }
0xa: {  	[smem:$0x3FA2] =	sst s2  }
0xb: {  	[smem:$0x3FA3] =	sst s3  }
0xc: {  	[smem:$0x3FA4] =	sst s4  }
0xd: {  	[smem:$0x3FA5] =	sst s5  }
0xe: {  	[smem:$0x3FA6] =	sst s6  }
0xf: {  	[smem:$0x3FA7] =	sst s7  }
0x10: {  	[smem:$0x3FA8] =	sst s8  }
0x11: {  	[smem:$0x3FA9] =	sst s9;
	s0 =	simm.s32 @!p0 $0x0  }
0x12: {  	s1 =	sld [smem:$0x3F8F];
	s0 =	simm.s32 @p0 $0x1  }
0x13: {  	[smem:$0x3FAA] =	sst s0;
	s0 =	simm.s32 @!p1 $0x0  }
0x14: {  	s2 =	sld [smem:$0x3F8E];
	s0 =	simm.s32 @p1 $0x1  }
0x15: {  	[smem:$0x3FAB] =	sst s0;
	s0 =	simm.s32 @!p2 $0x0  }
0x16: {  	s3 =	sld [smem:$0x3FDB];
	s0 =	simm.s32 @p2 $0x1  }
0x17: {  	s4 =	simm.s32 $0x1BF5;
	[smem:$0x3FAD] =	sst s0  }
0x18: {  	s0 =	sld [smem:$0x3F90];
	_ =	swait.ge [sflag:s4], $0x0  }
0x19: {  	s7 =	sld [smem:$0x3F91]  }
0x1a: {  	s8 =	sadd.s32 $0xFFFFE003, lr  }
0x1b: {  	s9 =	sadd.s32 $0xFFFFFEF7, lr;
	s5 =	simm.s32 $0xFFFFFFFF;
	p2 =	slt.u32 s8, $0xFFFFF086  }
0x1c: {  	p1 =	slt.u32 s9, $0xF7A;
	s5 =	simm.s32 @!p2 $0x0  }
0x1d: {  	s5 =	simm.s32 @p1 $0x1;
	p0 =	seq.s32 s7, s2  }
0x1e: {  	s7 =	smul.u32 @!p0 $0xF7A, s2;
	p2 =	seq.s32 @!p0 s5, $0x0  }
0x1f: {  	s9 =	smul.u32 $0xF7A, s1;
	s8 =	simm.s32 @!p0 $0x1BF5;
	p2 =	por !p2, p0  }
0x20: {  	[sflag:s8] =	ssyncset.s32 @!p0 $0xFFFFF086;
	s6 =	sadd.s32 @!p0 s3, s7;
	s7 =	simm.s32 @!p0 $0x108  }
0x21: {  	s3 =	sadd.s32 s3, s9;
	s6 =	sadd.s32 @!p0 $0x88, s6;
	s7 =	simm.s32 @p2 $0x1082  }
0x22: {  	[simem:s7], [sflag:s8] =	dma.local @!p0 [hbm:s6], $0xF7A  }
0x23: {  	s9 =	sor.u32 $0xD0000000, s2;
	s6 =	simm.s32 $0x108;
	_ =	swait.ge @!p0 [sflag:s8], $0x0  }
0x24: {  	s3 =	sadd.s32 $0x88, s3;
	s6 =	simm.s32 @!p1 $0x1082;
	[sflag:s4] =	ssyncset.s32 $0xFFFFF086  }
0x25: {  	[simem:s6], [sflag:s4] =	dma.local [hbm:s3], $0xF7A  }
0x26: {  	[smem:$0x3F91] =	sst s1;
	(tag) =	ssettag s2;
	_ =	strace s9  }
0x27: {  	s1 =	sld [smem:$0x3FA1]  }
0x28: {  	s2 =	sld [smem:$0x3FA2]  }
0x29: {  	s4 =	sld [smem:$0x3FA4]  }
0x2a: {  	p0 =	seq.s32 s5, $0x0;
	s5 =	sld [smem:$0x3FA5]  }
0x2b: {  	s6 =	sld [smem:$0x3FA6]  }
0x2c: {  	s7 =	sld [smem:$0x3FA7]  }
0x2d: {  	s3 =	simm.s32 $0x108;
	s8 =	sld [smem:$0x3FA8]  }
0x2e: {  	s3 =	simm.s32 @!p0 $0x1082;
	s9 =	sld [smem:$0x3FA9]  }
0x2f: {  	lr =	sadd.s32 s0, s3;
	s0 =	sld [smem:$0x3FA0]  }
0x30: {  	s3 =	sld [smem:$0x3FA3]  }
0x31: {  	[smem:$0x3FAC] =	sst s10  }
0x32: {  	s10 =	sld [smem:$0x3FAA];
	_ =	sdelay $0x3  }
0x33: {  	p0 =	seq.s32 s10, $0x1;
	s10 =	sld [smem:$0x3FAC];
	_ =	sdelay $0x3  }
0x34: {  	[smem:$0x3FAC] =	sst s10  }
0x35: {  	s10 =	sld [smem:$0x3FAB];
	_ =	sdelay $0x3  }
0x36: {  	p1 =	seq.s32 s10, $0x1;
	s10 =	sld [smem:$0x3FAC];
	_ =	sdelay $0x3  }
0x37: {  	[smem:$0x3FAC] =	sst s10  }
0x38: {  	s10 =	sld [smem:$0x3FAD]  }
0x39: {  	_ = 	snop;
	(pc) =	sbr.ind lr, $3  }
0x3a: {  	_ = 	snop  }
0x3b: {  	_ = 	snop  }
0x3c: {  	p2 =	seq.s32 s10, $0x1;
	s10 =	sld [smem:$0x3FAC]  }
0x3d: {  	_ =	shalt  }
0x3e: {  	_ =	shalt  }
0x3f: {  	_ =	shalt  }
0x40: {  	_ =	shalt  }
0x41: {  	_ =	shalt  }
0x42: {  	_ =	shalt  }
0x43: {  	_ =	shalt  }
0x44: {  	_ =	shalt  }
0x45: {  	_ =	shalt  }
0x46: {  	_ =	shalt  }
0x47: {  	_ =	shalt  }
0x48: {  	_ =	shalt  }
0x49: {  	_ =	shalt  }
0x4a: {  	_ =	shalt  }
0x4b: {  	_ =	shalt  }
0x4c: {  	_ =	shalt  }
0x4d: {  	_ =	shalt  }
0x4e: {  	_ =	shalt  }
0x4f: {  	_ =	shalt  }
0x50: {  	_ =	shalt  }
0x51: {  	_ =	shalt  }
0x52: {  	_ =	shalt  }
0x53: {  	_ =	shalt  }
0x54: {  	_ =	shalt  }
0x55: {  	_ =	shalt  }
0x56: {  	_ =	shalt  }
0x57: {  	_ =	shalt  }
0x58: {  	_ =	shalt  }
0x59: {  	_ =	shalt  }
0x5a: {  	_ =	shalt  }
0x5b: {  	_ =	shalt  }
0x5c: {  	_ =	shalt  }
0x5d: {  	_ =	shalt  }
0x5e: {  	_ =	shalt  }
0x5f: {  	_ =	shalt  }
0x60: {  	_ =	shalt  }
0x61: {  	_ =	shalt  }
0x62: {  	_ =	shalt  }
0x63: {  	_ =	shalt  }
0x64: {  	_ =	shalt  }
0x65: {  	_ =	shalt  }
0x66: {  	_ =	shalt  }
0x67: {  	_ =	shalt  }
0x68: {  	_ =	shalt  }
0x69: {  	_ =	shalt  }
0x6a: {  	_ =	shalt  }
0x6b: {  	_ =	shalt  }
0x6c: {  	_ =	shalt  }
0x6d: {  	_ =	shalt  }
0x6e: {  	_ =	shalt  }
0x6f: {  	_ =	shalt  }
0x70: {  	_ =	shalt  }
0x71: {  	_ =	shalt  }
0x72: {  	_ =	shalt  }
0x73: {  	_ =	shalt  }
0x74: {  	_ =	shalt  }
0x75: {  	_ =	shalt  }
0x76: {  	_ =	shalt  }
0x77: {  	_ =	shalt  }
0x78: {  	_ =	shalt  }
0x79: {  	_ =	shalt  }
0x7a: {  	_ =	shalt  }
0x7b: {  	_ =	shalt  }
0x7c: {  	_ =	shalt  }
0x7d: {  	_ =	shalt  }
0x7e: {  	_ =	shalt  }
0x7f: {  	_ =	shalt  }
0x80: {  	_ =	shalt  }
0x81: {  	_ =	shalt  }
0x82: {  	_ =	shalt  }
0x83: {  	_ =	shalt  }
0x84: {  	_ =	shalt  }
0x85: {  	_ =	shalt  }
0x86: {  	_ =	shalt  }
0x87: {  	_ =	shalt  }
.Lfunc_end0:
.L_simem_size_0:
called_computation_lowered:
.L_overlay_start_0:
0x88: {  	s2 =	sld [smem:$0x3FD9]  }
0x89: {  	s3 =	sld [smem:$0x3FFE];
	_ =	sdelay $0x1  }
0x8a: {  	s1 =	srdreg.scid  }
0x8b: {  	s0 =	sand.u32 $0x1, s1  }
0x8c: {  	s17 =	sshll.u32 s0, $0xA;
	s2 =	sadd.s32 s3, s2  }
0x8d: {  	s2 =	sadd.s32 s2, s17  }
0x8e: {  	[smem:$0x3FB8] =	sst s2  }
0x8f: {  	_ = 	snop  }
0x90: {  	s2 =	sld [smem:$0x3FC3]  }
0x91: {  	s18 =	sld [smem:$0x3FC2];
	(tm) =	ssettm $0x1  }
0x92: {  	s4 =	sld [smem:$0x3FFB];
	_ =	sdelay $0x3  }
0x93: {  	_ =	strace s4  }
0x94: {  	s4 =	sld [smem:$0x3FFC];
	_ =	sdelay $0x3  }
0x95: {  	_ =	strace s4  }
0x96: {  	s4 =	sld [smem:$0x3FFD];
	_ =	sdelay $0x3  }
0x97: {  	_ =	strace s4  }
0x98: {  	_ =	strace $0x8FFFFFFF  }
0x99: {  	s19 =	sld [smem:$0x3FDB];
	_ =	sdelay $0x1  }
0x9a: {  	s5 =	simm.s32 $_scs_section_size  }
0x9b: {  	s6 =	simm.s32 $_size__tile_overlayer_lowered;
	s7 =	simm.s32 $_tile_overlayer_lowered  }
0x9c: {  	s22 =	simm.s32 $0x1BFF;
	s21 =	sshll.u32 s7, $0x1;
	s4 =	sadd.s32 s5, s19  }
0x9d: {  	s8 =	simm.s32 $0x0;
	s20 =	sshll.u32 s6, $0x1;
	s6 =	sadd.s32 s21, s4  }
0x9e: {  	[timem:s8], [sflag:s22] =	dma.local [hbm:s6], s20  }
0x9f: {  	_ =	swait.ge [sflag:s22], s20  }
0xa0: {  	s5 =	ssub.s32 $0x0, s20;
	[sflag:s22] =	ssyncset.done $0x0  }
0xa1: {  	[sflag:s22] =	ssyncadd.s32 s5;
	_ =	sdelay $0x1  }
0xa2: {  	s23 =	simm.s32 $0x1B8B  }
0xa3: {  	_ =	swait.ge [sflag:s23], $0x1  }
0xa4: {  	[sflag:s23] =	ssyncset.done $0x0  }
0xa5: {  	s25 =	simm.s32 $0x1B8E;
	s24 =	sld [smem:$0x3FFE];
	[sflag:s23] =	ssyncadd.s32 $0xFFFFFFFF  }
0xa6: {  	s26 =	simm.s32 $execute0_lowered;
	[smem:$0x3FD2] =	sst s25  }
0xa7: {  	s6 =	sshll.u32 s26, $0x1;
	_ =	strace $0x80000046;
	[dreg:$0x1] =	wrdreg $0xFFFFFFFF  }
0xa8: {  	s28 =	simm.s32 $_size_execute0_lowered;
	s4 =	sadd.s32 s4, s6;
	[dreg:$0x0] =	wrdreg $0x0  }
0xa9: {  	s6 =	sshll.u32 s28, $0x1;
	[dreg:$0x2] =	wrdreg s4  }
0xaa: {  	[dreg:$0x3] =	wrdreg s6  }
0xab: {  	[dreg:$0x4] =	wrdreg $0xC0  }
0xac: {  	_ =	task [dreg:s8], $0x5FFFF  }
0xad: {  	[dreg:$0x1] =	wrdreg $0xFFFFFFFF  }
0xae: {  	[dreg:$0x0] =	wrdreg $0x60  }
0xaf: {  	[dreg:$0x2] =	wrdreg s24  }
0xb0: {  	[dreg:$0x3] =	wrdreg s2  }
0xb1: {  	[dreg:$0x4] =	wrdreg s18  }
0xb2: {  	[dreg:$0x5] =	wrdreg $0x0  }
0xb3: {  	[dreg:$0x6] =	wrdreg $0x13C000  }
0xb4: {  	[dreg:$0x7] =	wrdreg $0x9  }
0xb5: {  	_ =	task.clear_ibuf [dreg:s8], $0x8FFFF;
	_ =	strace $0x90000046  }
0xb6: {  	s29 =	simm.s32 $0x9;
	_ =	strace $0x80000048  }
0xb7: {  	_ =	swait.ge [sflag:s29], $0x1  }
0xb8: {  	[sflag:s29] =	ssyncadd.s32 $0xFFFFFFFF  }
0xb9: {  	_ =	strace $0x90000048  }
0xba: {  	_ =	sfence  }
0xbb: {  	s30 =	sld [smem:$0x0];
	_ =	sdelay $0x2  }
0xbc: {  	s31 =	sshll.u32 s1, $0xD;
	s1 =	sshrl.u32 s1, $0x2  }
0xbd: {  	s3 =	sand.u32 $0x4000, s31;
	s1 =	sadd.s32 s1, s30  }
0xbe: {  	s0 =	sor.u32 s3, s0;
	s1 =	sshll.u32 s1, $0x11  }
0xbf: {  	s0 =	sor.u32 s1, s0  }
0xc0: {  	s0 =	sadd.s32 $0x8F2B, s0  }
0xc1: {  	[sflag:s0] =	ssyncadd.remote.s32 $0x1  }
0xc2: {  	_ =	sfence.sel $0xFFFF  }
0xc3: {  	[dreg:$0x0] =	wrdreg $0xFFFFFFFF;
	(pc) =	sbr.abs _section_cstart, $3  }
0xc4: {  	[dreg:$0x1] =	wrdreg $0xFFFFFFFF  }
0xc5: {  	_ =	task.clear_ibuf [dreg:s8], $0x2FFFF;
	_ =	strace $0x9FFFFFFF  }
0xc6: {  	(tm) =	ssettm $0x7FFFFFFF  }
0xc7: {  	_ =	shalt  }
tec
execute0_lowered:
.L_overlay_start_1:
0x0: {  	(tag) =	ssettag $0x1  }
0x1: {  	s0 =	rddreg [dreg:$0x0]  }
0x2: {  	s3 =	rddreg [dreg:$0x3]  }
0x3: {  	s4 =	rddreg [dreg:$0x4]  }
0x4: {  	s2 =	simm.s32 $0x0;
	s1 =	srdreg.scid;
	s9 =	stileid.u32  }
0x5: {  	s28 =	simm.s32 $0x14680;
	s30 =	simm.s32 $0x20;
	s31 =	simm.s32 $0x15380  }
0x6: {  	[smem:$0x7FF] =	sst s2;
	s1 =	sand.u32 $0x1, s1;
	s5 =	smul.u32 $0x13C00, s9  }
0x7: {  	s7 =	sadd.s32 $0x35400, s0;
	s8 =	sadd.s32 $0x5C600, s0;
	s6 =	smul.u32 $0x280, s9  }
0x8: {  	s10 =	sadd.s32 $0x3400, s0;
	s11 =	sadd.s32 $0x2B400, s0;
	s13 =	smul.u32 $0x4F000, s9  }
0x9: {  	s21 =	sshll.u32 s9, $0x1;
	s15 =	smul.u32 $0x13C000, s1;
	_ =	strace $0x80000047  }
0xa: {  	[dreg:$0x6] =	wrdreg s10;
	s16 =	smul.u32 $0x2800, s1;
	s12 =	ssub.s32 $0x2, s1  }
0xb: {  	s10 =	sadd.s32 $0x17400, s0;
	s1 =	sor.u32 s1, s21;
	s14 =	sshrl.u32 s12, $0x1  }
0xc: {  	s20 =	sshrl.u32 s13, $0x2;
	s19 =	sadd.s32 s6, s4;
	s18 =	smul.u32 $0x50, s1  }
0xd: {  	s2 =	sadd.s32 s5, s15;
	s5 =	sadd.s32 s6, s16;
	s17 =	ssub.s32 s12, s14  }
0xe: {  	s12 =	sadd.s32 s20, s3;
	s22 =	sadd.s32 $0x80, s19;
	[dreg:$0x7] =	wrdreg s19  }
0xf: {  	s23 =	sadd.s32 $0x100, s19;
	s24 =	sadd.s32 $0x180, s19;
	[dreg:$0x8] =	wrdreg s22  }
0x10: {  	s25 =	sadd.s32 $0x200, s19;
	s14 =	simm.s32 $0x1;
	[dreg:$0x9] =	wrdreg s23  }
0x11: {  	s15 =	simm.s32 $0x40;
	s16 =	simm.s32 $0x1D380;
	[dreg:$0xa] =	wrdreg s24  }
0x12: {  	s2 =	sshrl.u32 s2, $0x3;
	s5 =	sshrl.u32 s5, $0x3;
	[dreg:$0xb] =	wrdreg s25  }
0x13: {  	s29 =	smax.u32 s17, $0x1;
	s22 =	simm.s32 $0x15280;
	s23 =	simm.s32 $0x2  }
0x14: {  	s24 =	simm.s32 $0x15300;
	s25 =	simm.s32 $0x1D400;
	s2 =	sadd.s32 s2, s0  }
0x15: {  	s0 =	sadd.s32 s5, s0;
	[dreg:$0xe] =	wrdreg s29;
	s26 =	sadd.s32 $0x83800, s2  }
0x16: {  	v0 =	vlaneseq.u32;
	s0 =	sadd.s32 $0xD2800, s0;
	s2 =	simm.s32 $0x0;
	[dreg:$0xc] =	wrdreg s26  }
0x17: {  	v1 =	vimm.f32 $0.0e+00;
	v2 =	vmul.u32 $0x80, v0;
	[dreg:$0xd] =	wrdreg s0;
	s26 =	simm.s32 $0x13E80;
	s0 =	simm.s32 $0x19380  }
.LBB2_1:
0x18: {  	[dreg:$0xf] =	wrdreg s2  }
0x19: {  	s1 =	rddreg [dreg:$0x1];
	s21 =	simm.s32 $0x0  }
0x1a: {  	[tilespmem:s22], [sflag:$0x2] =	stream.linear.gather [hbm4b:s1+s21], $0x80, $0x38;
	[tilespmem:$0x1D800] =	vst v63  }
0x1b: {  	_ =	swait.ge [sflag:s23], $0x80  }
0x1c: {  	[sflag:s23] =	ssyncset.done $0x0  }
0x1d: {  	[sflag:s23] =	ssyncadd.s32 $0xFFFFFF80  }
0x1e: {  	s29 =	rddreg [dreg:$0x2]  }
0x1f: {  	[tilespmem:s24], [sflag:$0x2] =	stream.linear.gather [hbm4b:s29+s21], $0x80, $0x38;
	[tilespmem:$0x1D800] =	vst v63  }
0x20: {  	_ =	swait.ge [sflag:s23], $0x80  }
0x21: {  	[sflag:s23] =	ssyncset.done $0x0  }
0x22: {  	s2 =	simm.s32 $0x0;
	s1 =	simm.s32 $0x0;
	[sflag:s23] =	ssyncadd.s32 $0xFFFFFF80  }
.LBB2_2:
0x23: {  	p0 =	sne.s32 s2, $0xFC0  }
.Ltmp0:
0x24: {  	_ = 	snop;
	(pc) =	sbr.rel @p0 .LBB2_2-.Ltmp0, $4  }
0x25: {  	s13 =	sand.u32 $0xE00, s2  }
0x26: {  	s17 =	sand.u32 $0x70, s1;
	s13 =	sshrl.u32 s13, $0x2  }
0x27: {  	s13 =	sor.u32 s17, s13  }
0x28: {  	s1 =	sadd.s32 $0x10, s1;
	s2 =	sadd.s32 $0x40, s2;
	[tilespmem:s13+$0x1D400] =	vst v1  }
0x29: {  	s1 =	sadd.s32 $0x0, s12  }
0x2a: {  	[spmem:s1] =	stream.linear.scatter [tilespmem:s25], [sflag:$0x2], $0x400, $0x38;
	[tilespmem:$0x1D800] =	vst v63  }
0x2b: {  	s1 =	simm.s32 $0x1000;
	_ =	swait.ge [sflag:s23], $0x400  }
.LBB2_4:
0x2c: {  	s2 =	sshra.s32 s1, $0x2;
	[sflag:s23] =	ssyncset.done $0x0;
	p0 =	sne.s32 s1, $0x4E000  }
.Ltmp1:
0x2d: {  	s2 =	sadd.s32 s2, s12;
	[sflag:s23] =	ssyncadd.s32 $0xFFFFFC00;
	(pc) =	sbr.rel @p0 .LBB2_4-.Ltmp1, $3  }
0x2e: {  	[spmem:s2] =	stream.linear.scatter [tilespmem:s25], [sflag:$0x2], $0x400, $0x38;
	[tilespmem:$0x1D800] =	vst v63  }
0x2f: {  	s1 =	sadd.s32 $0x1000, s1;
	_ =	sdelay $0x1  }
0x30: {  	_ =	swait.ge [sflag:s23], $0x400  }
0x31: {  	[sflag:s23] =	ssyncset.done $0x0  }
0x32: {  	[sflag:s23] =	ssyncadd.s32 $0xFFFFFC00  }
0x33: {  	[spmem:s19] =	stream.linear.scatter [tilespmem:s25], [sflag:$0x2], $0x80, $0x38;
	[tilespmem:$0x1D800] =	vst v63  }
0x34: {  	_ =	swait.ge [sflag:s23], $0x80  }
0x35: {  	[sflag:s23] =	ssyncset.done $0x0  }
0x36: {  	s1 =	rddreg [dreg:$0x8];
	[sflag:s23] =	ssyncadd.s32 $0xFFFFFF80  }
0x37: {  	[spmem:s1] =	stream.linear.scatter [tilespmem:s25], [sflag:$0x2], $0x80, $0x38;
	[tilespmem:$0x1D800] =	vst v63  }
0x38: {  	_ =	swait.ge [sflag:s23], $0x80  }
0x39: {  	[sflag:s23] =	ssyncset.done $0x0  }
0x3a: {  	s20 =	rddreg [dreg:$0x9];
	[sflag:s23] =	ssyncadd.s32 $0xFFFFFF80  }
0x3b: {  	[spmem:s20] =	stream.linear.scatter [tilespmem:s25], [sflag:$0x2], $0x80, $0x38;
	[tilespmem:$0x1D800] =	vst v63  }
0x3c: {  	_ =	swait.ge [sflag:s23], $0x80  }
0x3d: {  	[sflag:s23] =	ssyncset.done $0x0  }
0x3e: {  	s21 =	rddreg [dreg:$0xa];
	[sflag:s23] =	ssyncadd.s32 $0xFFFFFF80  }
0x3f: {  	[spmem:s21] =	stream.linear.scatter [tilespmem:s25], [sflag:$0x2], $0x80, $0x38;
	[tilespmem:$0x1D800] =	vst v63  }
0x40: {  	_ =	swait.ge [sflag:s23], $0x80  }
0x41: {  	[sflag:s23] =	ssyncset.done $0x0  }
0x42: {  	s29 =	rddreg [dreg:$0xb];
	[sflag:s23] =	ssyncadd.s32 $0xFFFFFF80  }
0x43: {  	[spmem:s29] =	stream.linear.scatter [tilespmem:s25], [sflag:$0x2], $0x80, $0x38;
	[tilespmem:$0x1D800] =	vst v63  }
0x44: {  	_ =	swait.ge [sflag:s23], $0x80  }
0x45: {  	[sflag:s23] =	ssyncset.done $0x0  }
0x46: {  	[sflag:s23] =	ssyncadd.s32 $0xFFFFFF80  }
0x47: {  	s19 =	simm.s32 $0x0;
	s20 =	simm.s32 $0x0;
	[bflag:$0x0] =	sbarrier.arrive $0xFFFF  }
.LBB2_6:
0x48: {  	s1 =	sshll.u32 s20, $0x3  }
0x49: {  	s21 =	sadd.s32 s18, s1  }
0x4a: {  	s2 =	rddreg [dreg:$0x6];
	s1 =	sshll.u32 s21, $0x5  }
0x4b: {  	s2 =	sadd.s32 s2, s1  }
0x4c: {  	[tilespmem:s26], [sflag:$0x2] =	stream.linear.gather [hbm4b:s2+s19], $0x800, $0x38;
	[tilespmem:$0x1D800] =	vst v63  }
0x4d: {  	_ =	swait.ge [sflag:s23], $0x800  }
0x4e: {  	[sflag:s23] =	ssyncset.done $0x0  }
0x4f: {  	s1 =	sadd.s32 s10, s1;
	[sflag:s23] =	ssyncadd.s32 $0xFFFFF800  }
0x50: {  	[tilespmem:s28], [sflag:$0x2] =	stream.linear.gather [hbm4b:s1+s19], $0x800, $0x38;
	[tilespmem:$0x1D800] =	vst v63  }
0x51: {  	_ =	swait.ge [sflag:s23], $0x800  }
0x52: {  	s5 =	sshll.u32 s21, $0x4;
	[sflag:s23] =	ssyncset.done $0x0  }
0x53: {  	s6 =	simm.s32 $0x14E80;
	s1 =	sadd.s32 s11, s5;
	[sflag:s23] =	ssyncadd.s32 $0xFFFFF800  }
0x54: {  	[tilespmem:s6], [sflag:$0x2] =	stream.linear.gather [hbm4b:s1+s19], $0x400, $0x38;
	[tilespmem:$0x1D800] =	vst v63  }
0x55: {  	_ =	swait.ge [sflag:s23], $0x400  }
0x56: {  	[sflag:s23] =	ssyncset.done $0x0  }
0x57: {  	[sflag:s23] =	ssyncadd.s32 $0xFFFFFC00  }
0x58: {  	[tilespmem:s31], [sflag:$0x1] =	stream.indirect.gather [hbm4b:s7+s30], $0x80, s26, s30, $0xb8;
	[tilespmem:$0x1D800] =	vst v63  }
0x59: {  	_ = 	snop  }
0x5a: {  	[tilespmem:s0], [sflag:$0x1] =	stream.indirect.gather [hbm4b:s8+s30], $0x80, s28, s30, $0xb8;
	[tilespmem:$0x1D800] =	vst v63  }
0x5b: {  	s9 =	simm.s32 $0x13EA0;
	s13 =	simm.s32 $0x16380  }
0x5c: {  	[tilespmem:s13], [sflag:$0x1] =	stream.indirect.gather [hbm4b:s7+s30], $0x80, s9, s30, $0xb8;
	[tilespmem:$0x1D800] =	vst v63  }
0x5d: {  	s17 =	simm.s32 $0x146A0;
	s29 =	simm.s32 $0x1A380;
	s13 =	simm.s32 $0x0  }
0x5e: {  	[tilespmem:s29], [sflag:$0x1] =	stream.indirect.gather [hbm4b:s8+s30], $0x80, s17, s30, $0xb8;
	[tilespmem:$0x1D800] =	vst v63  }
.LBB2_7:
0x5f: {  	s17 =	sand.u32 $0x1, s13;
	p0 =	seq.s32 s13, $0xF  }
0x60: {  	s1 =	sshll.u32 @!p0 s17, $0xD  }
0x61: {  	s29 =	sshll.u32 @!p0 s13, $0x7;
	s2 =	sxor.u32 @!p0 $0x2000, s1  }
0x62: {  	s9 =	simm.s32 @!p0 $0x20;
	s6 =	sadd.s32 @!p0 $0x13F00, s29;
	s5 =	sor.u32 @!p0 $0x15380, s2  }
0x63: {  	[tilespmem:s5], [sflag:$0x1] =	stream.indirect.gather @!p0 [hbm4b:s7+s9], $0x80, s6, s9, $0xb8;
	[tilespmem:$0x1D800] =	vst v63  }
0x64: {  	s2 =	sor.u32 @!p0 $0x19380, s2;
	s5 =	sadd.s32 @!p0 $0x14700, s29  }
0x65: {  	[tilespmem:s2], [sflag:$0x1] =	stream.indirect.gather @!p0 [hbm4b:s8+s9], $0x80, s5, s9, $0xb8;
	[tilespmem:$0x1D800] =	vst v63  }
0x66: {  	s2 =	ssub.s32 @!p0 $0x18380, s1;
	s5 =	sadd.s32 @!p0 $0x13F20, s29  }
0x67: {  	[tilespmem:s2], [sflag:$0x1] =	stream.indirect.gather @!p0 [hbm4b:s7+s9], $0x80, s5, s9, $0xb8;
	[tilespmem:$0x1D800] =	vst v63  }
0x68: {  	s1 =	ssub.s32 @!p0 $0x1C380, s1;
	s2 =	sadd.s32 @!p0 $0x14720, s29  }
0x69: {  	[tilespmem:s1], [sflag:$0x1] =	stream.indirect.gather @!p0 [hbm4b:s8+s9], $0x80, s2, s9, $0xb8;
	[tilespmem:$0x1D800] =	vst v63  }
0x6a: {  	_ =	swait.ge [sflag:s14], $0x1000  }
0x6b: {  	[sflag:s14] =	ssyncset.done $0x0  }
0x6c: {  	[sflag:s14] =	ssyncadd.s32 $0xFFFFF000  }
0x6d: {  	_ =	swait.ge [sflag:s14], $0x1000  }
0x6e: {  	[sflag:s14] =	ssyncset.done $0x0  }
0x6f: {  	s29 =	sshll.u32 s17, $0x6;
	[sflag:s14] =	ssyncadd.s32 $0xFFFFF000  }
0x70: {  	s1 =	sor.u32 $0x30, s29;
	_ =	swait.ge [sflag:s14], $0x1000  }
0x71: {  	s6 =	simm.s32 $0x0;
	v3 =	vmov s1;
	[sflag:s14] =	ssyncset.done $0x0  }
0x72: {  	v4 =	vadd.s32 s6, v0;
	s5 =	sshll.u32 s13, $0x6;
	v3 =	vshll.u32 v3, $0x7;
	[sflag:s14] =	ssyncadd.s32 $0xFFFFF000  }
0x73: {  	v11 =	vand.u32 $0x7F, v4;
	s2 =	sand.u32 $0x3FFFFF80, s5;
	v3 =	vor.u32 v2, v3;
	_ =	swait.ge [sflag:s14], $0x1000  }
0x74: {  	v5 =	vmov s29;
	s2 =	sadd.s32 $0x14E80, s2;
	v10 =	vor.u32 v3, v11;
	[sflag:s14] =	ssyncset.done $0x0  }
0x75: {  	s6 =	sor.u32 $0x10, s29;
	v4 =	vshll.u32 v5, $0x7;
	s9 =	sor.u32 s29, s2;
	[sflag:s14] =	ssyncadd.s32 $0xFFFFF000  }
0x76: {  	v5 =	vmov s6;
	v4 =	vor.u32 v2, v4;
	s1 =	sor.u32 s1, s2;
	v7 =	vld [tilespmem:s9+$0x0]  }
0x77: {  	v5 =	vshll.u32 v5, $0x7;
	v12 =	vor.u32 v4, v11;
	v9 =	vld [tilespmem:s1+$0x0]  }
0x78: {  	v5 =	vor.u32 v2, v5;
	v14 =	vld.idx.msk [tilespmem:v11+s22+$0x0], $0xffff  }
0x79: {  	v13 =	vor.u32 v5, v11;
	s9 =	sor.u32 s6, s2;
	v15 =	vld.idx.msk [tilespmem:v10+s31+$0x0], $0xffff  }
0x7a: {  	v8 =	vld [tilespmem:s9+$0x0];
	s9 =	sor.u32 $0x20, s29  }
0x7b: {  	v16 =	vld.idx.msk [tilespmem:v10+s0+$0x0], $0xffff;
	v6 =	vmov s9  }
0x7c: {  	v18 =	vld.idx.msk [tilespmem:v12+s31+$0x0], $0xffff;
	v6 =	vshll.u32 v6, $0x7  }
0x7d: {  	v19 =	vld.idx.msk [tilespmem:v12+s0+$0x0], $0xffff;
	v6 =	vor.u32 v2, v6  }
0x7e: {  	s6 =	simm.s32 $0x1;
	v20 =	vld.idx.msk [tilespmem:v13+s31+$0x0], $0xffff;
	v17 =	vor.u32 v6, v11  }
0x7f: {  	v21 =	vld.idx.msk [tilespmem:v13+s0+$0x0], $0xffff;
	v12 =	vadd.s32 s6, v0  }
0x80: {  	v13 =	vand.u32 $0x7F, v12  }
0x81: {  	s2 =	sor.u32 s9, s2;
	v12 =	vld.idx.msk [tilespmem:v11+s24+$0x0], $0xffff  }
0x82: {  	v10 =	vld [tilespmem:s2+$0x0];
	v24 =	vor.u32 v3, v13;
	v15 =	vadd.f32 v16, v15;
	v16 =	vmul.f32 v14, v9  }
0x83: {  	v26 =	vor.u32 v4, v13;
	v22 =	vld.idx.msk [tilespmem:v17+s31+$0x0], $0xffff  }
0x84: {  	v20 =	vadd.f32 v21, v20;
	v15 =	vadd.f32 v15, v16;
	v16 =	vmul.f32 v14, v8;
	v17 =	vld.idx.msk [tilespmem:v17+s0+$0x0], $0xffff  }
0x85: {  	v23 =	vmul.f32 v14, v7;
	v11 =	vadd.f32 v19, v18;
	v21 =	vor.u32 v5, v13;
	v19 =	vld.idx.msk [tilespmem:v13+s22+$0x0], $0xffff  }
0x86: {  	v25 =	vmul.f32 $2.000000030e-01, v15;
	v20 =	vadd.f32 v20, v16  }
0x87: {  	v18 =	vor.u32 v6, v13;
	v11 =	vadd.f32 v11, v23;
	v23 =	vld.idx.msk [tilespmem:v24+s31+$0x0], $0xffff  }
0x88: {  	v27 =	vmul.f32 v14, v10;
	v28 =	vld.idx.msk [tilespmem:v24+s0+$0x0], $0xffff;
	v15 =	vmax.f32 v15, v25;
	v30 =	vmul.f32 $2.000000030e-01, v20  }
0x89: {  	v32 =	vld.idx.msk [tilespmem:v26+s0+$0x0], $0xffff;
	v15 =	vmul.f32 v15, v12;
	v16 =	vadd.f32 v17, v22;
	v17 =	vmul.f32 $2.000000030e-01, v11  }
0x8a: {  	v14 =	vimm.f32 $0.0e+00;
	v33 =	vld.idx.msk [tilespmem:v21+s0+$0x0], $0xffff;
	v29 =	vmul.f32 v19, v7;
	v22 =	vmul.f32 v19, v8  }
0x8b: {  	s9 =	simm.s32 $0x2;
	v25 =	vld.idx.msk [tilespmem:v26+s31+$0x0], $0xffff;
	v24 =	vadd.f32 v16, v27;
	v31 =	vmax.f32 v11, v17;
	v11 =	vadd.f32 v15, v14  }
0x8c: {  	v26 =	vld.idx.msk [tilespmem:v21+s31+$0x0], $0xffff;
	v15 =	vadd.s32 s9, v0;
	v17 =	vmul.f32 v19, v10;
	v16 =	vimm.f32 $0.0e+00  }
0x8d: {  	s1 =	sshrl.u32 s13, $0x1;
	s2 =	simm.s32 $0x3;
	v27 =	vld.idx.msk [tilespmem:v18+s31+$0x0], $0xffff;
	v21 =	vand.u32 $0x7F, v15;
	v15 =	vimm.f32 $0.0e+00;
	v34 =	vmul.f32 $2.000000030e-01, v24  }
.LBB2_8:
0x8e: {  	p0 =	sne.s32 s2, $0x7F;
	v35 =	vor.u32 v3, v21;
	v36 =	vld.idx.msk [tilespmem:v18+s0+$0x0], $0xffff;
	v23 =	vadd.f32 v28, v23;
	v19 =	vmul.f32 v19, v9  }
0x8f: {  	v37 =	vor.u32 v4, v21;
	v38 =	vor.u32 v5, v21;
	v18 =	vor.u32 v6, v21;
	v39 =	vld.idx.msk [tilespmem:v13+s24+$0x0], $0xffff  }
0x90: {  	v25 =	vadd.f32 v32, v25;
	v13 =	vmovc v21;
	v32 =	vadd.f32 v23, v19;
	v19 =	vmax.f32 v20, v30  }
0x91: {  	v24 =	vmax.f32 v24, v34;
	v20 =	vmul.f32 v31, v12;
	v28 =	vmul.f32 v19, v12  }
0x92: {  	v19 =	vld.idx.msk [tilespmem:v21+s22+$0x0], $0xffff;
	v21 =	vadd.f32 v25, v29;
	v25 =	vadd.f32 v33, v26;
	v26 =	vmul.f32 $2.000000030e-01, v32  }
0x93: {  	v30 =	vmul.f32 v24, v12;
	v14 =	vadd.f32 v20, v14;
	v23 =	vld.idx.msk [tilespmem:v35+s31+$0x0], $0xffff;
	v16 =	vadd.f32 v28, v16  }
0x94: {  	v28 =	vld.idx.msk [tilespmem:v35+s0+$0x0], $0xffff;
	v20 =	vadd.f32 v25, v22;
	v22 =	vadd.f32 v36, v27;
	v24 =	vmax.f32 v32, v26  }
.Ltmp2:
0x95: {  	v15 =	vadd.f32 v30, v15;
	v27 =	vmul.f32 $2.000000030e-01, v21;
	v12 =	vmovc v39;
	v25 =	vld.idx.msk [tilespmem:v37+s31+$0x0], $0xffff;
	v29 =	vmul.f32 v24, v39;
	(pc) =	sbr.rel @p0 .LBB2_8-.Ltmp2, $4  }
0x96: {  	v32 =	vld.idx.msk [tilespmem:v37+s0+$0x0], $0xffff;
	v30 =	vmul.f32 $2.000000030e-01, v20;
	v24 =	vadd.f32 v22, v17  }
0x97: {  	v31 =	vmax.f32 v21, v27;
	v26 =	vld.idx.msk [tilespmem:v38+s31+$0x0], $0xffff;
	v11 =	vadd.f32 v29, v11  }
0x98: {  	v17 =	vadd.s32 s2, v0;
	v29 =	vmul.f32 v19, v7;
	v22 =	vmul.f32 v19, v8;
	v33 =	vld.idx.msk [tilespmem:v38+s0+$0x0], $0xffff  }
0x99: {  	s2 =	sadd.s32 $0x1, s2;
	v21 =	vand.u32 $0x7F, v17;
	v17 =	vmul.f32 v19, v10;
	v34 =	vmul.f32 $2.000000030e-01, v24;
	v27 =	vld.idx.msk [tilespmem:v18+s31+$0x0], $0xffff  }
0x9a: {  	_ =	sdelay $0x1  }
0x9b: {  	v35 =	vor.u32 v3, v21;
	_ =	sdelay $0x1  }
0x9c: {  	v18 =	vld.idx.msk [tilespmem:v18+s0+$0x0], $0xffff;
	v36 =	vor.u32 v4, v21  }
0x9d: {  	v13 =	vld.idx.msk [tilespmem:v13+s24+$0x0], $0xffff  }
0x9e: {  	v37 =	vor.u32 v5, v21;
	v38 =	vld.idx.msk [tilespmem:v21+s22+$0x0], $0xffff  }
0x9f: {  	v47 =	vld.idx.msk [tilespmem:v35+s31+$0x0], $0xffff  }
0xa0: {  	v23 =	vadd.f32 v28, v23;
	v19 =	vmul.f32 v19, v9;
	v39 =	vor.u32 v6, v21;
	v35 =	vld.idx.msk [tilespmem:v35+s0+$0x0], $0xffff  }
0xa1: {  	v20 =	vmax.f32 v20, v30;
	v49 =	vmul.f32 v31, v12;
	v25 =	vadd.f32 v32, v25;
	v48 =	vld.idx.msk [tilespmem:v36+s31+$0x0], $0xffff  }
0xa2: {  	v20 =	vmul.f32 v20, v12;
	v24 =	vmax.f32 v24, v34;
	v19 =	vadd.f32 v23, v19;
	v50 =	vld.idx.msk [tilespmem:v36+s0+$0x0], $0xffff  }
0xa3: {  	v12 =	vmul.f32 v24, v12;
	v26 =	vadd.f32 v33, v26;
	v25 =	vadd.f32 v25, v29;
	v52 =	vld.idx.msk [tilespmem:v37+s31+$0x0], $0xffff  }
0xa4: {  	v14 =	vadd.f32 v49, v14;
	v16 =	vadd.f32 v20, v16;
	v51 =	vmul.f32 $2.000000030e-01, v19;
	v53 =	vld.idx.msk [tilespmem:v37+s0+$0x0], $0xffff  }
0xa5: {  	v12 =	vadd.f32 v12, v15;
	v22 =	vadd.f32 v26, v22;
	v54 =	vmul.f32 $2.000000030e-01, v25;
	v55 =	vld.idx.msk [tilespmem:v39+s31+$0x0], $0xffff  }
0xa6: {  	v18 =	vadd.f32 v18, v27;
	v15 =	vld.idx.msk [tilespmem:v39+s0+$0x0], $0xffff;
	v7 =	vmul.f32 v38, v7;
	v9 =	vmul.f32 v38, v9  }
0xa7: {  	v8 =	vmul.f32 v38, v8;
	v10 =	vmul.f32 v38, v10;
	v19 =	vmax.f32 v19, v51  }
0xa8: {  	v19 =	vmul.f32 v19, v13;
	v17 =	vadd.f32 v18, v17;
	v57 =	vmax.f32 v25, v54  }
0xa9: {  	v56 =	vmul.f32 $2.000000030e-01, v22;
	v18 =	vmul.f32 v57, v13;
	v23 =	vadd.f32 v50, v48  }
0xaa: {  	v59 =	vmul.f32 $2.000000030e-01, v17;
	v58 =	vadd.f32 v35, v47;
	v24 =	vadd.f32 v53, v52  }
0xab: {  	v60 =	vld.idx.msk [tilespmem:v21+s24+$0x0], $0xffff;
	v20 =	vmax.f32 v22, v56;
	v15 =	vadd.f32 v15, v55;
	v7 =	vadd.f32 v23, v7  }
0xac: {  	v20 =	vmul.f32 v20, v13;
	v14 =	vadd.f32 v18, v14;
	v8 =	vadd.f32 v24, v8  }
0xad: {  	v17 =	vmax.f32 v17, v59;
	v10 =	vadd.f32 v15, v10;
	v61 =	vmul.f32 $2.000000030e-01, v7  }
0xae: {  	v9 =	vadd.f32 v58, v9;
	v16 =	vadd.f32 v20, v16;
	v62 =	vmul.f32 $2.000000030e-01, v8  }
0xaf: {  	v13 =	vmul.f32 v17, v13;
	v63 =	vmul.f32 $2.000000030e-01, v10;
	v7 =	vmax.f32 v7, v61  }
0xb0: {  	v15 =	vmul.f32 $2.000000030e-01, v9;
	v8 =	vmax.f32 v8, v62;
	v7 =	vmul.f32 v7, v60  }
0xb1: {  	v12 =	vadd.f32 v13, v12;
	v10 =	vmax.f32 v10, v63;
	v8 =	vmul.f32 v8, v60  }
0xb2: {  	v9 =	vmax.f32 v9, v15;
	v10 =	vmul.f32 v10, v60;
	v7 =	vadd.f32 v7, v14  }
0xb3: {  	v11 =	vadd.f32 v19, v11;
	v9 =	vmul.f32 v9, v60;
	v8 =	vadd.f32 v8, v16  }
0xb4: {  	v10 =	vadd.f32 v10, v12;
	v7 =	vmul.f32 $1.442695020e+00, v7  }
0xb5: {  	v9 =	vadd.f32 v9, v11;
	v8 =	vmul.f32 $1.442695020e+00, v8  }
0xb6: {  	(erf) = vpow2.f32 v7;
	v7 =	vmul.f32 $1.442695020e+00, v10  }
0xb7: {  	(erf) = vpow2.f32 v8;
	v8 =	vmul.f32 $1.442695020e+00, v9  }
0xb8: {  	(erf) = vpow2.f32 v7  }
0xb9: {  	(erf) = vpow2.f32 v8;
	_ =	sdelay $0x2  }
0xba: {  	s1 =	sadd.s32 s21, s1  }
0xbb: {  	s2 =	simm.s32 $0x0;
	s1 =	sshll.u32 s1, $0x7  }
0xbc: {  	s1 =	sor.u32 s29, s1;
	v7 =	vadd.s32 s2, v0  }
0xbd: {  	p0 =	slt.u32 s1, $0x4E200;
	s6 =	sor.u32 $0x10, s1;
	v11 =	vand.u32 $0x7F, v7;
	v8 =	vpop (erf)  }
0xbe: {  	s9 =	sor.u32 $0x20, s1;
	p4 =	slt.u32 s6, $0x4E200;
	v12 =	vor.u32 v4, v11;
	v9 =	vpop (erf);
	v7 =	vpsel !p0, $0x0, v8  }
0xbf: {  	s1 =	sor.u32 $0x30, s1;
	p5 =	slt.u32 s9, $0x4E200;
	v10 =	vpop (erf);
	v8 =	vpsel !p4, $0x0, v9;
	[tilespmem:$0x1D380] =	vst v7  }
0xc0: {  	p6 =	slt.u32 s1, $0x4E200;
	v9 =	vpsel !p5, $0x0, v10;
	v10 =	vpop (erf);
	[tilespmem:$0x1D390] =	vst v8  }
0xc1: {  	v10 =	vpsel !p6, $0x0, v10;
	[tilespmem:$0x1D3A0] =	vst v9  }
0xc2: {  	[tilespmem:$0x1D3B0] =	vst v10  }
0xc3: {  	v13 =	vld.idx.msk [tilespmem:v12+s31+$0x0], $0xffff;
	_ =	sdelay $0x2  }
0xc4: {  	v14 =	vor.u32 v5, v11;
	_ =	sdelay $0x1  }
0xc5: {  	v13 =	vmul.f32 v13, v7;
	_ =	sdelay $0x1  }
0xc6: {  	[tilespmem:v12+s31+$0x0] =	vst.idx.msk $0xffff, v13  }
0xc7: {  	v12 =	vld.idx.msk [tilespmem:v14+s31+$0x0], $0xffff;
	_ =	sdelay $0x2  }
0xc8: {  	v13 =	vor.u32 v6, v11;
	_ =	sdelay $0x1  }
0xc9: {  	v12 =	vmul.f32 v12, v8;
	_ =	sdelay $0x1  }
0xca: {  	[tilespmem:v14+s31+$0x0] =	vst.idx.msk $0xffff, v12  }
0xcb: {  	v14 =	vld.idx.msk [tilespmem:v13+s31+$0x0], $0xffff;
	_ =	sdelay $0x2  }
0xcc: {  	v12 =	vor.u32 v3, v11;
	_ =	sdelay $0x1  }
0xcd: {  	v11 =	vmul.f32 v14, v9;
	_ =	sdelay $0x1  }
0xce: {  	[tilespmem:v13+s31+$0x0] =	vst.idx.msk $0xffff, v11  }
0xcf: {  	s29 =	simm.s32 $0x1;
	v14 =	vld.idx.msk [tilespmem:v12+s31+$0x0], $0xffff  }
0xd0: {  	v11 =	vadd.s32 s29, v0  }
0xd1: {  	v11 =	vand.u32 $0x7F, v11  }
0xd2: {  	v13 =	vor.u32 v4, v11;
	_ =	sdelay $0x1  }
0xd3: {  	s1 =	simm.s32 $0x2;
	v14 =	vmul.f32 v14, v10  }
.LBB2_10:
0xd4: {  	_ = 	snop  }
0xd5: {  	p0 =	sne.s32 s1, $0x7F;
	s2 =	smov.u32 s1;
	s1 =	sadd.s32 $0x1, s1;
	[tilespmem:v12+s31+$0x0] =	vst.idx.msk $0xffff, v14  }
0xd6: {  	v12 =	vld.idx.msk [tilespmem:v13+s31+$0x0], $0xffff;
	_ =	sdelay $0x3  }
0xd7: {  	v14 =	vor.u32 v5, v11;
	_ =	sdelay $0x1  }
0xd8: {  	v12 =	vmul.f32 v12, v7;
	_ =	sdelay $0x1  }
0xd9: {  	[tilespmem:v13+s31+$0x0] =	vst.idx.msk $0xffff, v12  }
0xda: {  	v12 =	vld.idx.msk [tilespmem:v14+s31+$0x0], $0xffff;
	_ =	sdelay $0x3  }
0xdb: {  	v13 =	vor.u32 v6, v11;
	_ =	sdelay $0x1  }
0xdc: {  	v12 =	vmul.f32 v12, v8;
	_ =	sdelay $0x1  }
0xdd: {  	[tilespmem:v14+s31+$0x0] =	vst.idx.msk $0xffff, v12  }
0xde: {  	v14 =	vld.idx.msk [tilespmem:v13+s31+$0x0], $0xffff;
	_ =	sdelay $0x3  }
0xdf: {  	v12 =	vor.u32 v3, v11;
	_ =	sdelay $0x1  }
0xe0: {  	v11 =	vmul.f32 v14, v9;
	_ =	sdelay $0x1  }
0xe1: {  	[tilespmem:v13+s31+$0x0] =	vst.idx.msk $0xffff, v11  }
0xe2: {  	v14 =	vld.idx.msk [tilespmem:v12+s31+$0x0], $0xffff;
	_ =	sdelay $0x1  }
.Ltmp3:
0xe3: {  	v11 =	vadd.s32 s2, v0;
	(pc) =	sbr.rel @p0 .LBB2_10-.Ltmp3, $3  }
0xe4: {  	v11 =	vand.u32 $0x7F, v11  }
0xe5: {  	v13 =	vor.u32 v4, v11;
	_ =	sdelay $0x1  }
0xe6: {  	v14 =	vmul.f32 v14, v10  }
0xe7: {  	_ =	sdelay $0x3  }
0xe8: {  	[tilespmem:v12+s31+$0x0] =	vst.idx.msk $0xffff, v14  }
0xe9: {  	v4 =	vld.idx.msk [tilespmem:v13+s31+$0x0], $0xffff;
	_ =	sdelay $0x2  }
0xea: {  	v5 =	vor.u32 v5, v11;
	_ =	sdelay $0x1  }
0xeb: {  	v4 =	vmul.f32 v4, v7;
	_ =	sdelay $0x1  }
0xec: {  	[tilespmem:v13+s31+$0x0] =	vst.idx.msk $0xffff, v4  }
0xed: {  	v4 =	vld.idx.msk [tilespmem:v5+s31+$0x0], $0xffff;
	_ =	sdelay $0x2  }
0xee: {  	v6 =	vor.u32 v6, v11;
	_ =	sdelay $0x1  }
0xef: {  	v4 =	vmul.f32 v4, v8;
	_ =	sdelay $0x1  }
0xf0: {  	[tilespmem:v5+s31+$0x0] =	vst.idx.msk $0xffff, v4  }
0xf1: {  	v4 =	vld.idx.msk [tilespmem:v6+s31+$0x0], $0xffff;
	_ =	sdelay $0x2  }
0xf2: {  	v3 =	vor.u32 v3, v11;
	_ =	sdelay $0x1  }
0xf3: {  	v4 =	vmul.f32 v4, v9;
	_ =	sdelay $0x1  }
0xf4: {  	[tilespmem:v6+s31+$0x0] =	vst.idx.msk $0xffff, v4  }
0xf5: {  	v4 =	vld.idx.msk [tilespmem:v3+s31+$0x0], $0xffff;
	_ =	sdelay $0x4  }
0xf6: {  	s1 =	sshll.u32 s13, $0x7;
	v4 =	vmul.f32 v4, v10  }
0xf7: {  	s2 =	sshll.u32 s17, $0xD;
	s1 =	sand.u32 $0x3FFFFF80, s1  }
0xf8: {  	s2 =	sor.u32 $0x15380, s2;
	s1 =	sadd.s32 $0x14680, s1;
	[tilespmem:v3+s31+$0x0] =	vst.idx.msk $0xffff, v4  }
0xf9: {  	[spmem:s3] =	stream.indirect.scatter.add.f32 [tilespmem:s2], [sflag:$0x2], $0x80, s1, s15, $0xb8;
	[tilespmem:$0x1D800] =	vst v63  }
0xfa: {  	s13 =	sadd.s32 $0x1, s13;
	_ =	swait.ge [sflag:s23], $0x2000  }
0xfb: {  	p0 =	sne.s32 s13, $0x10;
	[sflag:s23] =	ssyncset.done $0x0  }
.Ltmp4:
0xfc: {  	[sflag:s23] =	ssyncadd.s32 $0xFFFFE000;
	(pc) =	sbr.rel @p0 .LBB2_7-.Ltmp4, $4  }
0xfd: {  	[spmem:s4] =	stream.indirect.scatter.add.f32 [tilespmem:s16], [sflag:$0x2], $0x1, s1, s15, $0xb8;
	[tilespmem:$0x1D800] =	vst v63  }
0xfe: {  	_ =	swait.ge [sflag:s23], $0x40  }
0xff: {  	[sflag:s23] =	ssyncset.done $0x0  }
0x100: {  	[sflag:s23] =	ssyncadd.s32 $0xFFFFFFC0  }
0x101: {  	s20 =	sadd.s32 $0x1, s20  }
0x102: {  	p0 =	sne.s32 s20, $0xA  }
.Ltmp5:
0x103: {  	_ = 	snop;
	(pc) =	sbr.rel @p0 .LBB2_6-.Ltmp5, $1  }
0x104: {  	_ =	sdelay $0x3  }
0x105: {  	s1 =	stileid.u32  }
0x106: {  	[bflag:$0x0] =	sbarrier.arrive $0xFFFF;
	s1 =	sshll.u32 s1, $0x6  }
0x107: {  	s2 =	sshrl.u32 s12, $0x3;
	s5 =	rddreg [dreg:$0xc];
	s1 =	sor.u32 $0x1C02, s1  }
0x108: {  	[hbm:s5], [sflag:s1] =	dma.local [spmem:s2], $0x2780  }
0x109: {  	_ =	swait.ge [sflag:s23], $0x2780  }
0x10a: {  	[sflag:s23] =	ssyncset.done $0x0;
	s19 =	rddreg [dreg:$0x7]  }
0x10b: {  	s20 =	rddreg [dreg:$0xd];
	[sflag:s23] =	ssyncadd.s32 $0xFFFFD880;
	s17 =	sshrl.u32 s19, $0x3  }
0x10c: {  	[hbm:s20], [sflag:s1] =	dma.local [spmem:s17], $0x50  }
0x10d: {  	_ =	swait.ge [sflag:s23], $0x50  }
0x10e: {  	s21 =	rddreg [dreg:$0xf]  }
0x10f: {  	s29 =	rddreg [dreg:$0xe];
	s2 =	sadd.s32 $0x1, s21  }
0x110: {  	p0 =	sne.s32 s2, s29  }
.Ltmp6:
0x111: {  	_ = 	snop;
	(pc) =	sbr.rel @p0 .LBB2_1-.Ltmp6, $3  }
0x112: {  	_ =	sdelay $0x1  }
0x113: {  	[sflag:s23] =	ssyncset.done $0x0  }
0x114: {  	[sflag:s23] =	ssyncadd.s32 $0xFFFFFFB0  }
0x115: {  	_ =	sfence.sel $0x180000  }
0x116: {  	[bflag:$0x0] =	sbarrier.arrive $0xFFFF  }
0x117: {  	_ =	strace $0x90000047  }
0x118: {  	s0 =	stileid.u32;
	[bflag:$0x2] =	sbarrier.arrive $0xFFFF  }
0x119: {  	p0 =	sne.s32 s0, $0x0;
	s0 =	rddreg [dreg:$0x5]  }
0x11a: {  	s0 =	sadd.s32 @!p0 $0x100000, s0  }
0x11b: {  	[sflag:s0] =	ssyncadd.tile.s32 @!p0 $0x1;
	_ =	shalt  }
.Lfunc_end2:
_tile_overlayer_lowered:
.L_overlay_start_2:
0x11c: {  	(tag) =	ssettag $0x2  }
0x11d: {  	s0 =	rddreg [dreg:$0x0];
	s2 =	stileid.u32  }
0x11e: {  	s1 =	rddreg [dreg:$0x1];
	p0 =	sne.s32 s2, $0x0  }
0x11f: {  	s3 =	rddreg [dreg:$0x2];
	[bflag:$0x3] =	sbarrier.arrive $0xFFFF;
	s2 =	simm.s32 @!p0 $0x1C02  }
0x120: {  	[timem:s3], [sflag:s2] =	dma.local @!p0 [hbm:s0], s1  }
0x121: {  	s0 =	simm.s32 @!p0 $0x2  }
0x122: {  	_ =	swait.ge @!p0 [sflag:s0], s1  }
0x123: {  	s1 =	ssub.s32 @!p0 $0x0, s1;
	[sflag:s0] =	ssyncset.done @!p0 $0x0  }
0x124: {  	[sflag:s0] =	ssyncadd.s32 @!p0 s1  }
0x125: {  	[bflag:$0x3] =	sbarrier.arrive $0xFFFF  }
0x126: {  	_ =	shalt  }

</sc_bundles>
